<compile_context>
chip_gen: v7x
topology: tpu7x:2x2x1
jax: 0.10.2.dev20260603
libtpu: 0.0.44.dev20260713+nightly
codegen_flags: <defaults>
</compile_context>

<pallas_src>
import functools
import jax
import jax.numpy as jnp
from jax import lax
from jax.experimental import pallas as pl
from jax.experimental.pallas import tpu as pltpu
from jax.experimental.pallas import tpu_sc as plsc

N = 10000
E = 320000
D_H = 128
D_OUT = 64
BETA = 0.1

NC = 2
NS = 16
NW = NC * NS
CHUNK = 128
FULL = 78
EXTRA_BASE = NW * FULL * CHUNK
EPT = E // NW
NPAD = 10240
STRIPE = NPAD // NS

_sc_params = pltpu.CompilerParams(needs_layout_passes=False)


@functools.cache
def _sc_mesh():
    return plsc.VectorSubcoreMesh(core_axis_name="c", subcore_axis_name="s",
                                  num_cores=NC, num_subcores=NS)




def _deg_body(dst_hbm, out_hbm, dstv, hist):
    cid = lax.axis_index("c")
    sid = lax.axis_index("s")
    wid = sid * NC + cid

    z16 = jnp.zeros((16,), jnp.float32)

    def zero_row(i, _):
        hist[pl.ds(i * 16, 16)] = z16
        return 0

    lax.fori_loop(0, NPAD // 16, zero_row, 0)

    pltpu.sync_copy(dst_hbm.at[pl.ds(wid * EPT, EPT)], dstv)

    ones = jnp.full((16,), 1.0, jnp.float32)

    def count(i, _):
        d = dstv[pl.ds(i * 16, 16)]
        plsc.addupdate_scatter(hist, [d], ones)
        return 0

    lax.fori_loop(0, EPT // 16, count, 0)
    pltpu.sync_copy(hist, out_hbm.at[wid])


def _deg_partials(dst):
    return pl.kernel(
        _deg_body,
        out_type=jax.ShapeDtypeStruct((NW, NPAD), jnp.float32),
        mesh=_sc_mesh(),
        scratch_types=[
            pltpu.VMEM((EPT,), jnp.int32),
            pltpu.VMEM((NPAD,), jnp.float32),
        ],
        compiler_params=_sc_params,
    )(dst)




def _scatter_body(y_hbm, src_hbm, dst_hbm, out_hbm,
                  ssm, dsm, rows, isem, gsem, acc):
    cid = lax.axis_index("c")
    sid = lax.axis_index("s")
    wid = sid * NC + cid
    base = wid * (FULL * CHUNK)

    def idx_start(c, ib):
        off = base + c * CHUNK
        pltpu.async_copy(src_hbm.at[pl.ds(off, CHUNK)], ssm[ib], isem[ib])
        pltpu.async_copy(dst_hbm.at[pl.ds(off, CHUNK)], dsm[ib], isem[ib])

    def idx_wait(c, ib):
        off = base + c * CHUNK
        pltpu.make_async_copy(src_hbm.at[pl.ds(off, CHUNK)], ssm[ib],
                              isem[ib]).wait()
        pltpu.make_async_copy(dst_hbm.at[pl.ds(off, CHUNK)], dsm[ib],
                              isem[ib]).wait()

    def gather_start(ib, rb):
        pltpu.async_copy(y_hbm.at[ssm[ib]], rows[rb], gsem[rb])

    def gather_wait(ib, rb):
        pltpu.make_async_copy(y_hbm.at[ssm[ib]], rows[rb], gsem[rb]).wait()

    idx_start(0, 0)
    idx_start(1, 1)

    z16 = jnp.zeros((16,), jnp.float32)

    def zero_row(i, _):
        for t in range(D_H // 16):
            rows[0][i, pl.ds(t * 16, 16)] = z16
        return 0

    lax.fori_loop(0, CHUNK, zero_row, 0)
    for k in range(STRIPE // CHUNK):
        pltpu.sync_copy(rows[0], acc.at[pl.ds(sid * STRIPE + k * CHUNK,
                                              CHUNK)])

    idx_wait(0, 0)
    gather_start(0, 0)
    plsc.subcore_barrier()

    def body(j, _):
        c0 = 6 * j
        for b in range(6):
            c = c0 + b
            ib, ib1, ib2 = b % 3, (b + 1) % 3, (b + 2) % 3
            rb, rb1 = b % 2, (b + 1) % 2

            @pl.when(c + 2 < FULL)
            def _():
                idx_start(c + 2, ib2)

            @pl.when(c + 1 < FULL)
            def _():
                idx_wait(c + 1, ib1)
                gather_start(ib1, rb1)

            gather_wait(ib, rb)
            pltpu.sync_copy(rows[rb], acc.at[dsm[ib]], add=True)
        return 0

    lax.fori_loop(0, FULL // 6, body, 0)

    @pl.when(wid < 4)
    def _():
        ebase = EXTRA_BASE + wid * CHUNK
        pltpu.sync_copy(src_hbm.at[pl.ds(ebase, CHUNK)], ssm[0])
        pltpu.async_copy(y_hbm.at[ssm[0]], rows[0], gsem[0]).wait()
        pltpu.sync_copy(dst_hbm.at[pl.ds(ebase, CHUNK)], dsm[0])
        pltpu.sync_copy(rows[0], acc.at[dsm[0]], add=True)

    plsc.subcore_barrier()
    pltpu.sync_copy(acc.at[pl.ds(sid * STRIPE, STRIPE)],
                    out_hbm.at[cid, pl.ds(sid * STRIPE, STRIPE)])


def _edge_scatter(y, src, dst):
    return pl.kernel(
        _scatter_body,
        out_type=jax.ShapeDtypeStruct((NC, NPAD, D_H), jnp.float32),
        mesh=_sc_mesh(),
        scratch_types=[
            [pltpu.VMEM((CHUNK,), jnp.int32) for _ in range(3)],
            [pltpu.VMEM((CHUNK,), jnp.int32) for _ in range(3)],
            [pltpu.VMEM((CHUNK, D_H), jnp.float32) for _ in range(2)],
            [pltpu.SemaphoreType.DMA for _ in range(3)],
            [pltpu.SemaphoreType.DMA for _ in range(2)],
            pltpu.VMEM_SHARED((NPAD, D_H), jnp.float32),
        ],
        compiler_params=_sc_params,
    )(y, src, dst)



BLK = 2560
GRID = NPAD // BLK


def _norm_accum(h, hn_ref, hth_ref):
    nrm = jnp.sqrt(jnp.sum(h * h, axis=1, keepdims=True))
    hn = h / (nrm + 1e-12)
    hn_ref[...] = hn
    hth = lax.dot_general(hn, hn, (((0,), (0,)), ((), ())),
                          preferred_element_type=jnp.float32)

    @pl.when(pl.program_id(0) == 0)
    def _():
        hth_ref[...] = jnp.zeros_like(hth_ref)

    hth_ref[...] += hth


def _y1_body(degp_ref, h_ref, w_ref, dinv_ref, y_ref, hn_ref, hth_ref):
    deg = jnp.sum(degp_ref[...], axis=0, keepdims=True) + 1.0
    dinv = lax.rsqrt(deg).T
    dinv_ref[...] = dinv
    h = h_ref[...]
    y_ref[...] = jnp.dot(h, w_ref[...],
                         preferred_element_type=jnp.float32) * dinv
    _norm_accum(h, hn_ref, hth_ref)


def _layer_y1(degp, h, W):
    return pl.pallas_call(
        _y1_body,
        grid=(GRID,),
        in_specs=[
            pl.BlockSpec((NW, BLK), lambda i: (0, i)),
            pl.BlockSpec((BLK, D_H), lambda i: (i, 0)),
            pl.BlockSpec((D_H, D_H), lambda i: (0, 0)),
        ],
        out_specs=[
            pl.BlockSpec((BLK, 1), lambda i: (i, 0)),
            pl.BlockSpec((BLK, D_H), lambda i: (i, 0)),
            pl.BlockSpec((BLK, D_H), lambda i: (i, 0)),
            pl.BlockSpec((D_H, D_H), lambda i: (0, 0)),
        ],
        out_shape=[
            jax.ShapeDtypeStruct((NPAD, 1), jnp.float32),
            jax.ShapeDtypeStruct((NPAD, D_H), jnp.float32),
            jax.ShapeDtypeStruct((NPAD, D_H), jnp.float32),
            jax.ShapeDtypeStruct((D_H, D_H), jnp.float32),
        ],
    )(degp, h, W)


def _post_h(s0, s1, y, dinv, hn, hth, wv, b, mask):
    m = jnp.dot(hth[...], wv[...],
                preferred_element_type=jnp.float32) * (BETA / N)
    z = ((s0[...] + s1[...] + y[...]) * dinv[...]
         + jnp.dot(hn[...], m, preferred_element_type=jnp.float32)
         + b[...])
    z = jnp.maximum(z, 0.0)
    nrm = jnp.sqrt(jnp.sum(z * z, axis=1, keepdims=True))
    return (z / (nrm + 1e-12)) * mask[...]


def _post_mid_body(s0, s1, y, dinv, hn, hth, wv, b, mask, w2,
                   y2_ref, hn2_ref, hth2_ref):
    h = _post_h(s0, s1, y, dinv, hn, hth, wv, b, mask)
    y2_ref[...] = jnp.dot(h, w2[...],
                          preferred_element_type=jnp.float32) * dinv[...]
    _norm_accum(h, hn2_ref, hth2_ref)


def _post_final_body(s0, s1, y, dinv, hn, hth, wv, b, mask, wc, bc, o_ref):
    h = _post_h(s0, s1, y, dinv, hn, hth, wv, b, mask)
    o_ref[...] = jnp.dot(h, wc[...],
                         preferred_element_type=jnp.float32) + bc[...]


def _layer_post(Sp, y, dinv, hn, hth, WV, b, mask, final=None, mid=None):
    row = lambda: pl.BlockSpec((BLK, D_H), lambda i: (i, 0))
    sq = pl.BlockSpec((D_H, D_H), lambda i: (0, 0))
    col = pl.BlockSpec((BLK, 1), lambda i: (i, 0))
    in_specs = [row(), row(), row(), col, row(), sq, sq,
                pl.BlockSpec((1, D_H), lambda i: (0, 0)), col]
    args = [Sp[0], Sp[1], y, dinv, hn, hth, WV, b.reshape(1, D_H), mask]
    if mid is not None:
        body = _post_mid_body
        in_specs += [sq]
        args += [mid]
        out_spec = [row(), row(), sq]
        out_shape = [jax.ShapeDtypeStruct((NPAD, D_H), jnp.float32),
                     jax.ShapeDtypeStruct((NPAD, D_H), jnp.float32),
                     jax.ShapeDtypeStruct((D_H, D_H), jnp.float32)]
    else:
        Wc, bc = final
        body = _post_final_body
        in_specs += [pl.BlockSpec((D_H, D_OUT), lambda i: (0, 0)),
                     pl.BlockSpec((1, D_OUT), lambda i: (0, 0))]
        args += [Wc, bc.reshape(1, D_OUT)]
        out_spec = pl.BlockSpec((BLK, D_OUT), lambda i: (i, 0))
        out_shape = jax.ShapeDtypeStruct((NPAD, D_OUT), jnp.float32)
    return pl.pallas_call(
        body,
        grid=(GRID,),
        in_specs=in_specs,
        out_specs=out_spec,
        out_shape=out_shape,
    )(*args)


def kernel(x, edge_index, W1, b1, WV1, W2, b2, WV2, Wc, bc):
    src = edge_index[0].astype(jnp.int32)
    dst = edge_index[1].astype(jnp.int32)

    degp = _deg_partials(dst)
    mask = (jnp.arange(NPAD) < N).astype(jnp.float32)[:, None]

    h = jnp.zeros((NPAD, D_H), jnp.float32).at[:N].set(x)

    dinv, y, hn, hth = _layer_y1(degp, h, W1)
    Sp = _edge_scatter(y, src, dst)
    y, hn, hth = _layer_post(Sp, y, dinv, hn, hth, WV1, b1, mask, mid=W2)

    Sp = _edge_scatter(y, src, dst)
    outp = _layer_post(Sp, y, dinv, hn, hth, WV2, b2, mask, final=(Wc, bc))

    out = outp[:N]
    qel = jnp.array(0.0, dtype=jnp.float32)
    return (out, qel)

# --- scband reference (transcript-rebuilt; emitter-appended) ---
"""Pipeline reference for scband-qgnn-59081570124079 (READ-ONLY COPY).

The authoritative reference and input builder live on the scoring server;
editing this copy changes nothing except your own understanding.
"""

import jax, jax.numpy as jnp
import numpy as np

N = 10000
E = 320000
D_IN = 128
D_H = 128
D_OUT = 64
BETA = 0.1


def _l2_normalize_rows(h):
    nrm = jnp.linalg.norm(h, axis=1, keepdims=True)
    return h / (nrm + 1e-12)


def _gcn(x, edge_index, W, b):
    n = x.shape[0]
    loops = jnp.arange(n, dtype=edge_index.dtype)
    src = jnp.concatenate([edge_index[0], loops])
    dst = jnp.concatenate([edge_index[1], loops])
    deg = jnp.zeros((n,), jnp.float32).at[dst].add(1.0)
    dinv = jnp.where(deg > 0, 1.0 / jnp.sqrt(deg), 0.0)
    norm = dinv[src] * dinv[dst]
    xw = x @ W
    msg = jnp.take(xw, src, axis=0) * norm[:, None]
    agg = jnp.zeros((n, W.shape[1]), xw.dtype).at[dst].add(msg)
    return agg + b


def _qgnn_layer(x, edge_index, W_gcn, b_gcn, W_V, beta):
    z_local = _gcn(x, edge_index, W_gcn, b_gcn)
    n = x.shape[0]
    H_norm = _l2_normalize_rows(x)
    HtH = H_norm.T @ H_norm
    global_feat = H_norm @ HtH
    z_global = beta * (1.0 / n) * (global_feat @ W_V)
    out = jax.nn.relu(z_local + z_global)
    return _l2_normalize_rows(out)


def setup_inputs(seed: int = 0) -> dict:
    key = jax.random.key(seed)
    ks = jax.random.split(key, 10)
    x = jax.random.normal(ks[0], (N, D_IN), dtype=jnp.float32)
    edge_index = jax.random.randint(ks[1], (2, E), 0, N, dtype=jnp.int64)
    W1 = jax.random.normal(ks[2], (D_IN, D_H), dtype=jnp.float32) * 0.05
    b1 = jnp.zeros((D_H,), jnp.float32)
    WV1 = jax.random.normal(ks[3], (D_IN, D_H), dtype=jnp.float32) * 0.05
    W2 = jax.random.normal(ks[4], (D_H, D_H), dtype=jnp.float32) * 0.05
    b2 = jnp.zeros((D_H,), jnp.float32)
    WV2 = jax.random.normal(ks[5], (D_H, D_H), dtype=jnp.float32) * 0.05
    Wc = jax.random.normal(ks[6], (D_H, D_OUT), dtype=jnp.float32) * 0.05
    bc = jnp.zeros((D_OUT,), jnp.float32)
    return {"x": x, "edge_index": edge_index, "W1": W1, "b1": b1, "WV1": WV1,
            "W2": W2, "b2": b2, "WV2": WV2, "Wc": Wc, "bc": bc}


def reference(x, edge_index, W1, b1, WV1, W2, b2, WV2, Wc, bc):
    # eval mode: dropout disabled, qel = 0.0
    h = _qgnn_layer(x, edge_index, W1, b1, WV1, BETA)
    h = _qgnn_layer(h, edge_index, W2, b2, WV2, BETA)
    out = h @ Wc + bc
    qel = jnp.array(0.0, dtype=jnp.float32)
    return (out, qel)

if __name__ == "__main__":
    import jax
    _d = setup_inputs()
    print(jax.jit(kernel)(*tuple(_d.values())))

</pallas_src>

<mosaic_0001>
#map = affine_map<(d0, d1) -> (0)>
#map1 = affine_map<(d0, d1) -> (0, 0)>
module attributes {stable_mosaic.version = 14 : i64} {
  func.func @_deg_body(%arg0: i32, %arg1: i32, %arg2: memref<320000xi32, #tpu.memory_space<hbm>>, %arg3: memref<32x10240xf32, #tpu.memory_space<hbm>>, %arg4: memref<10000xi32, #tpu.memory_space<vmem>>, %arg5: memref<10240xf32, #tpu.memory_space<vmem>>) attributes {dimension_semantics = [#tpu.dimension_semantics<core_parallel>, #tpu.dimension_semantics<subcore_parallel>], iteration_bounds = array<i64: 2, 16>, scalar_prefetch = 0 : i64, scratch_operands = 2 : i64, tpu.core_type = #tpu.core_type<sc_vector_subcore>, window_params = [{transform_indices = #map}, {transform_indices = #map1}]} {
    %mul3A = arith.constant 2 : i32
    %mul3A_0 = arith.muli %arg1, %mul3A : i32
    %add3A = arith.addi %mul3A_0, %arg0 : i32
    %broadcast_in_dim3A = arith.constant 0.000000e+00 : f32
    %broadcast_in_dim3A_1 = vector.broadcast %broadcast_in_dim3A : f32 to vector<16xf32>
    %scan3A = arith.constant 0 : i32
    %scan3A_2 = arith.constant 0 : i32
    %scan3A_3 = arith.constant 640 : i32
    %scan3A_4 = arith.addi %scan3A_2, %scan3A_3 : i32
    %scan3A_5 = arith.constant 1 : i32
    %scan3A_6 = scf.for %scan3A_19 = %scan3A_2 to %scan3A_4 step %scan3A_5 iter_args(%scan3A_20 = %scan3A) -> (i32)  : i32 {
      %mul3A_21 = arith.constant 16 : i32
      %mul3A_22 = arith.muli %scan3A_19, %mul3A_21 : i32
      %swap3A = arith.index_cast %mul3A_22 : i32 to index
      %swap3A_23 = tpu.vector_load %arg5[%swap3A] {strides = array<i32>} : memref<10240xf32, #tpu.memory_space<vmem>>, vector<16xf32>,
      tpu.vector_store %arg5[%swap3A], %broadcast_in_dim3A_1 {strides = array<i32>} : memref<10240xf32, #tpu.memory_space<vmem>>, vector<16xf32>,
      %scan3A_24 = arith.constant 0 : i32
      scf.yield %scan3A_24 : i32
    }
    %scan3A_7 = arith.constant 640 : i32
    %mul3A_8 = arith.constant 10000 : i32
    %mul3A_9 = arith.muli %add3A, %mul3A_8 : i32
    "tpu.region"() ({
      %run_scoped3A = tpu.sem_alloc : memref<!tpu.dma_semaphore, #tpu.memory_space<semaphore_mem>>
      %dma_start3A = tpu.memref_slice %arg2[%mul3A_9] : memref<320000xi32, #tpu.memory_space<hbm>> -> memref<10000xi32, #tpu.memory_space<hbm>>
      %dma_start3A_19 = tpu.memref_slice %arg2[%mul3A_9] : memref<320000xi32, #tpu.memory_space<hbm>> -> memref<10000xi32, #tpu.memory_space<hbm>>
      tpu.enqueue_dma source(%dma_start3A_19 : memref<10000xi32, #tpu.memory_space<hbm>>) target(%arg4 : memref<10000xi32, #tpu.memory_space<vmem>>) target_semaphore(%run_scoped3A : memref<!tpu.dma_semaphore, #tpu.memory_space<semaphore_mem>>)
      %dma_wait3A = tpu.memref_slice %arg2[%mul3A_9] : memref<320000xi32, #tpu.memory_space<hbm>> -> memref<10000xi32, #tpu.memory_space<hbm>>
      %dma_wait3A_20 = tpu.memref_slice %arg2[%mul3A_9] : memref<320000xi32, #tpu.memory_space<hbm>> -> memref<10000xi32, #tpu.memory_space<hbm>>
      tpu.wait_dma2 semaphore(%run_scoped3A : memref<!tpu.dma_semaphore, #tpu.memory_space<semaphore_mem>>) src(%dma_wait3A_20 : memref<10000xi32, #tpu.memory_space<hbm>>) dst(%arg4 : memref<10000xi32, #tpu.memory_space<vmem>>)
      tpu.yield
    }) : () -> ()
    %broadcast_in_dim3A_10 = arith.constant 1.000000e+00 : f32
    %broadcast_in_dim3A_11 = vector.broadcast %broadcast_in_dim3A_10 : f32 to vector<16xf32>
    %scan3A_12 = arith.constant 0 : i32
    %scan3A_13 = arith.constant 0 : i32
    %scan3A_14 = arith.constant 625 : i32
    %scan3A_15 = arith.addi %scan3A_13, %scan3A_14 : i32
    %scan3A_16 = arith.constant 1 : i32
    %scan3A_17 = scf.for %scan3A_19 = %scan3A_13 to %scan3A_15 step %scan3A_16 iter_args(%scan3A_20 = %scan3A_12) -> (i32)  : i32 {
      %mul3A_21 = arith.constant 16 : i32
      %mul3A_22 = arith.muli %scan3A_19, %mul3A_21 : i32
      %get3A = arith.index_cast %mul3A_22 : i32 to index
      %get3A_23 = tpu.vector_load %arg4[%get3A] {strides = array<i32>} : memref<10000xi32, #tpu.memory_space<vmem>>, vector<16xi32>,
      tpu.vector_store_idx %arg5[%get3A_23], %broadcast_in_dim3A_11 {add = true} : memref<10240xf32, #tpu.memory_space<vmem>>[vector<16xi32>], vector<16xf32>,
      %scan3A_24 = arith.constant 0 : i32
      scf.yield %scan3A_24 : i32
    }
    %scan3A_18 = arith.constant 625 : i32
    "tpu.region"() ({
      %run_scoped3A = tpu.sem_alloc : memref<!tpu.dma_semaphore, #tpu.memory_space<semaphore_mem>>
      %dma_start3A = arith.constant 0 : i32
      %dma_start3A_19 = tpu.memref_slice %arg3[%add3A, %dma_start3A] : memref<32x10240xf32, #tpu.memory_space<hbm>> -> memref<1x10240xf32, #tpu.memory_space<hbm>>
      %dma_start3A_20 = tpu.memref_squeeze %dma_start3A_19 : memref<1x10240xf32, #tpu.memory_space<hbm>> -> memref<10240xf32, #tpu.memory_space<hbm>>
      %dma_start3A_21 = arith.constant 0 : i32
      %dma_start3A_22 = tpu.memref_slice %arg3[%add3A, %dma_start3A_21] : memref<32x10240xf32, #tpu.memory_space<hbm>> -> memref<1x10240xf32, #tpu.memory_space<hbm>>
      %dma_start3A_23 = tpu.memref_squeeze %dma_start3A_22 : memref<1x10240xf32, #tpu.memory_space<hbm>> -> memref<10240xf32, #tpu.memory_space<hbm>>
      tpu.enqueue_dma source(%arg5 : memref<10240xf32, #tpu.memory_space<vmem>>) target(%dma_start3A_23 : memref<10240xf32, #tpu.memory_space<hbm>>) target_semaphore(%run_scoped3A : memref<!tpu.dma_semaphore, #tpu.memory_space<semaphore_mem>>)
      %dma_wait3A = arith.constant 0 : i32
      %dma_wait3A_24 = tpu.memref_slice %arg3[%add3A, %dma_wait3A] : memref<32x10240xf32, #tpu.memory_space<hbm>> -> memref<1x10240xf32, #tpu.memory_space<hbm>>
      %dma_wait3A_25 = tpu.memref_squeeze %dma_wait3A_24 : memref<1x10240xf32, #tpu.memory_space<hbm>> -> memref<10240xf32, #tpu.memory_space<hbm>>
      %dma_wait3A_26 = arith.constant 0 : i32
      %dma_wait3A_27 = tpu.memref_slice %arg3[%add3A, %dma_wait3A_26] : memref<32x10240xf32, #tpu.memory_space<hbm>> -> memref<1x10240xf32, #tpu.memory_space<hbm>>
      %dma_wait3A_28 = tpu.memref_squeeze %dma_wait3A_27 : memref<1x10240xf32, #tpu.memory_space<hbm>> -> memref<10240xf32, #tpu.memory_space<hbm>>
      tpu.wait_dma2 semaphore(%run_scoped3A : memref<!tpu.dma_semaphore, #tpu.memory_space<semaphore_mem>>) src(%arg5 : memref<10240xf32, #tpu.memory_space<vmem>>) dst(%dma_wait3A_28 : memref<10240xf32, #tpu.memory_space<hbm>>)
      tpu.yield
    }) : () -> ()
    return
  }
}

#map = affine_map<(d0, d1) -> (0, 0)>
#map1 = affine_map<(d0, d1) -> (0)>
#map2 = affine_map<(d0, d1) -> (0, 0, 0)>
module attributes {stable_mosaic.version = 14 : i64} {
  func.func @_scatter_body(%arg0: i32, %arg1: i32, %arg2: memref<10240x128xf32, #tpu.memory_space<hbm>>, %arg3: memref<320000xi32, #tpu.memory_space<hbm>>, %arg4: memref<320000xi32, #tpu.memory_space<hbm>>, %arg5: memref<2x10240x128xf32, #tpu.memory_space<hbm>>, %arg6: memref<128xi32, #tpu.memory_space<vmem>>, %arg7: memref<128xi32, #tpu.memory_space<vmem>>, %arg8: memref<128xi32, #tpu.memory_space<vmem>>, %arg9: memref<128xi32, #tpu.memory_space<vmem>>, %arg10: memref<128xi32, #tpu.memory_space<vmem>>, %arg11: memref<128xi32, #tpu.memory_space<vmem>>, %arg12: memref<128x128xf32, #tpu.memory_space<vmem>>, %arg13: memref<128x128xf32, #tpu.memory_space<vmem>>, %arg14: memref<!tpu.dma_semaphore, #tpu.memory_space<semaphore_mem>>, %arg15: memref<!tpu.dma_semaphore, #tpu.memory_space<semaphore_mem>>, %arg16: memref<!tpu.dma_semaphore, #tpu.memory_space<semaphore_mem>>, %arg17: memref<!tpu.dma_semaphore, #tpu.memory_space<semaphore_mem>>, %arg18: memref<!tpu.dma_semaphore, #tpu.memory_space<semaphore_mem>>, %arg19: memref<10240x128xf32, #tpu.memory_space<vmem_shared>>) attributes {dimension_semantics = [#tpu.dimension_semantics<core_parallel>, #tpu.dimension_semantics<subcore_parallel>], iteration_bounds = array<i64: 2, 16>, scalar_prefetch = 0 : i64, scratch_operands = 14 : i64, tpu.core_type = #tpu.core_type<sc_vector_subcore>, window_params = [{transform_indices = #map}, {transform_indices = #map1}, {transform_indices = #map1}, {transform_indices = #map2}]} {
    %mul3A = arith.constant 2 : i32
    %mul3A_0 = arith.muli %arg1, %mul3A : i32
    %add3A = arith.addi %mul3A_0, %arg0 : i32
    %mul3A_1 = arith.constant 9984 : i32
    %mul3A_2 = arith.muli %add3A, %mul3A_1 : i32
    %add3A_3 = arith.constant 0 : i32
    %add3A_4 = arith.addi %mul3A_2, %add3A_3 : i32
    %dma_start3A = tpu.memref_slice %arg3[%add3A_4] : memref<320000xi32, #tpu.memory_space<hbm>> -> memref<128xi32, #tpu.memory_space<hbm>>
    %dma_start3A_5 = tpu.memref_slice %arg3[%add3A_4] : memref<320000xi32, #tpu.memory_space<hbm>> -> memref<128xi32, #tpu.memory_space<hbm>>
    tpu.enqueue_dma source(%dma_start3A_5 : memref<128xi32, #tpu.memory_space<hbm>>) target(%arg6 : memref<128xi32, #tpu.memory_space<vmem>>) target_semaphore(%arg14 : memref<!tpu.dma_semaphore, #tpu.memory_space<semaphore_mem>>)
    %dma_start3A_6 = tpu.memref_slice %arg4[%add3A_4] : memref<320000xi32, #tpu.memory_space<hbm>> -> memref<128xi32, #tpu.memory_space<hbm>>
    %dma_start3A_7 = tpu.memref_slice %arg4[%add3A_4] : memref<320000xi32, #tpu.memory_space<hbm>> -> memref<128xi32, #tpu.memory_space<hbm>>
    tpu.enqueue_dma source(%dma_start3A_7 : memref<128xi32, #tpu.memory_space<hbm>>) target(%arg9 : memref<128xi32, #tpu.memory_space<vmem>>) target_semaphore(%arg14 : memref<!tpu.dma_semaphore, #tpu.memory_space<semaphore_mem>>)
    %add3A_8 = arith.constant 128 : i32
    %add3A_9 = arith.addi %mul3A_2, %add3A_8 : i32
    %dma_start3A_10 = tpu.memref_slice %arg3[%add3A_9] : memref<320000xi32, #tpu.memory_space<hbm>> -> memref<128xi32, #tpu.memory_space<hbm>>
    %dma_start3A_11 = tpu.memref_slice %arg3[%add3A_9] : memref<320000xi32, #tpu.memory_space<hbm>> -> memref<128xi32, #tpu.memory_space<hbm>>
    tpu.enqueue_dma source(%dma_start3A_11 : memref<128xi32, #tpu.memory_space<hbm>>) target(%arg7 : memref<128xi32, #tpu.memory_space<vmem>>) target_semaphore(%arg15 : memref<!tpu.dma_semaphore, #tpu.memory_space<semaphore_mem>>)
    %dma_start3A_12 = tpu.memref_slice %arg4[%add3A_9] : memref<320000xi32, #tpu.memory_space<hbm>> -> memref<128xi32, #tpu.memory_space<hbm>>
    %dma_start3A_13 = tpu.memref_slice %arg4[%add3A_9] : memref<320000xi32, #tpu.memory_space<hbm>> -> memref<128xi32, #tpu.memory_space<hbm>>
    tpu.enqueue_dma source(%dma_start3A_13 : memref<128xi32, #tpu.memory_space<hbm>>) target(%arg10 : memref<128xi32, #tpu.memory_space<vmem>>) target_semaphore(%arg15 : memref<!tpu.dma_semaphore, #tpu.memory_space<semaphore_mem>>)
    %broadcast_in_dim3A = arith.constant 0.000000e+00 : f32
    %broadcast_in_dim3A_14 = vector.broadcast %broadcast_in_dim3A : f32 to vector<16xf32>
    %scan3A = arith.constant 0 : i32
    %scan3A_15 = arith.constant 0 : i32
    %scan3A_16 = arith.constant 128 : i32
    %scan3A_17 = arith.addi %scan3A_15, %scan3A_16 : i32
    %scan3A_18 = arith.constant 1 : i32
    %scan3A_19 = scf.for %scan3A_63 = %scan3A_15 to %scan3A_17 step %scan3A_18 iter_args(%scan3A_64 = %scan3A) -> (i32)  : i32 {
      %swap3A = arith.index_cast %scan3A_63 : i32 to index
      %swap3A_65 = arith.constant 0 : index
      %swap3A_66 = tpu.vector_load %arg12[%swap3A, %swap3A_65] {strides = array<i32>} : memref<128x128xf32, #tpu.memory_space<vmem>>, vector<16xf32>,
      tpu.vector_store %arg12[%swap3A, %swap3A_65], %broadcast_in_dim3A_14 {strides = array<i32>} : memref<128x128xf32, #tpu.memory_space<vmem>>, vector<16xf32>,
      %swap3A_67 = arith.index_cast %scan3A_63 : i32 to index
      %swap3A_68 = arith.constant 16 : index
      %swap3A_69 = tpu.vector_load %arg12[%swap3A_67, %swap3A_68] {strides = array<i32>} : memref<128x128xf32, #tpu.memory_space<vmem>>, vector<16xf32>,
      tpu.vector_store %arg12[%swap3A_67, %swap3A_68], %broadcast_in_dim3A_14 {strides = array<i32>} : memref<128x128xf32, #tpu.memory_space<vmem>>, vector<16xf32>,
      %swap3A_70 = arith.index_cast %scan3A_63 : i32 to index
      %swap3A_71 = arith.constant 32 : index
      %swap3A_72 = tpu.vector_load %arg12[%swap3A_70, %swap3A_71] {strides = array<i32>} : memref<128x128xf32, #tpu.memory_space<vmem>>, vector<16xf32>,
      tpu.vector_store %arg12[%swap3A_70, %swap3A_71], %broadcast_in_dim3A_14 {strides = array<i32>} : memref<128x128xf32, #tpu.memory_space<vmem>>, vector<16xf32>,
      %swap3A_73 = arith.index_cast %scan3A_63 : i32 to index
      %swap3A_74 = arith.constant 48 : index
      %swap3A_75 = tpu.vector_load %arg12[%swap3A_73, %swap3A_74] {strides = array<i32>} : memref<128x128xf32, #tpu.memory_space<vmem>>, vector<16xf32>,
      tpu.vector_store %arg12[%swap3A_73, %swap3A_74], %broadcast_in_dim3A_14 {strides = array<i32>} : memref<128x128xf32, #tpu.memory_space<vmem>>, vector<16xf32>,
      %swap3A_76 = arith.index_cast %scan3A_63 : i32 to index
      %swap3A_77 = arith.constant 64 : index
      %swap3A_78 = tpu.vector_load %arg12[%swap3A_76, %swap3A_77] {strides = array<i32>} : memref<128x128xf32, #tpu.memory_space<vmem>>, vector<16xf32>,
      tpu.vector_store %arg12[%swap3A_76, %swap3A_77], %broadcast_in_dim3A_14 {strides = array<i32>} : memref<128x128xf32, #tpu.memory_space<vmem>>, vector<16xf32>,
      %swap3A_79 = arith.index_cast %scan3A_63 : i32 to index
      %swap3A_80 = arith.constant 80 : index
      %swap3A_81 = tpu.vector_load %arg12[%swap3A_79, %swap3A_80] {strides = array<i32>} : memref<128x128xf32, #tpu.memory_space<vmem>>, vector<16xf32>,
      tpu.vector_store %arg12[%swap3A_79, %swap3A_80], %broadcast_in_dim3A_14 {strides = array<i32>} : memref<128x128xf32, #tpu.memory_space<vmem>>, vector<16xf32>,
      %swap3A_82 = arith.index_cast %scan3A_63 : i32 to index
      %swap3A_83 = arith.constant 96 : index
      %swap3A_84 = tpu.vector_load %arg12[%swap3A_82, %swap3A_83] {strides = array<i32>} : memref<128x128xf32, #tpu.memory_space<vmem>>, vector<16xf32>,
      tpu.vector_store %arg12[%swap3A_82, %swap3A_83], %broadcast_in_dim3A_14 {strides = array<i32>} : memref<128x128xf32, #tpu.memory_space<vmem>>, vector<16xf32>,
      %swap3A_85 = arith.index_cast %scan3A_63 : i32 to index
      %swap3A_86 = arith.constant 112 : index
      %swap3A_87 = tpu.vector_load %arg12[%swap3A_85, %swap3A_86] {strides = array<i32>} : memref<128x128xf32, #tpu.memory_space<vmem>>, vector<16xf32>,
      tpu.vector_store %arg12[%swap3A_85, %swap3A_86], %broadcast_in_dim3A_14 {strides = array<i32>} : memref<128x128xf32, #tpu.memory_space<vmem>>, vector<16xf32>,
      %scan3A_88 = arith.constant 0 : i32
      scf.yield %scan3A_88 : i32
    }
    %scan3A_20 = arith.constant 128 : i32
    %mul3A_21 = arith.constant 640 : i32
    %mul3A_22 = arith.muli %arg1, %mul3A_21 : i32
    %add3A_23 = arith.constant 0 : i32
    %add3A_24 = arith.addi %mul3A_22, %add3A_23 : i32
    "tpu.region"() ({
      %run_scoped3A = tpu.sem_alloc : memref<!tpu.dma_semaphore, #tpu.memory_space<semaphore_mem>>
      %dma_start3A_63 = arith.constant 0 : i32
      %dma_start3A_64 = tpu.memref_slice %arg19[%add3A_24, %dma_start3A_63] : memref<10240x128xf32, #tpu.memory_space<vmem_shared>> -> memref<128x128xf32, #tpu.memory_space<vmem_shared>>
      %dma_start3A_65 = arith.constant 0 : i32
      %dma_start3A_66 = tpu.memref_slice %arg19[%add3A_24, %dma_start3A_65] : memref<10240x128xf32, #tpu.memory_space<vmem_shared>> -> memref<128x128xf32, #tpu.memory_space<vmem_shared>>
      tpu.enqueue_dma source(%arg12 : memref<128x128xf32, #tpu.memory_space<vmem>>) target(%dma_start3A_66 : memref<128x128xf32, #tpu.memory_space<vmem_shared>>) target_semaphore(%run_scoped3A : memref<!tpu.dma_semaphore, #tpu.memory_space<semaphore_mem>>)
      %dma_wait3A_67 = arith.constant 0 : i32
      %dma_wait3A_68 = tpu.memref_slice %arg19[%add3A_24, %dma_wait3A_67] : memref<10240x128xf32, #tpu.memory_space<vmem_shared>> -> memref<128x128xf32, #tpu.memory_space<vmem_shared>>
      %dma_wait3A_69 = arith.constant 0 : i32
      %dma_wait3A_70 = tpu.memref_slice %arg19[%add3A_24, %dma_wait3A_69] : memref<10240x128xf32, #tpu.memory_space<vmem_shared>> -> memref<128x128xf32, #tpu.memory_space<vmem_shared>>
      tpu.wait_dma2 semaphore(%run_scoped3A : memref<!tpu.dma_semaphore, #tpu.memory_space<semaphore_mem>>) src(%arg12 : memref<128x128xf32, #tpu.memory_space<vmem>>) dst(%dma_wait3A_70 : memref<128x128xf32, #tpu.memory_space<vmem_shared>>)
      tpu.yield
    }) : () -> ()
    %mul3A_25 = arith.constant 640 : i32
    %mul3A_26 = arith.muli %arg1, %mul3A_25 : i32
    %add3A_27 = arith.constant 128 : i32
    %add3A_28 = arith.addi %mul3A_26, %add3A_27 : i32
    "tpu.region"() ({
      %run_scoped3A = tpu.sem_alloc : memref<!tpu.dma_semaphore, #tpu.memory_space<semaphore_mem>>
      %dma_start3A_63 = arith.constant 0 : i32
      %dma_start3A_64 = tpu.memref_slice %arg19[%add3A_28, %dma_start3A_63] : memref<10240x128xf32, #tpu.memory_space<vmem_shared>> -> memref<128x128xf32, #tpu.memory_space<vmem_shared>>
      %dma_start3A_65 = arith.constant 0 : i32
      %dma_start3A_66 = tpu.memref_slice %arg19[%add3A_28, %dma_start3A_65] : memref<10240x128xf32, #tpu.memory_space<vmem_shared>> -> memref<128x128xf32, #tpu.memory_space<vmem_shared>>
      tpu.enqueue_dma source(%arg12 : memref<128x128xf32, #tpu.memory_space<vmem>>) target(%dma_start3A_66 : memref<128x128xf32, #tpu.memory_space<vmem_shared>>) target_semaphore(%run_scoped3A : memref<!tpu.dma_semaphore, #tpu.memory_space<semaphore_mem>>)
      %dma_wait3A_67 = arith.constant 0 : i32
      %dma_wait3A_68 = tpu.memref_slice %arg19[%add3A_28, %dma_wait3A_67] : memref<10240x128xf32, #tpu.memory_space<vmem_shared>> -> memref<128x128xf32, #tpu.memory_space<vmem_shared>>
      %dma_wait3A_69 = arith.constant 0 : i32
      %dma_wait3A_70 = tpu.memref_slice %arg19[%add3A_28, %dma_wait3A_69] : memref<10240x128xf32, #tpu.memory_space<vmem_shared>> -> memref<128x128xf32, #tpu.memory_space<vmem_shared>>
      tpu.wait_dma2 semaphore(%run_scoped3A : memref<!tpu.dma_semaphore, #tpu.memory_space<semaphore_mem>>) src(%arg12 : memref<128x128xf32, #tpu.memory_space<vmem>>) dst(%dma_wait3A_70 : memref<128x128xf32, #tpu.memory_space<vmem_shared>>)
      tpu.yield
    }) : () -> ()
    %mul3A_29 = arith.constant 640 : i32
    %mul3A_30 = arith.muli %arg1, %mul3A_29 : i32
    %add3A_31 = arith.constant 256 : i32
    %add3A_32 = arith.addi %mul3A_30, %add3A_31 : i32
    "tpu.region"() ({
      %run_scoped3A = tpu.sem_alloc : memref<!tpu.dma_semaphore, #tpu.memory_space<semaphore_mem>>
      %dma_start3A_63 = arith.constant 0 : i32
      %dma_start3A_64 = tpu.memref_slice %arg19[%add3A_32, %dma_start3A_63] : memref<10240x128xf32, #tpu.memory_space<vmem_shared>> -> memref<128x128xf32, #tpu.memory_space<vmem_shared>>
      %dma_start3A_65 = arith.constant 0 : i32
      %dma_start3A_66 = tpu.memref_slice %arg19[%add3A_32, %dma_start3A_65] : memref<10240x128xf32, #tpu.memory_space<vmem_shared>> -> memref<128x128xf32, #tpu.memory_space<vmem_shared>>
      tpu.enqueue_dma source(%arg12 : memref<128x128xf32, #tpu.memory_space<vmem>>) target(%dma_start3A_66 : memref<128x128xf32, #tpu.memory_space<vmem_shared>>) target_semaphore(%run_scoped3A : memref<!tpu.dma_semaphore, #tpu.memory_space<semaphore_mem>>)
      %dma_wait3A_67 = arith.constant 0 : i32
      %dma_wait3A_68 = tpu.memref_slice %arg19[%add3A_32, %dma_wait3A_67] : memref<10240x128xf32, #tpu.memory_space<vmem_shared>> -> memref<128x128xf32, #tpu.memory_space<vmem_shared>>
      %dma_wait3A_69 = arith.constant 0 : i32
      %dma_wait3A_70 = tpu.memref_slice %arg19[%add3A_32, %dma_wait3A_69] : memref<10240x128xf32, #tpu.memory_space<vmem_shared>> -> memref<128x128xf32, #tpu.memory_space<vmem_shared>>
      tpu.wait_dma2 semaphore(%run_scoped3A : memref<!tpu.dma_semaphore, #tpu.memory_space<semaphore_mem>>) src(%arg12 : memref<128x128xf32, #tpu.memory_space<vmem>>) dst(%dma_wait3A_70 : memref<128x128xf32, #tpu.memory_space<vmem_shared>>)
      tpu.yield
    }) : () -> ()
    %mul3A_33 = arith.constant 640 : i32
    %mul3A_34 = arith.muli %arg1, %mul3A_33 : i32
    %add3A_35 = arith.constant 384 : i32
    %add3A_36 = arith.addi %mul3A_34, %add3A_35 : i32
    "tpu.region"() ({
      %run_scoped3A = tpu.sem_alloc : memref<!tpu.dma_semaphore, #tpu.memory_space<semaphore_mem>>
      %dma_start3A_63 = arith.constant 0 : i32
      %dma_start3A_64 = tpu.memref_slice %arg19[%add3A_36, %dma_start3A_63] : memref<10240x128xf32, #tpu.memory_space<vmem_shared>> -> memref<128x128xf32, #tpu.memory_space<vmem_shared>>
      %dma_start3A_65 = arith.constant 0 : i32
      %dma_start3A_66 = tpu.memref_slice %arg19[%add3A_36, %dma_start3A_65] : memref<10240x128xf32, #tpu.memory_space<vmem_shared>> -> memref<128x128xf32, #tpu.memory_space<vmem_shared>>
      tpu.enqueue_dma source(%arg12 : memref<128x128xf32, #tpu.memory_space<vmem>>) target(%dma_start3A_66 : memref<128x128xf32, #tpu.memory_space<vmem_shared>>) target_semaphore(%run_scoped3A : memref<!tpu.dma_semaphore, #tpu.memory_space<semaphore_mem>>)
      %dma_wait3A_67 = arith.constant 0 : i32
      %dma_wait3A_68 = tpu.memref_slice %arg19[%add3A_36, %dma_wait3A_67] : memref<10240x128xf32, #tpu.memory_space<vmem_shared>> -> memref<128x128xf32, #tpu.memory_space<vmem_shared>>
      %dma_wait3A_69 = arith.constant 0 : i32
      %dma_wait3A_70 = tpu.memref_slice %arg19[%add3A_36, %dma_wait3A_69] : memref<10240x128xf32, #tpu.memory_space<vmem_shared>> -> memref<128x128xf32, #tpu.memory_space<vmem_shared>>
      tpu.wait_dma2 semaphore(%run_scoped3A : memref<!tpu.dma_semaphore, #tpu.memory_space<semaphore_mem>>) src(%arg12 : memref<128x128xf32, #tpu.memory_space<vmem>>) dst(%dma_wait3A_70 : memref<128x128xf32, #tpu.memory_space<vmem_shared>>)
      tpu.yield
    }) : () -> ()
    %mul3A_37 = arith.constant 640 : i32
    %mul3A_38 = arith.muli %arg1, %mul3A_37 : i32
    %add3A_39 = arith.constant 512 : i32
    %add3A_40 = arith.addi %mul3A_38, %add3A_39 : i32
    "tpu.region"() ({
      %run_scoped3A = tpu.sem_alloc : memref<!tpu.dma_semaphore, #tpu.memory_space<semaphore_mem>>
      %dma_start3A_63 = arith.constant 0 : i32
      %dma_start3A_64 = tpu.memref_slice %arg19[%add3A_40, %dma_start3A_63] : memref<10240x128xf32, #tpu.memory_space<vmem_shared>> -> memref<128x128xf32, #tpu.memory_space<vmem_shared>>
      %dma_start3A_65 = arith.constant 0 : i32
      %dma_start3A_66 = tpu.memref_slice %arg19[%add3A_40, %dma_start3A_65] : memref<10240x128xf32, #tpu.memory_space<vmem_shared>> -> memref<128x128xf32, #tpu.memory_space<vmem_shared>>
      tpu.enqueue_dma source(%arg12 : memref<128x128xf32, #tpu.memory_space<vmem>>) target(%dma_start3A_66 : memref<128x128xf32, #tpu.memory_space<vmem_shared>>) target_semaphore(%run_scoped3A : memref<!tpu.dma_semaphore, #tpu.memory_space<semaphore_mem>>)
      %dma_wait3A_67 = arith.constant 0 : i32
      %dma_wait3A_68 = tpu.memref_slice %arg19[%add3A_40, %dma_wait3A_67] : memref<10240x128xf32, #tpu.memory_space<vmem_shared>> -> memref<128x128xf32, #tpu.memory_space<vmem_shared>>
      %dma_wait3A_69 = arith.constant 0 : i32
      %dma_wait3A_70 = tpu.memref_slice %arg19[%add3A_40, %dma_wait3A_69] : memref<10240x128xf32, #tpu.memory_space<vmem_shared>> -> memref<128x128xf32, #tpu.memory_space<vmem_shared>>
      tpu.wait_dma2 semaphore(%run_scoped3A : memref<!tpu.dma_semaphore, #tpu.memory_space<semaphore_mem>>) src(%arg12 : memref<128x128xf32, #tpu.memory_space<vmem>>) dst(%dma_wait3A_70 : memref<128x128xf32, #tpu.memory_space<vmem_shared>>)
      tpu.yield
    }) : () -> ()
    %add3A_41 = arith.constant 0 : i32
    %add3A_42 = arith.addi %mul3A_2, %add3A_41 : i32
    %dma_wait3A = tpu.memref_slice %arg3[%add3A_42] : memref<320000xi32, #tpu.memory_space<hbm>> -> memref<128xi32, #tpu.memory_space<hbm>>
    %dma_wait3A_43 = tpu.memref_slice %arg3[%add3A_42] : memref<320000xi32, #tpu.memory_space<hbm>> -> memref<128xi32, #tpu.memory_space<hbm>>
    tpu.wait_dma2 semaphore(%arg14 : memref<!tpu.dma_semaphore, #tpu.memory_space<semaphore_mem>>) src(%dma_wait3A_43 : memref<128xi32, #tpu.memory_space<hbm>>) dst(%arg6 : memref<128xi32, #tpu.memory_space<vmem>>)
    %dma_wait3A_44 = tpu.memref_slice %arg4[%add3A_42] : memref<320000xi32, #tpu.memory_space<hbm>> -> memref<128xi32, #tpu.memory_space<hbm>>
    %dma_wait3A_45 = tpu.memref_slice %arg4[%add3A_42] : memref<320000xi32, #tpu.memory_space<hbm>> -> memref<128xi32, #tpu.memory_space<hbm>>
    tpu.wait_dma2 semaphore(%arg14 : memref<!tpu.dma_semaphore, #tpu.memory_space<semaphore_mem>>) src(%dma_wait3A_45 : memref<128xi32, #tpu.memory_space<hbm>>) dst(%arg9 : memref<128xi32, #tpu.memory_space<vmem>>)
    %dma_start3A_46 = arith.constant 0 : i32
    %dma_start3A_47 = arith.constant 0 : i32
    %dma_start3A_48 = tpu.memref_slice %arg2[%dma_start3A_46, %dma_start3A_47] : memref<10240x128xf32, #tpu.memory_space<hbm>> -> memref<10240x128xf32, #tpu.memory_space<hbm>>
    tpu.enqueue_indirect_dma source(%dma_start3A_48 : memref<10240x128xf32, #tpu.memory_space<hbm>>) target(%arg12 : memref<128x128xf32, #tpu.memory_space<vmem>>) offsets(%arg6 : memref<128xi32, #tpu.memory_space<vmem>>) semaphore(%arg17 : memref<!tpu.dma_semaphore, #tpu.memory_space<semaphore_mem>>)
    %barrier3A = arith.constant 0 : index
    tpu.barrier barrier_id(%barrier3A)
    %scan3A_49 = arith.constant 0 : i32
    %scan3A_50 = arith.constant 0 : i32
    %scan3A_51 = arith.constant 13 : i32
    %scan3A_52 = arith.addi %scan3A_50, %scan3A_51 : i32
    %scan3A_53 = arith.constant 1 : i32
    %scan3A_54 = scf.for %scan3A_63 = %scan3A_50 to %scan3A_52 step %scan3A_53 iter_args(%scan3A_64 = %scan3A_49) -> (i32)  : i32 {
      %mul3A_65 = arith.constant 6 : i32
      %mul3A_66 = arith.muli %mul3A_65, %scan3A_63 : i32
      %add3A_67 = arith.constant 0 : i32
      %add3A_68 = arith.addi %mul3A_66, %add3A_67 : i32
      %add3A_69 = arith.constant 2 : i32
      %add3A_70 = arith.addi %add3A_68, %add3A_69 : i32
      %lt3A_71 = arith.constant 78 : i32
      %lt3A_72 = arith.cmpi slt, %add3A_70, %lt3A_71 : i32
      %convert_element_type3A_73 = arith.extui %lt3A_72 : i1 to i32
      %cond3A_74 = arith.constant 0 : i32
      %cond3A_75 = arith.cmpi ne, %convert_element_type3A_73, %cond3A_74 : i32
      scf.if %cond3A_75 {
        %add3A_182 = arith.constant 2 : i32
        %add3A_183 = arith.addi %add3A_68, %add3A_182 : i32
        %mul3A_184 = arith.constant 128 : i32
        %mul3A_185 = arith.muli %add3A_183, %mul3A_184 : i32
        %add3A_186 = arith.addi %mul3A_2, %mul3A_185 : i32
        %dma_start3A_187 = tpu.memref_slice %arg3[%add3A_186] : memref<320000xi32, #tpu.memory_space<hbm>> -> memref<128xi32, #tpu.memory_space<hbm>>
        %dma_start3A_188 = tpu.memref_slice %arg3[%add3A_186] : memref<320000xi32, #tpu.memory_space<hbm>> -> memref<128xi32, #tpu.memory_space<hbm>>
        tpu.enqueue_dma source(%dma_start3A_188 : memref<128xi32, #tpu.memory_space<hbm>>) target(%arg8 : memref<128xi32, #tpu.memory_space<vmem>>) target_semaphore(%arg16 : memref<!tpu.dma_semaphore, #tpu.memory_space<semaphore_mem>>)
        %dma_start3A_189 = tpu.memref_slice %arg4[%add3A_186] : memref<320000xi32, #tpu.memory_space<hbm>> -> memref<128xi32, #tpu.memory_space<hbm>>
        %dma_start3A_190 = tpu.memref_slice %arg4[%add3A_186] : memref<320000xi32, #tpu.memory_space<hbm>> -> memref<128xi32, #tpu.memory_space<hbm>>
        tpu.enqueue_dma source(%dma_start3A_190 : memref<128xi32, #tpu.memory_space<hbm>>) target(%arg11 : memref<128xi32, #tpu.memory_space<vmem>>) target_semaphore(%arg16 : memref<!tpu.dma_semaphore, #tpu.memory_space<semaphore_mem>>)
      } else {
      }
      %add3A_76 = arith.constant 1 : i32
      %add3A_77 = arith.addi %add3A_68, %add3A_76 : i32
      %lt3A_78 = arith.constant 78 : i32
      %lt3A_79 = arith.cmpi slt, %add3A_77, %lt3A_78 : i32
      %convert_element_type3A_80 = arith.extui %lt3A_79 : i1 to i32
      %cond3A_81 = arith.constant 0 : i32
      %cond3A_82 = arith.cmpi ne, %convert_element_type3A_80, %cond3A_81 : i32
      scf.if %cond3A_82 {
        %add3A_182 = arith.constant 1 : i32
        %add3A_183 = arith.addi %add3A_68, %add3A_182 : i32
        %mul3A_184 = arith.constant 128 : i32
        %mul3A_185 = arith.muli %add3A_183, %mul3A_184 : i32
        %add3A_186 = arith.addi %mul3A_2, %mul3A_185 : i32
        %dma_wait3A_187 = tpu.memref_slice %arg3[%add3A_186] : memref<320000xi32, #tpu.memory_space<hbm>> -> memref<128xi32, #tpu.memory_space<hbm>>
        %dma_wait3A_188 = tpu.memref_slice %arg3[%add3A_186] : memref<320000xi32, #tpu.memory_space<hbm>> -> memref<128xi32, #tpu.memory_space<hbm>>
        tpu.wait_dma2 semaphore(%arg15 : memref<!tpu.dma_semaphore, #tpu.memory_space<semaphore_mem>>) src(%dma_wait3A_188 : memref<128xi32, #tpu.memory_space<hbm>>) dst(%arg7 : memref<128xi32, #tpu.memory_space<vmem>>)
        %dma_wait3A_189 = tpu.memref_slice %arg4[%add3A_186] : memref<320000xi32, #tpu.memory_space<hbm>> -> memref<128xi32, #tpu.memory_space<hbm>>
        %dma_wait3A_190 = tpu.memref_slice %arg4[%add3A_186] : memref<320000xi32, #tpu.memory_space<hbm>> -> memref<128xi32, #tpu.memory_space<hbm>>
        tpu.wait_dma2 semaphore(%arg15 : memref<!tpu.dma_semaphore, #tpu.memory_space<semaphore_mem>>) src(%dma_wait3A_190 : memref<128xi32, #tpu.memory_space<hbm>>) dst(%arg10 : memref<128xi32, #tpu.memory_space<vmem>>)
        %dma_start3A_191 = arith.constant 0 : i32
        %dma_start3A_192 = arith.constant 0 : i32
        %dma_start3A_193 = tpu.memref_slice %arg2[%dma_start3A_191, %dma_start3A_192] : memref<10240x128xf32, #tpu.memory_space<hbm>> -> memref<10240x128xf32, #tpu.memory_space<hbm>>
        tpu.enqueue_indirect_dma source(%dma_start3A_193 : memref<10240x128xf32, #tpu.memory_space<hbm>>) target(%arg13 : memref<128x128xf32, #tpu.memory_space<vmem>>) offsets(%arg7 : memref<128xi32, #tpu.memory_space<vmem>>) semaphore(%arg18 : memref<!tpu.dma_semaphore, #tpu.memory_space<semaphore_mem>>)
      } else {
      }
      %dma_wait3A_83 = arith.constant 0 : i32
      %dma_wait3A_84 = arith.constant 0 : i32
      %dma_wait3A_85 = tpu.memref_slice %arg2[%dma_wait3A_83, %dma_wait3A_84] : memref<10240x128xf32, #tpu.memory_space<hbm>> -> memref<10240x128xf32, #tpu.memory_space<hbm>>
      tpu.wait_indirect_dma semaphore(%arg17 : memref<!tpu.dma_semaphore, #tpu.memory_space<semaphore_mem>>) src(%dma_wait3A_85 : memref<10240x128xf32, #tpu.memory_space<hbm>>) dst(%arg12 : memref<128x128xf32, #tpu.memory_space<vmem>>)
      "tpu.region"() ({
        %run_scoped3A = tpu.sem_alloc : memref<!tpu.dma_semaphore, #tpu.memory_space<semaphore_mem>>
        %dma_start3A_182 = arith.constant 0 : i32
        %dma_start3A_183 = arith.constant 0 : i32
        %dma_start3A_184 = tpu.memref_slice %arg19[%dma_start3A_182, %dma_start3A_183] : memref<10240x128xf32, #tpu.memory_space<vmem_shared>> -> memref<10240x128xf32, #tpu.memory_space<vmem_shared>>
        tpu.enqueue_indirect_dma source(%arg12 : memref<128x128xf32, #tpu.memory_space<vmem>>) target(%dma_start3A_184 : memref<10240x128xf32, #tpu.memory_space<vmem_shared>>) offsets(%arg9 : memref<128xi32, #tpu.memory_space<vmem>>) semaphore(%run_scoped3A : memref<!tpu.dma_semaphore, #tpu.memory_space<semaphore_mem>>) {add = true}
        %dma_wait3A_185 = arith.constant 0 : i32
        %dma_wait3A_186 = arith.constant 0 : i32
        %dma_wait3A_187 = tpu.memref_slice %arg19[%dma_wait3A_185, %dma_wait3A_186] : memref<10240x128xf32, #tpu.memory_space<vmem_shared>> -> memref<10240x128xf32, #tpu.memory_space<vmem_shared>>
        tpu.wait_indirect_dma semaphore(%run_scoped3A : memref<!tpu.dma_semaphore, #tpu.memory_space<semaphore_mem>>) src(%arg12 : memref<128x128xf32, #tpu.memory_space<vmem>>) dst(%dma_wait3A_187 : memref<10240x128xf32, #tpu.memory_space<vmem_shared>>)
        tpu.yield
      }) : () -> ()
      %add3A_86 = arith.constant 1 : i32
      %add3A_87 = arith.addi %mul3A_66, %add3A_86 : i32
      %add3A_88 = arith.constant 2 : i32
      %add3A_89 = arith.addi %add3A_87, %add3A_88 : i32
      %lt3A_90 = arith.constant 78 : i32
      %lt3A_91 = arith.cmpi slt, %add3A_89, %lt3A_90 : i32
      %convert_element_type3A_92 = arith.extui %lt3A_91 : i1 to i32
      %cond3A_93 = arith.constant 0 : i32
      %cond3A_94 = arith.cmpi ne, %convert_element_type3A_92, %cond3A_93 : i32
      scf.if %cond3A_94 {
        %add3A_182 = arith.constant 2 : i32
        %add3A_183 = arith.addi %add3A_87, %add3A_182 : i32
        %mul3A_184 = arith.constant 128 : i32
        %mul3A_185 = arith.muli %add3A_183, %mul3A_184 : i32
        %add3A_186 = arith.addi %mul3A_2, %mul3A_185 : i32
        %dma_start3A_187 = tpu.memref_slice %arg3[%add3A_186] : memref<320000xi32, #tpu.memory_space<hbm>> -> memref<128xi32, #tpu.memory_space<hbm>>
        %dma_start3A_188 = tpu.memref_slice %arg3[%add3A_186] : memref<320000xi32, #tpu.memory_space<hbm>> -> memref<128xi32, #tpu.memory_space<hbm>>
        tpu.enqueue_dma source(%dma_start3A_188 : memref<128xi32, #tpu.memory_space<hbm>>) target(%arg6 : memref<128xi32, #tpu.memory_space<vmem>>) target_semaphore(%arg14 : memref<!tpu.dma_semaphore, #tpu.memory_space<semaphore_mem>>)
        %dma_start3A_189 = tpu.memref_slice %arg4[%add3A_186] : memref<320000xi32, #tpu.memory_space<hbm>> -> memref<128xi32, #tpu.memory_space<hbm>>
        %dma_start3A_190 = tpu.memref_slice %arg4[%add3A_186] : memref<320000xi32, #tpu.memory_space<hbm>> -> memref<128xi32, #tpu.memory_space<hbm>>
        tpu.enqueue_dma source(%dma_start3A_190 : memref<128xi32, #tpu.memory_space<hbm>>) target(%arg9 : memref<128xi32, #tpu.memory_space<vmem>>) target_semaphore(%arg14 : memref<!tpu.dma_semaphore, #tpu.memory_space<semaphore_mem>>)
      } else {
      }
      %add3A_95 = arith.constant 1 : i32
      %add3A_96 = arith.addi %add3A_87, %add3A_95 : i32
      %lt3A_97 = arith.constant 78 : i32
      %lt3A_98 = arith.cmpi slt, %add3A_96, %lt3A_97 : i32
      %convert_element_type3A_99 = arith.extui %lt3A_98 : i1 to i32
      %cond3A_100 = arith.constant 0 : i32
      %cond3A_101 = arith.cmpi ne, %convert_element_type3A_99, %cond3A_100 : i32
      scf.if %cond3A_101 {
        %add3A_182 = arith.constant 1 : i32
        %add3A_183 = arith.addi %add3A_87, %add3A_182 : i32
        %mul3A_184 = arith.constant 128 : i32
        %mul3A_185 = arith.muli %add3A_183, %mul3A_184 : i32
        %add3A_186 = arith.addi %mul3A_2, %mul3A_185 : i32
        %dma_wait3A_187 = tpu.memref_slice %arg3[%add3A_186] : memref<320000xi32, #tpu.memory_space<hbm>> -> memref<128xi32, #tpu.memory_space<hbm>>
        %dma_wait3A_188 = tpu.memref_slice %arg3[%add3A_186] : memref<320000xi32, #tpu.memory_space<hbm>> -> memref<128xi32, #tpu.memory_space<hbm>>
        tpu.wait_dma2 semaphore(%arg16 : memref<!tpu.dma_semaphore, #tpu.memory_space<semaphore_mem>>) src(%dma_wait3A_188 : memref<128xi32, #tpu.memory_space<hbm>>) dst(%arg8 : memref<128xi32, #tpu.memory_space<vmem>>)
        %dma_wait3A_189 = tpu.memref_slice %arg4[%add3A_186] : memref<320000xi32, #tpu.memory_space<hbm>> -> memref<128xi32, #tpu.memory_space<hbm>>
        %dma_wait3A_190 = tpu.memref_slice %arg4[%add3A_186] : memref<320000xi32, #tpu.memory_space<hbm>> -> memref<128xi32, #tpu.memory_space<hbm>>
        tpu.wait_dma2 semaphore(%arg16 : memref<!tpu.dma_semaphore, #tpu.memory_space<semaphore_mem>>) src(%dma_wait3A_190 : memref<128xi32, #tpu.memory_space<hbm>>) dst(%arg11 : memref<128xi32, #tpu.memory_space<vmem>>)
        %dma_start3A_191 = arith.constant 0 : i32
        %dma_start3A_192 = arith.constant 0 : i32
        %dma_start3A_193 = tpu.memref_slice %arg2[%dma_start3A_191, %dma_start3A_192] : memref<10240x128xf32, #tpu.memory_space<hbm>> -> memref<10240x128xf32, #tpu.memory_space<hbm>>
        tpu.enqueue_indirect_dma source(%dma_start3A_193 : memref<10240x128xf32, #tpu.memory_space<hbm>>) target(%arg12 : memref<128x128xf32, #tpu.memory_space<vmem>>) offsets(%arg8 : memref<128xi32, #tpu.memory_space<vmem>>) semaphore(%arg17 : memref<!tpu.dma_semaphore, #tpu.memory_space<semaphore_mem>>)
      } else {
      }
      %dma_wait3A_102 = arith.constant 0 : i32
      %dma_wait3A_103 = arith.constant 0 : i32
      %dma_wait3A_104 = tpu.memref_slice %arg2[%dma_wait3A_102, %dma_wait3A_103] : memref<10240x128xf32, #tpu.memory_space<hbm>> -> memref<10240x128xf32, #tpu.memory_space<hbm>>
      tpu.wait_indirect_dma semaphore(%arg18 : memref<!tpu.dma_semaphore, #tpu.memory_space<semaphore_mem>>) src(%dma_wait3A_104 : memref<10240x128xf32, #tpu.memory_space<hbm>>) dst(%arg13 : memref<128x128xf32, #tpu.memory_space<vmem>>)
      "tpu.region"() ({
        %run_scoped3A = tpu.sem_alloc : memref<!tpu.dma_semaphore, #tpu.memory_space<semaphore_mem>>
        %dma_start3A_182 = arith.constant 0 : i32
        %dma_start3A_183 = arith.constant 0 : i32
        %dma_start3A_184 = tpu.memref_slice %arg19[%dma_start3A_182, %dma_start3A_183] : memref<10240x128xf32, #tpu.memory_space<vmem_shared>> -> memref<10240x128xf32, #tpu.memory_space<vmem_shared>>
        tpu.enqueue_indirect_dma source(%arg13 : memref<128x128xf32, #tpu.memory_space<vmem>>) target(%dma_start3A_184 : memref<10240x128xf32, #tpu.memory_space<vmem_shared>>) offsets(%arg10 : memref<128xi32, #tpu.memory_space<vmem>>) semaphore(%run_scoped3A : memref<!tpu.dma_semaphore, #tpu.memory_space<semaphore_mem>>) {add = true}
        %dma_wait3A_185 = arith.constant 0 : i32
        %dma_wait3A_186 = arith.constant 0 : i32
        %dma_wait3A_187 = tpu.memref_slice %arg19[%dma_wait3A_185, %dma_wait3A_186] : memref<10240x128xf32, #tpu.memory_space<vmem_shared>> -> memref<10240x128xf32, #tpu.memory_space<vmem_shared>>
        tpu.wait_indirect_dma semaphore(%run_scoped3A : memref<!tpu.dma_semaphore, #tpu.memory_space<semaphore_mem>>) src(%arg13 : memref<128x128xf32, #tpu.memory_space<vmem>>) dst(%dma_wait3A_187 : memref<10240x128xf32, #tpu.memory_space<vmem_shared>>)
        tpu.yield
      }) : () -> ()
      %add3A_105 = arith.constant 2 : i32
      %add3A_106 = arith.addi %mul3A_66, %add3A_105 : i32
      %add3A_107 = arith.constant 2 : i32
      %add3A_108 = arith.addi %add3A_106, %add3A_107 : i32
      %lt3A_109 = arith.constant 78 : i32
      %lt3A_110 = arith.cmpi slt, %add3A_108, %lt3A_109 : i32
      %convert_element_type3A_111 = arith.extui %lt3A_110 : i1 to i32
      %cond3A_112 = arith.constant 0 : i32
      %cond3A_113 = arith.cmpi ne, %convert_element_type3A_111, %cond3A_112 : i32
      scf.if %cond3A_113 {
        %add3A_182 = arith.constant 2 : i32
        %add3A_183 = arith.addi %add3A_106, %add3A_182 : i32
        %mul3A_184 = arith.constant 128 : i32
        %mul3A_185 = arith.muli %add3A_183, %mul3A_184 : i32
        %add3A_186 = arith.addi %mul3A_2, %mul3A_185 : i32
        %dma_start3A_187 = tpu.memref_slice %arg3[%add3A_186] : memref<320000xi32, #tpu.memory_space<hbm>> -> memref<128xi32, #tpu.memory_space<hbm>>
        %dma_start3A_188 = tpu.memref_slice %arg3[%add3A_186] : memref<320000xi32, #tpu.memory_space<hbm>> -> memref<128xi32, #tpu.memory_space<hbm>>
        tpu.enqueue_dma source(%dma_start3A_188 : memref<128xi32, #tpu.memory_space<hbm>>) target(%arg7 : memref<128xi32, #tpu.memory_space<vmem>>) target_semaphore(%arg15 : memref<!tpu.dma_semaphore, #tpu.memory_space<semaphore_mem>>)
        %dma_start3A_189 = tpu.memref_slice %arg4[%add3A_186] : memref<320000xi32, #tpu.memory_space<hbm>> -> memref<128xi32, #tpu.memory_space<hbm>>
        %dma_start3A_190 = tpu.memref_slice %arg4[%add3A_186] : memref<320000xi32, #tpu.memory_space<hbm>> -> memref<128xi32, #tpu.memory_space<hbm>>
        tpu.enqueue_dma source(%dma_start3A_190 : memref<128xi32, #tpu.memory_space<hbm>>) target(%arg10 : memref<128xi32, #tpu.memory_space<vmem>>) target_semaphore(%arg15 : memref<!tpu.dma_semaphore, #tpu.memory_space<semaphore_mem>>)
      } else {
      }
      %add3A_114 = arith.constant 1 : i32
      %add3A_115 = arith.addi %add3A_106, %add3A_114 : i32
      %lt3A_116 = arith.constant 78 : i32
      %lt3A_117 = arith.cmpi slt, %add3A_115, %lt3A_116 : i32
      %convert_element_type3A_118 = arith.extui %lt3A_117 : i1 to i32
      %cond3A_119 = arith.constant 0 : i32
      %cond3A_120 = arith.cmpi ne, %convert_element_type3A_118, %cond3A_119 : i32
      scf.if %cond3A_120 {
        %add3A_182 = arith.constant 1 : i32
        %add3A_183 = arith.addi %add3A_106, %add3A_182 : i32
        %mul3A_184 = arith.constant 128 : i32
        %mul3A_185 = arith.muli %add3A_183, %mul3A_184 : i32
        %add3A_186 = arith.addi %mul3A_2, %mul3A_185 : i32
        %dma_wait3A_187 = tpu.memref_slice %arg3[%add3A_186] : memref<320000xi32, #tpu.memory_space<hbm>> -> memref<128xi32, #tpu.memory_space<hbm>>
        %dma_wait3A_188 = tpu.memref_slice %arg3[%add3A_186] : memref<320000xi32, #tpu.memory_space<hbm>> -> memref<128xi32, #tpu.memory_space<hbm>>
        tpu.wait_dma2 semaphore(%arg14 : memref<!tpu.dma_semaphore, #tpu.memory_space<semaphore_mem>>) src(%dma_wait3A_188 : memref<128xi32, #tpu.memory_space<hbm>>) dst(%arg6 : memref<128xi32, #tpu.memory_space<vmem>>)
        %dma_wait3A_189 = tpu.memref_slice %arg4[%add3A_186] : memref<320000xi32, #tpu.memory_space<hbm>> -> memref<128xi32, #tpu.memory_space<hbm>>
        %dma_wait3A_190 = tpu.memref_slice %arg4[%add3A_186] : memref<320000xi32, #tpu.memory_space<hbm>> -> memref<128xi32, #tpu.memory_space<hbm>>
        tpu.wait_dma2 semaphore(%arg14 : memref<!tpu.dma_semaphore, #tpu.memory_space<semaphore_mem>>) src(%dma_wait3A_190 : memref<128xi32, #tpu.memory_space<hbm>>) dst(%arg9 : memref<128xi32, #tpu.memory_space<vmem>>)
        %dma_start3A_191 = arith.constant 0 : i32
        %dma_start3A_192 = arith.constant 0 : i32
        %dma_start3A_193 = tpu.memref_slice %arg2[%dma_start3A_191, %dma_start3A_192] : memref<10240x128xf32, #tpu.memory_space<hbm>> -> memref<10240x128xf32, #tpu.memory_space<hbm>>
        tpu.enqueue_indirect_dma source(%dma_start3A_193 : memref<10240x128xf32, #tpu.memory_space<hbm>>) target(%arg13 : memref<128x128xf32, #tpu.memory_space<vmem>>) offsets(%arg6 : memref<128xi32, #tpu.memory_space<vmem>>) semaphore(%arg18 : memref<!tpu.dma_semaphore, #tpu.memory_space<semaphore_mem>>)
      } else {
      }
      %dma_wait3A_121 = arith.constant 0 : i32
      %dma_wait3A_122 = arith.constant 0 : i32
      %dma_wait3A_123 = tpu.memref_slice %arg2[%dma_wait3A_121, %dma_wait3A_122] : memref<10240x128xf32, #tpu.memory_space<hbm>> -> memref<10240x128xf32, #tpu.memory_space<hbm>>
      tpu.wait_indirect_dma semaphore(%arg17 : memref<!tpu.dma_semaphore, #tpu.memory_space<semaphore_mem>>) src(%dma_wait3A_123 : memref<10240x128xf32, #tpu.memory_space<hbm>>) dst(%arg12 : memref<128x128xf32, #tpu.memory_space<vmem>>)
      "tpu.region"() ({
        %run_scoped3A = tpu.sem_alloc : memref<!tpu.dma_semaphore, #tpu.memory_space<semaphore_mem>>
        %dma_start3A_182 = arith.constant 0 : i32
        %dma_start3A_183 = arith.constant 0 : i32
        %dma_start3A_184 = tpu.memref_slice %arg19[%dma_start3A_182, %dma_start3A_183] : memref<10240x128xf32, #tpu.memory_space<vmem_shared>> -> memref<10240x128xf32, #tpu.memory_space<vmem_shared>>
        tpu.enqueue_indirect_dma source(%arg12 : memref<128x128xf32, #tpu.memory_space<vmem>>) target(%dma_start3A_184 : memref<10240x128xf32, #tpu.memory_space<vmem_shared>>) offsets(%arg11 : memref<128xi32, #tpu.memory_space<vmem>>) semaphore(%run_scoped3A : memref<!tpu.dma_semaphore, #tpu.memory_space<semaphore_mem>>) {add = true}
        %dma_wait3A_185 = arith.constant 0 : i32
        %dma_wait3A_186 = arith.constant 0 : i32
        %dma_wait3A_187 = tpu.memref_slice %arg19[%dma_wait3A_185, %dma_wait3A_186] : memref<10240x128xf32, #tpu.memory_space<vmem_shared>> -> memref<10240x128xf32, #tpu.memory_space<vmem_shared>>
        tpu.wait_indirect_dma semaphore(%run_scoped3A : memref<!tpu.dma_semaphore, #tpu.memory_space<semaphore_mem>>) src(%arg12 : memref<128x128xf32, #tpu.memory_space<vmem>>) dst(%dma_wait3A_187 : memref<10240x128xf32, #tpu.memory_space<vmem_shared>>)
        tpu.yield
      }) : () -> ()
      %add3A_124 = arith.constant 3 : i32
      %add3A_125 = arith.addi %mul3A_66, %add3A_124 : i32
      %add3A_126 = arith.constant 2 : i32
      %add3A_127 = arith.addi %add3A_125, %add3A_126 : i32
      %lt3A_128 = arith.constant 78 : i32
      %lt3A_129 = arith.cmpi slt, %add3A_127, %lt3A_128 : i32
      %convert_element_type3A_130 = arith.extui %lt3A_129 : i1 to i32
      %cond3A_131 = arith.constant 0 : i32
      %cond3A_132 = arith.cmpi ne, %convert_element_type3A_130, %cond3A_131 : i32
      scf.if %cond3A_132 {
        %add3A_182 = arith.constant 2 : i32
        %add3A_183 = arith.addi %add3A_125, %add3A_182 : i32
        %mul3A_184 = arith.constant 128 : i32
        %mul3A_185 = arith.muli %add3A_183, %mul3A_184 : i32
        %add3A_186 = arith.addi %mul3A_2, %mul3A_185 : i32
        %dma_start3A_187 = tpu.memref_slice %arg3[%add3A_186] : memref<320000xi32, #tpu.memory_space<hbm>> -> memref<128xi32, #tpu.memory_space<hbm>>
        %dma_start3A_188 = tpu.memref_slice %arg3[%add3A_186] : memref<320000xi32, #tpu.memory_space<hbm>> -> memref<128xi32, #tpu.memory_space<hbm>>
        tpu.enqueue_dma source(%dma_start3A_188 : memref<128xi32, #tpu.memory_space<hbm>>) target(%arg8 : memref<128xi32, #tpu.memory_space<vmem>>) target_semaphore(%arg16 : memref<!tpu.dma_semaphore, #tpu.memory_space<semaphore_mem>>)
        %dma_start3A_189 = tpu.memref_slice %arg4[%add3A_186] : memref<320000xi32, #tpu.memory_space<hbm>> -> memref<128xi32, #tpu.memory_space<hbm>>
        %dma_start3A_190 = tpu.memref_slice %arg4[%add3A_186] : memref<320000xi32, #tpu.memory_space<hbm>> -> memref<128xi32, #tpu.memory_space<hbm>>
        tpu.enqueue_dma source(%dma_start3A_190 : memref<128xi32, #tpu.memory_space<hbm>>) target(%arg11 : memref<128xi32, #tpu.memory_space<vmem>>) target_semaphore(%arg16 : memref<!tpu.dma_semaphore, #tpu.memory_space<semaphore_mem>>)
      } else {
      }
      %add3A_133 = arith.constant 1 : i32
      %add3A_134 = arith.addi %add3A_125, %add3A_133 : i32
      %lt3A_135 = arith.constant 78 : i32
      %lt3A_136 = arith.cmpi slt, %add3A_134, %lt3A_135 : i32
      %convert_element_type3A_137 = arith.extui %lt3A_136 : i1 to i32
      %cond3A_138 = arith.constant 0 : i32
      %cond3A_139 = arith.cmpi ne, %convert_element_type3A_137, %cond3A_138 : i32
      scf.if %cond3A_139 {
        %add3A_182 = arith.constant 1 : i32
        %add3A_183 = arith.addi %add3A_125, %add3A_182 : i32
        %mul3A_184 = arith.constant 128 : i32
        %mul3A_185 = arith.muli %add3A_183, %mul3A_184 : i32
        %add3A_186 = arith.addi %mul3A_2, %mul3A_185 : i32
        %dma_wait3A_187 = tpu.memref_slice %arg3[%add3A_186] : memref<320000xi32, #tpu.memory_space<hbm>> -> memref<128xi32, #tpu.memory_space<hbm>>
        %dma_wait3A_188 = tpu.memref_slice %arg3[%add3A_186] : memref<320000xi32, #tpu.memory_space<hbm>> -> memref<128xi32, #tpu.memory_space<hbm>>
        tpu.wait_dma2 semaphore(%arg15 : memref<!tpu.dma_semaphore, #tpu.memory_space<semaphore_mem>>) src(%dma_wait3A_188 : memref<128xi32, #tpu.memory_space<hbm>>) dst(%arg7 : memref<128xi32, #tpu.memory_space<vmem>>)
        %dma_wait3A_189 = tpu.memref_slice %arg4[%add3A_186] : memref<320000xi32, #tpu.memory_space<hbm>> -> memref<128xi32, #tpu.memory_space<hbm>>
        %dma_wait3A_190 = tpu.memref_slice %arg4[%add3A_186] : memref<320000xi32, #tpu.memory_space<hbm>> -> memref<128xi32, #tpu.memory_space<hbm>>
        tpu.wait_dma2 semaphore(%arg15 : memref<!tpu.dma_semaphore, #tpu.memory_space<semaphore_mem>>) src(%dma_wait3A_190 : memref<128xi32, #tpu.memory_space<hbm>>) dst(%arg10 : memref<128xi32, #tpu.memory_space<vmem>>)
        %dma_start3A_191 = arith.constant 0 : i32
        %dma_start3A_192 = arith.constant 0 : i32
        %dma_start3A_193 = tpu.memref_slice %arg2[%dma_start3A_191, %dma_start3A_192] : memref<10240x128xf32, #tpu.memory_space<hbm>> -> memref<10240x128xf32, #tpu.memory_space<hbm>>
        tpu.enqueue_indirect_dma source(%dma_start3A_193 : memref<10240x128xf32, #tpu.memory_space<hbm>>) target(%arg12 : memref<128x128xf32, #tpu.memory_space<vmem>>) offsets(%arg7 : memref<128xi32, #tpu.memory_space<vmem>>) semaphore(%arg17 : memref<!tpu.dma_semaphore, #tpu.memory_space<semaphore_mem>>)
      } else {
      }
      %dma_wait3A_140 = arith.constant 0 : i32
      %dma_wait3A_141 = arith.constant 0 : i32
      %dma_wait3A_142 = tpu.memref_slice %arg2[%dma_wait3A_140, %dma_wait3A_141] : memref<10240x128xf32, #tpu.memory_space<hbm>> -> memref<10240x128xf32, #tpu.memory_space<hbm>>
      tpu.wait_indirect_dma semaphore(%arg18 : memref<!tpu.dma_semaphore, #tpu.memory_space<semaphore_mem>>) src(%dma_wait3A_142 : memref<10240x128xf32, #tpu.memory_space<hbm>>) dst(%arg13 : memref<128x128xf32, #tpu.memory_space<vmem>>)
      "tpu.region"() ({
        %run_scoped3A = tpu.sem_alloc : memref<!tpu.dma_semaphore, #tpu.memory_space<semaphore_mem>>
        %dma_start3A_182 = arith.constant 0 : i32
        %dma_start3A_183 = arith.constant 0 : i32
        %dma_start3A_184 = tpu.memref_slice %arg19[%dma_start3A_182, %dma_start3A_183] : memref<10240x128xf32, #tpu.memory_space<vmem_shared>> -> memref<10240x128xf32, #tpu.memory_space<vmem_shared>>
        tpu.enqueue_indirect_dma source(%arg13 : memref<128x128xf32, #tpu.memory_space<vmem>>) target(%dma_start3A_184 : memref<10240x128xf32, #tpu.memory_space<vmem_shared>>) offsets(%arg9 : memref<128xi32, #tpu.memory_space<vmem>>) semaphore(%run_scoped3A : memref<!tpu.dma_semaphore, #tpu.memory_space<semaphore_mem>>) {add = true}
        %dma_wait3A_185 = arith.constant 0 : i32
        %dma_wait3A_186 = arith.constant 0 : i32
        %dma_wait3A_187 = tpu.memref_slice %arg19[%dma_wait3A_185, %dma_wait3A_186] : memref<10240x128xf32, #tpu.memory_space<vmem_shared>> -> memref<10240x128xf32, #tpu.memory_space<vmem_shared>>
        tpu.wait_indirect_dma semaphore(%run_scoped3A : memref<!tpu.dma_semaphore, #tpu.memory_space<semaphore_mem>>) src(%arg13 : memref<128x128xf32, #tpu.memory_space<vmem>>) dst(%dma_wait3A_187 : memref<10240x128xf32, #tpu.memory_space<vmem_shared>>)
        tpu.yield
      }) : () -> ()
      %add3A_143 = arith.constant 4 : i32
      %add3A_144 = arith.addi %mul3A_66, %add3A_143 : i32
      %add3A_145 = arith.constant 2 : i32
      %add3A_146 = arith.addi %add3A_144, %add3A_145 : i32
      %lt3A_147 = arith.constant 78 : i32
      %lt3A_148 = arith.cmpi slt, %add3A_146, %lt3A_147 : i32
      %convert_element_type3A_149 = arith.extui %lt3A_148 : i1 to i32
      %cond3A_150 = arith.constant 0 : i32
      %cond3A_151 = arith.cmpi ne, %convert_element_type3A_149, %cond3A_150 : i32
      scf.if %cond3A_151 {
        %add3A_182 = arith.constant 2 : i32
        %add3A_183 = arith.addi %add3A_144, %add3A_182 : i32
        %mul3A_184 = arith.constant 128 : i32
        %mul3A_185 = arith.muli %add3A_183, %mul3A_184 : i32
        %add3A_186 = arith.addi %mul3A_2, %mul3A_185 : i32
        %dma_start3A_187 = tpu.memref_slice %arg3[%add3A_186] : memref<320000xi32, #tpu.memory_space<hbm>> -> memref<128xi32, #tpu.memory_space<hbm>>
        %dma_start3A_188 = tpu.memref_slice %arg3[%add3A_186] : memref<320000xi32, #tpu.memory_space<hbm>> -> memref<128xi32, #tpu.memory_space<hbm>>
        tpu.enqueue_dma source(%dma_start3A_188 : memref<128xi32, #tpu.memory_space<hbm>>) target(%arg6 : memref<128xi32, #tpu.memory_space<vmem>>) target_semaphore(%arg14 : memref<!tpu.dma_semaphore, #tpu.memory_space<semaphore_mem>>)
        %dma_start3A_189 = tpu.memref_slice %arg4[%add3A_186] : memref<320000xi32, #tpu.memory_space<hbm>> -> memref<128xi32, #tpu.memory_space<hbm>>
        %dma_start3A_190 = tpu.memref_slice %arg4[%add3A_186] : memref<320000xi32, #tpu.memory_space<hbm>> -> memref<128xi32, #tpu.memory_space<hbm>>
        tpu.enqueue_dma source(%dma_start3A_190 : memref<128xi32, #tpu.memory_space<hbm>>) target(%arg9 : memref<128xi32, #tpu.memory_space<vmem>>) target_semaphore(%arg14 : memref<!tpu.dma_semaphore, #tpu.memory_space<semaphore_mem>>)
      } else {
      }
      %add3A_152 = arith.constant 1 : i32
      %add3A_153 = arith.addi %add3A_144, %add3A_152 : i32
      %lt3A_154 = arith.constant 78 : i32
      %lt3A_155 = arith.cmpi slt, %add3A_153, %lt3A_154 : i32
      %convert_element_type3A_156 = arith.extui %lt3A_155 : i1 to i32
      %cond3A_157 = arith.constant 0 : i32
      %cond3A_158 = arith.cmpi ne, %convert_element_type3A_156, %cond3A_157 : i32
      scf.if %cond3A_158 {
        %add3A_182 = arith.constant 1 : i32
        %add3A_183 = arith.addi %add3A_144, %add3A_182 : i32
        %mul3A_184 = arith.constant 128 : i32
        %mul3A_185 = arith.muli %add3A_183, %mul3A_184 : i32
        %add3A_186 = arith.addi %mul3A_2, %mul3A_185 : i32
        %dma_wait3A_187 = tpu.memref_slice %arg3[%add3A_186] : memref<320000xi32, #tpu.memory_space<hbm>> -> memref<128xi32, #tpu.memory_space<hbm>>
        %dma_wait3A_188 = tpu.memref_slice %arg3[%add3A_186] : memref<320000xi32, #tpu.memory_space<hbm>> -> memref<128xi32, #tpu.memory_space<hbm>>
        tpu.wait_dma2 semaphore(%arg16 : memref<!tpu.dma_semaphore, #tpu.memory_space<semaphore_mem>>) src(%dma_wait3A_188 : memref<128xi32, #tpu.memory_space<hbm>>) dst(%arg8 : memref<128xi32, #tpu.memory_space<vmem>>)
        %dma_wait3A_189 = tpu.memref_slice %arg4[%add3A_186] : memref<320000xi32, #tpu.memory_space<hbm>> -> memref<128xi32, #tpu.memory_space<hbm>>
        %dma_wait3A_190 = tpu.memref_slice %arg4[%add3A_186] : memref<320000xi32, #tpu.memory_space<hbm>> -> memref<128xi32, #tpu.memory_space<hbm>>
        tpu.wait_dma2 semaphore(%arg16 : memref<!tpu.dma_semaphore, #tpu.memory_space<semaphore_mem>>) src(%dma_wait3A_190 : memref<128xi32, #tpu.memory_space<hbm>>) dst(%arg11 : memref<128xi32, #tpu.memory_space<vmem>>)
        %dma_start3A_191 = arith.constant 0 : i32
        %dma_start3A_192 = arith.constant 0 : i32
        %dma_start3A_193 = tpu.memref_slice %arg2[%dma_start3A_191, %dma_start3A_192] : memref<10240x128xf32, #tpu.memory_space<hbm>> -> memref<10240x128xf32, #tpu.memory_space<hbm>>
        tpu.enqueue_indirect_dma source(%dma_start3A_193 : memref<10240x128xf32, #tpu.memory_space<hbm>>) target(%arg13 : memref<128x128xf32, #tpu.memory_space<vmem>>) offsets(%arg8 : memref<128xi32, #tpu.memory_space<vmem>>) semaphore(%arg18 : memref<!tpu.dma_semaphore, #tpu.memory_space<semaphore_mem>>)
      } else {
      }
      %dma_wait3A_159 = arith.constant 0 : i32
      %dma_wait3A_160 = arith.constant 0 : i32
      %dma_wait3A_161 = tpu.memref_slice %arg2[%dma_wait3A_159, %dma_wait3A_160] : memref<10240x128xf32, #tpu.memory_space<hbm>> -> memref<10240x128xf32, #tpu.memory_space<hbm>>
      tpu.wait_indirect_dma semaphore(%arg17 : memref<!tpu.dma_semaphore, #tpu.memory_space<semaphore_mem>>) src(%dma_wait3A_161 : memref<10240x128xf32, #tpu.memory_space<hbm>>) dst(%arg12 : memref<128x128xf32, #tpu.memory_space<vmem>>)
      "tpu.region"() ({
        %run_scoped3A = tpu.sem_alloc : memref<!tpu.dma_semaphore, #tpu.memory_space<semaphore_mem>>
        %dma_start3A_182 = arith.constant 0 : i32
        %dma_start3A_183 = arith.constant 0 : i32
        %dma_start3A_184 = tpu.memref_slice %arg19[%dma_start3A_182, %dma_start3A_183] : memref<10240x128xf32, #tpu.memory_space<vmem_shared>> -> memref<10240x128xf32, #tpu.memory_space<vmem_shared>>
        tpu.enqueue_indirect_dma source(%arg12 : memref<128x128xf32, #tpu.memory_space<vmem>>) target(%dma_start3A_184 : memref<10240x128xf32, #tpu.memory_space<vmem_shared>>) offsets(%arg10 : memref<128xi32, #tpu.memory_space<vmem>>) semaphore(%run_scoped3A : memref<!tpu.dma_semaphore, #tpu.memory_space<semaphore_mem>>) {add = true}
        %dma_wait3A_185 = arith.constant 0 : i32
        %dma_wait3A_186 = arith.constant 0 : i32
        %dma_wait3A_187 = tpu.memref_slice %arg19[%dma_wait3A_185, %dma_wait3A_186] : memref<10240x128xf32, #tpu.memory_space<vmem_shared>> -> memref<10240x128xf32, #tpu.memory_space<vmem_shared>>
        tpu.wait_indirect_dma semaphore(%run_scoped3A : memref<!tpu.dma_semaphore, #tpu.memory_space<semaphore_mem>>) src(%arg12 : memref<128x128xf32, #tpu.memory_space<vmem>>) dst(%dma_wait3A_187 : memref<10240x128xf32, #tpu.memory_space<vmem_shared>>)
        tpu.yield
      }) : () -> ()
      %add3A_162 = arith.constant 5 : i32
      %add3A_163 = arith.addi %mul3A_66, %add3A_162 : i32
      %add3A_164 = arith.constant 2 : i32
      %add3A_165 = arith.addi %add3A_163, %add3A_164 : i32
      %lt3A_166 = arith.constant 78 : i32
      %lt3A_167 = arith.cmpi slt, %add3A_165, %lt3A_166 : i32
      %convert_element_type3A_168 = arith.extui %lt3A_167 : i1 to i32
      %cond3A_169 = arith.constant 0 : i32
      %cond3A_170 = arith.cmpi ne, %convert_element_type3A_168, %cond3A_169 : i32
      scf.if %cond3A_170 {
        %add3A_182 = arith.constant 2 : i32
        %add3A_183 = arith.addi %add3A_163, %add3A_182 : i32
        %mul3A_184 = arith.constant 128 : i32
        %mul3A_185 = arith.muli %add3A_183, %mul3A_184 : i32
        %add3A_186 = arith.addi %mul3A_2, %mul3A_185 : i32
        %dma_start3A_187 = tpu.memref_slice %arg3[%add3A_186] : memref<320000xi32, #tpu.memory_space<hbm>> -> memref<128xi32, #tpu.memory_space<hbm>>
        %dma_start3A_188 = tpu.memref_slice %arg3[%add3A_186] : memref<320000xi32, #tpu.memory_space<hbm>> -> memref<128xi32, #tpu.memory_space<hbm>>
        tpu.enqueue_dma source(%dma_start3A_188 : memref<128xi32, #tpu.memory_space<hbm>>) target(%arg7 : memref<128xi32, #tpu.memory_space<vmem>>) target_semaphore(%arg15 : memref<!tpu.dma_semaphore, #tpu.memory_space<semaphore_mem>>)
        %dma_start3A_189 = tpu.memref_slice %arg4[%add3A_186] : memref<320000xi32, #tpu.memory_space<hbm>> -> memref<128xi32, #tpu.memory_space<hbm>>
        %dma_start3A_190 = tpu.memref_slice %arg4[%add3A_186] : memref<320000xi32, #tpu.memory_space<hbm>> -> memref<128xi32, #tpu.memory_space<hbm>>
        tpu.enqueue_dma source(%dma_start3A_190 : memref<128xi32, #tpu.memory_space<hbm>>) target(%arg10 : memref<128xi32, #tpu.memory_space<vmem>>) target_semaphore(%arg15 : memref<!tpu.dma_semaphore, #tpu.memory_space<semaphore_mem>>)
      } else {
      }
      %add3A_171 = arith.constant 1 : i32
      %add3A_172 = arith.addi %add3A_163, %add3A_171 : i32
      %lt3A_173 = arith.constant 78 : i32
      %lt3A_174 = arith.cmpi slt, %add3A_172, %lt3A_173 : i32
      %convert_element_type3A_175 = arith.extui %lt3A_174 : i1 to i32
      %cond3A_176 = arith.constant 0 : i32
      %cond3A_177 = arith.cmpi ne, %convert_element_type3A_175, %cond3A_176 : i32
      scf.if %cond3A_177 {
        %add3A_182 = arith.constant 1 : i32
        %add3A_183 = arith.addi %add3A_163, %add3A_182 : i32
        %mul3A_184 = arith.constant 128 : i32
        %mul3A_185 = arith.muli %add3A_183, %mul3A_184 : i32
        %add3A_186 = arith.addi %mul3A_2, %mul3A_185 : i32
        %dma_wait3A_187 = tpu.memref_slice %arg3[%add3A_186] : memref<320000xi32, #tpu.memory_space<hbm>> -> memref<128xi32, #tpu.memory_space<hbm>>
        %dma_wait3A_188 = tpu.memref_slice %arg3[%add3A_186] : memref<320000xi32, #tpu.memory_space<hbm>> -> memref<128xi32, #tpu.memory_space<hbm>>
        tpu.wait_dma2 semaphore(%arg14 : memref<!tpu.dma_semaphore, #tpu.memory_space<semaphore_mem>>) src(%dma_wait3A_188 : memref<128xi32, #tpu.memory_space<hbm>>) dst(%arg6 : memref<128xi32, #tpu.memory_space<vmem>>)
        %dma_wait3A_189 = tpu.memref_slice %arg4[%add3A_186] : memref<320000xi32, #tpu.memory_space<hbm>> -> memref<128xi32, #tpu.memory_space<hbm>>
        %dma_wait3A_190 = tpu.memref_slice %arg4[%add3A_186] : memref<320000xi32, #tpu.memory_space<hbm>> -> memref<128xi32, #tpu.memory_space<hbm>>
        tpu.wait_dma2 semaphore(%arg14 : memref<!tpu.dma_semaphore, #tpu.memory_space<semaphore_mem>>) src(%dma_wait3A_190 : memref<128xi32, #tpu.memory_space<hbm>>) dst(%arg9 : memref<128xi32, #tpu.memory_space<vmem>>)
        %dma_start3A_191 = arith.constant 0 : i32
        %dma_start3A_192 = arith.constant 0 : i32
        %dma_start3A_193 = tpu.memref_slice %arg2[%dma_start3A_191, %dma_start3A_192] : memref<10240x128xf32, #tpu.memory_space<hbm>> -> memref<10240x128xf32, #tpu.memory_space<hbm>>
        tpu.enqueue_indirect_dma source(%dma_start3A_193 : memref<10240x128xf32, #tpu.memory_space<hbm>>) target(%arg12 : memref<128x128xf32, #tpu.memory_space<vmem>>) offsets(%arg6 : memref<128xi32, #tpu.memory_space<vmem>>) semaphore(%arg17 : memref<!tpu.dma_semaphore, #tpu.memory_space<semaphore_mem>>)
      } else {
      }
      %dma_wait3A_178 = arith.constant 0 : i32
      %dma_wait3A_179 = arith.constant 0 : i32
      %dma_wait3A_180 = tpu.memref_slice %arg2[%dma_wait3A_178, %dma_wait3A_179] : memref<10240x128xf32, #tpu.memory_space<hbm>> -> memref<10240x128xf32, #tpu.memory_space<hbm>>
      tpu.wait_indirect_dma semaphore(%arg18 : memref<!tpu.dma_semaphore, #tpu.memory_space<semaphore_mem>>) src(%dma_wait3A_180 : memref<10240x128xf32, #tpu.memory_space<hbm>>) dst(%arg13 : memref<128x128xf32, #tpu.memory_space<vmem>>)
      "tpu.region"() ({
        %run_scoped3A = tpu.sem_alloc : memref<!tpu.dma_semaphore, #tpu.memory_space<semaphore_mem>>
        %dma_start3A_182 = arith.constant 0 : i32
        %dma_start3A_183 = arith.constant 0 : i32
        %dma_start3A_184 = tpu.memref_slice %arg19[%dma_start3A_182, %dma_start3A_183] : memref<10240x128xf32, #tpu.memory_space<vmem_shared>> -> memref<10240x128xf32, #tpu.memory_space<vmem_shared>>
        tpu.enqueue_indirect_dma source(%arg13 : memref<128x128xf32, #tpu.memory_space<vmem>>) target(%dma_start3A_184 : memref<10240x128xf32, #tpu.memory_space<vmem_shared>>) offsets(%arg11 : memref<128xi32, #tpu.memory_space<vmem>>) semaphore(%run_scoped3A : memref<!tpu.dma_semaphore, #tpu.memory_space<semaphore_mem>>) {add = true}
        %dma_wait3A_185 = arith.constant 0 : i32
        %dma_wait3A_186 = arith.constant 0 : i32
        %dma_wait3A_187 = tpu.memref_slice %arg19[%dma_wait3A_185, %dma_wait3A_186] : memref<10240x128xf32, #tpu.memory_space<vmem_shared>> -> memref<10240x128xf32, #tpu.memory_space<vmem_shared>>
        tpu.wait_indirect_dma semaphore(%run_scoped3A : memref<!tpu.dma_semaphore, #tpu.memory_space<semaphore_mem>>) src(%arg13 : memref<128x128xf32, #tpu.memory_space<vmem>>) dst(%dma_wait3A_187 : memref<10240x128xf32, #tpu.memory_space<vmem_shared>>)
        tpu.yield
      }) : () -> ()
      %scan3A_181 = arith.constant 0 : i32
      scf.yield %scan3A_181 : i32
    }
    %scan3A_55 = arith.constant 13 : i32
    %lt3A = arith.constant 4 : i32
    %lt3A_56 = arith.cmpi slt, %add3A, %lt3A : i32
    %convert_element_type3A = arith.extui %lt3A_56 : i1 to i32
    %cond3A = arith.constant 0 : i32
    %cond3A_57 = arith.cmpi ne, %convert_element_type3A, %cond3A : i32
    scf.if %cond3A_57 {
      %mul3A_63 = arith.constant 128 : i32
      %mul3A_64 = arith.muli %add3A, %mul3A_63 : i32
      %add3A_65 = arith.constant 319488 : i32
      %add3A_66 = arith.addi %add3A_65, %mul3A_64 : i32
      "tpu.region"() ({
        %run_scoped3A = tpu.sem_alloc : memref<!tpu.dma_semaphore, #tpu.memory_space<semaphore_mem>>
        %dma_start3A_73 = tpu.memref_slice %arg3[%add3A_66] : memref<320000xi32, #tpu.memory_space<hbm>> -> memref<128xi32, #tpu.memory_space<hbm>>
        %dma_start3A_74 = tpu.memref_slice %arg3[%add3A_66] : memref<320000xi32, #tpu.memory_space<hbm>> -> memref<128xi32, #tpu.memory_space<hbm>>
        tpu.enqueue_dma source(%dma_start3A_74 : memref<128xi32, #tpu.memory_space<hbm>>) target(%arg6 : memref<128xi32, #tpu.memory_space<vmem>>) target_semaphore(%run_scoped3A : memref<!tpu.dma_semaphore, #tpu.memory_space<semaphore_mem>>)
        %dma_wait3A_75 = tpu.memref_slice %arg3[%add3A_66] : memref<320000xi32, #tpu.memory_space<hbm>> -> memref<128xi32, #tpu.memory_space<hbm>>
        %dma_wait3A_76 = tpu.memref_slice %arg3[%add3A_66] : memref<320000xi32, #tpu.memory_space<hbm>> -> memref<128xi32, #tpu.memory_space<hbm>>
        tpu.wait_dma2 semaphore(%run_scoped3A : memref<!tpu.dma_semaphore, #tpu.memory_space<semaphore_mem>>) src(%dma_wait3A_76 : memref<128xi32, #tpu.memory_space<hbm>>) dst(%arg6 : memref<128xi32, #tpu.memory_space<vmem>>)
        tpu.yield
      }) : () -> ()
      %dma_start3A_67 = arith.constant 0 : i32
      %dma_start3A_68 = arith.constant 0 : i32
      %dma_start3A_69 = tpu.memref_slice %arg2[%dma_start3A_67, %dma_start3A_68] : memref<10240x128xf32, #tpu.memory_space<hbm>> -> memref<10240x128xf32, #tpu.memory_space<hbm>>
      tpu.enqueue_indirect_dma source(%dma_start3A_69 : memref<10240x128xf32, #tpu.memory_space<hbm>>) target(%arg12 : memref<128x128xf32, #tpu.memory_space<vmem>>) offsets(%arg6 : memref<128xi32, #tpu.memory_space<vmem>>) semaphore(%arg17 : memref<!tpu.dma_semaphore, #tpu.memory_space<semaphore_mem>>)
      %dma_wait3A_70 = arith.constant 0 : i32
      %dma_wait3A_71 = arith.constant 0 : i32
      %dma_wait3A_72 = tpu.memref_slice %arg2[%dma_wait3A_70, %dma_wait3A_71] : memref<10240x128xf32, #tpu.memory_space<hbm>> -> memref<10240x128xf32, #tpu.memory_space<hbm>>
      tpu.wait_indirect_dma semaphore(%arg17 : memref<!tpu.dma_semaphore, #tpu.memory_space<semaphore_mem>>) src(%dma_wait3A_72 : memref<10240x128xf32, #tpu.memory_space<hbm>>) dst(%arg12 : memref<128x128xf32, #tpu.memory_space<vmem>>)
      "tpu.region"() ({
        %run_scoped3A = tpu.sem_alloc : memref<!tpu.dma_semaphore, #tpu.memory_space<semaphore_mem>>
        %dma_start3A_73 = tpu.memref_slice %arg4[%add3A_66] : memref<320000xi32, #tpu.memory_space<hbm>> -> memref<128xi32, #tpu.memory_space<hbm>>
        %dma_start3A_74 = tpu.memref_slice %arg4[%add3A_66] : memref<320000xi32, #tpu.memory_space<hbm>> -> memref<128xi32, #tpu.memory_space<hbm>>
        tpu.enqueue_dma source(%dma_start3A_74 : memref<128xi32, #tpu.memory_space<hbm>>) target(%arg9 : memref<128xi32, #tpu.memory_space<vmem>>) target_semaphore(%run_scoped3A : memref<!tpu.dma_semaphore, #tpu.memory_space<semaphore_mem>>)
        %dma_wait3A_75 = tpu.memref_slice %arg4[%add3A_66] : memref<320000xi32, #tpu.memory_space<hbm>> -> memref<128xi32, #tpu.memory_space<hbm>>
        %dma_wait3A_76 = tpu.memref_slice %arg4[%add3A_66] : memref<320000xi32, #tpu.memory_space<hbm>> -> memref<128xi32, #tpu.memory_space<hbm>>
        tpu.wait_dma2 semaphore(%run_scoped3A : memref<!tpu.dma_semaphore, #tpu.memory_space<semaphore_mem>>) src(%dma_wait3A_76 : memref<128xi32, #tpu.memory_space<hbm>>) dst(%arg9 : memref<128xi32, #tpu.memory_space<vmem>>)
        tpu.yield
      }) : () -> ()
      "tpu.region"() ({
        %run_scoped3A = tpu.sem_alloc : memref<!tpu.dma_semaphore, #tpu.memory_space<semaphore_mem>>
        %dma_start3A_73 = arith.constant 0 : i32
        %dma_start3A_74 = arith.constant 0 : i32
        %dma_start3A_75 = tpu.memref_slice %arg19[%dma_start3A_73, %dma_start3A_74] : memref<10240x128xf32, #tpu.memory_space<vmem_shared>> -> memref<10240x128xf32, #tpu.memory_space<vmem_shared>>
        tpu.enqueue_indirect_dma source(%arg12 : memref<128x128xf32, #tpu.memory_space<vmem>>) target(%dma_start3A_75 : memref<10240x128xf32, #tpu.memory_space<vmem_shared>>) offsets(%arg9 : memref<128xi32, #tpu.memory_space<vmem>>) semaphore(%run_scoped3A : memref<!tpu.dma_semaphore, #tpu.memory_space<semaphore_mem>>) {add = true}
        %dma_wait3A_76 = arith.constant 0 : i32
        %dma_wait3A_77 = arith.constant 0 : i32
        %dma_wait3A_78 = tpu.memref_slice %arg19[%dma_wait3A_76, %dma_wait3A_77] : memref<10240x128xf32, #tpu.memory_space<vmem_shared>> -> memref<10240x128xf32, #tpu.memory_space<vmem_shared>>
        tpu.wait_indirect_dma semaphore(%run_scoped3A : memref<!tpu.dma_semaphore, #tpu.memory_space<semaphore_mem>>) src(%arg12 : memref<128x128xf32, #tpu.memory_space<vmem>>) dst(%dma_wait3A_78 : memref<10240x128xf32, #tpu.memory_space<vmem_shared>>)
        tpu.yield
      }) : () -> ()
    } else {
    }
    %barrier3A_58 = arith.constant 0 : index
    tpu.barrier barrier_id(%barrier3A_58)
    %mul3A_59 = arith.constant 640 : i32
    %mul3A_60 = arith.muli %arg1, %mul3A_59 : i32
    %mul3A_61 = arith.constant 640 : i32
    %mul3A_62 = arith.muli %arg1, %mul3A_61 : i32
    "tpu.region"() ({
      %run_scoped3A = tpu.sem_alloc : memref<!tpu.dma_semaphore, #tpu.memory_space<semaphore_mem>>
      %dma_start3A_63 = arith.constant 0 : i32
      %dma_start3A_64 = tpu.memref_slice %arg5[%arg0, %mul3A_62, %dma_start3A_63] : memref<2x10240x128xf32, #tpu.memory_space<hbm>> -> memref<1x640x128xf32, #tpu.memory_space<hbm>>
      %dma_start3A_65 = tpu.memref_squeeze %dma_start3A_64 : memref<1x640x128xf32, #tpu.memory_space<hbm>> -> memref<640x128xf32, #tpu.memory_space<hbm>>
      %dma_start3A_66 = arith.constant 0 : i32
      %dma_start3A_67 = tpu.memref_slice %arg19[%mul3A_60, %dma_start3A_66] : memref<10240x128xf32, #tpu.memory_space<vmem_shared>> -> memref<640x128xf32, #tpu.memory_space<vmem_shared>>
      tpu.enqueue_dma source(%dma_start3A_67 : memref<640x128xf32, #tpu.memory_space<vmem_shared>>) target(%dma_start3A_65 : memref<640x128xf32, #tpu.memory_space<hbm>>) target_semaphore(%run_scoped3A : memref<!tpu.dma_semaphore, #tpu.memory_space<semaphore_mem>>)
      %dma_wait3A_68 = arith.constant 0 : i32
      %dma_wait3A_69 = tpu.memref_slice %arg5[%arg0, %mul3A_62, %dma_wait3A_68] : memref<2x10240x128xf32, #tpu.memory_space<hbm>> -> memref<1x640x128xf32, #tpu.memory_space<hbm>>
      %dma_wait3A_70 = tpu.memref_squeeze %dma_wait3A_69 : memref<1x640x128xf32, #tpu.memory_space<hbm>> -> memref<640x128xf32, #tpu.memory_space<hbm>>
      %dma_wait3A_71 = arith.constant 0 : i32
      %dma_wait3A_72 = tpu.memref_slice %arg19[%mul3A_60, %dma_wait3A_71] : memref<10240x128xf32, #tpu.memory_space<vmem_shared>> -> memref<640x128xf32, #tpu.memory_space<vmem_shared>>
      tpu.wait_dma2 semaphore(%run_scoped3A : memref<!tpu.dma_semaphore, #tpu.memory_space<semaphore_mem>>) src(%dma_wait3A_72 : memref<640x128xf32, #tpu.memory_space<vmem_shared>>) dst(%dma_wait3A_70 : memref<640x128xf32, #tpu.memory_space<hbm>>)
      tpu.yield
    }) : () -> ()
    return
  }
}

#map = affine_map<(d0, d1) -> (0, 0)>
#map1 = affine_map<(d0, d1) -> (0)>
#map2 = affine_map<(d0, d1) -> (0, 0, 0)>
module attributes {stable_mosaic.version = 14 : i64} {
  func.func @_scatter_body(%arg0: i32, %arg1: i32, %arg2: memref<10240x128xf32, #tpu.memory_space<hbm>>, %arg3: memref<320000xi32, #tpu.memory_space<hbm>>, %arg4: memref<320000xi32, #tpu.memory_space<hbm>>, %arg5: memref<2x10240x128xf32, #tpu.memory_space<hbm>>, %arg6: memref<128xi32, #tpu.memory_space<vmem>>, %arg7: memref<128xi32, #tpu.memory_space<vmem>>, %arg8: memref<128xi32, #tpu.memory_space<vmem>>, %arg9: memref<128xi32, #tpu.memory_space<vmem>>, %arg10: memref<128xi32, #tpu.memory_space<vmem>>, %arg11: memref<128xi32, #tpu.memory_space<vmem>>, %arg12: memref<128x128xf32, #tpu.memory_space<vmem>>, %arg13: memref<128x128xf32, #tpu.memory_space<vmem>>, %arg14: memref<!tpu.dma_semaphore, #tpu.memory_space<semaphore_mem>>, %arg15: memref<!tpu.dma_semaphore, #tpu.memory_space<semaphore_mem>>, %arg16: memref<!tpu.dma_semaphore, #tpu.memory_space<semaphore_mem>>, %arg17: memref<!tpu.dma_semaphore, #tpu.memory_space<semaphore_mem>>, %arg18: memref<!tpu.dma_semaphore, #tpu.memory_space<semaphore_mem>>, %arg19: memref<10240x128xf32, #tpu.memory_space<vmem_shared>>) attributes {dimension_semantics = [#tpu.dimension_semantics<core_parallel>, #tpu.dimension_semantics<subcore_parallel>], iteration_bounds = array<i64: 2, 16>, scalar_prefetch = 0 : i64, scratch_operands = 14 : i64, tpu.core_type = #tpu.core_type<sc_vector_subcore>, window_params = [{transform_indices = #map}, {transform_indices = #map1}, {transform_indices = #map1}, {transform_indices = #map2}]} {
    %mul3A = arith.constant 2 : i32
    %mul3A_0 = arith.muli %arg1, %mul3A : i32
    %add3A = arith.addi %mul3A_0, %arg0 : i32
    %mul3A_1 = arith.constant 9984 : i32
    %mul3A_2 = arith.muli %add3A, %mul3A_1 : i32
    %add3A_3 = arith.constant 0 : i32
    %add3A_4 = arith.addi %mul3A_2, %add3A_3 : i32
    %dma_start3A = tpu.memref_slice %arg3[%add3A_4] : memref<320000xi32, #tpu.memory_space<hbm>> -> memref<128xi32, #tpu.memory_space<hbm>>
    %dma_start3A_5 = tpu.memref_slice %arg3[%add3A_4] : memref<320000xi32, #tpu.memory_space<hbm>> -> memref<128xi32, #tpu.memory_space<hbm>>
    tpu.enqueue_dma source(%dma_start3A_5 : memref<128xi32, #tpu.memory_space<hbm>>) target(%arg6 : memref<128xi32, #tpu.memory_space<vmem>>) target_semaphore(%arg14 : memref<!tpu.dma_semaphore, #tpu.memory_space<semaphore_mem>>)
    %dma_start3A_6 = tpu.memref_slice %arg4[%add3A_4] : memref<320000xi32, #tpu.memory_space<hbm>> -> memref<128xi32, #tpu.memory_space<hbm>>
    %dma_start3A_7 = tpu.memref_slice %arg4[%add3A_4] : memref<320000xi32, #tpu.memory_space<hbm>> -> memref<128xi32, #tpu.memory_space<hbm>>
    tpu.enqueue_dma source(%dma_start3A_7 : memref<128xi32, #tpu.memory_space<hbm>>) target(%arg9 : memref<128xi32, #tpu.memory_space<vmem>>) target_semaphore(%arg14 : memref<!tpu.dma_semaphore, #tpu.memory_space<semaphore_mem>>)
    %add3A_8 = arith.constant 128 : i32
    %add3A_9 = arith.addi %mul3A_2, %add3A_8 : i32
    %dma_start3A_10 = tpu.memref_slice %arg3[%add3A_9] : memref<320000xi32, #tpu.memory_space<hbm>> -> memref<128xi32, #tpu.memory_space<hbm>>
    %dma_start3A_11 = tpu.memref_slice %arg3[%add3A_9] : memref<320000xi32, #tpu.memory_space<hbm>> -> memref<128xi32, #tpu.memory_space<hbm>>
    tpu.enqueue_dma source(%dma_start3A_11 : memref<128xi32, #tpu.memory_space<hbm>>) target(%arg7 : memref<128xi32, #tpu.memory_space<vmem>>) target_semaphore(%arg15 : memref<!tpu.dma_semaphore, #tpu.memory_space<semaphore_mem>>)
    %dma_start3A_12 = tpu.memref_slice %arg4[%add3A_9] : memref<320000xi32, #tpu.memory_space<hbm>> -> memref<128xi32, #tpu.memory_space<hbm>>
    %dma_start3A_13 = tpu.memref_slice %arg4[%add3A_9] : memref<320000xi32, #tpu.memory_space<hbm>> -> memref<128xi32, #tpu.memory_space<hbm>>
    tpu.enqueue_dma source(%dma_start3A_13 : memref<128xi32, #tpu.memory_space<hbm>>) target(%arg10 : memref<128xi32, #tpu.memory_space<vmem>>) target_semaphore(%arg15 : memref<!tpu.dma_semaphore, #tpu.memory_space<semaphore_mem>>)
    %broadcast_in_dim3A = arith.constant 0.000000e+00 : f32
    %broadcast_in_dim3A_14 = vector.broadcast %broadcast_in_dim3A : f32 to vector<16xf32>
    %scan3A = arith.constant 0 : i32
    %scan3A_15 = arith.constant 0 : i32
    %scan3A_16 = arith.constant 128 : i32
    %scan3A_17 = arith.addi %scan3A_15, %scan3A_16 : i32
    %scan3A_18 = arith.constant 1 : i32
    %scan3A_19 = scf.for %scan3A_63 = %scan3A_15 to %scan3A_17 step %scan3A_18 iter_args(%scan3A_64 = %scan3A) -> (i32)  : i32 {
      %swap3A = arith.index_cast %scan3A_63 : i32 to index
      %swap3A_65 = arith.constant 0 : index
      %swap3A_66 = tpu.vector_load %arg12[%swap3A, %swap3A_65] {strides = array<i32>} : memref<128x128xf32, #tpu.memory_space<vmem>>, vector<16xf32>,
      tpu.vector_store %arg12[%swap3A, %swap3A_65], %broadcast_in_dim3A_14 {strides = array<i32>} : memref<128x128xf32, #tpu.memory_space<vmem>>, vector<16xf32>,
      %swap3A_67 = arith.index_cast %scan3A_63 : i32 to index
      %swap3A_68 = arith.constant 16 : index
      %swap3A_69 = tpu.vector_load %arg12[%swap3A_67, %swap3A_68] {strides = array<i32>} : memref<128x128xf32, #tpu.memory_space<vmem>>, vector<16xf32>,
      tpu.vector_store %arg12[%swap3A_67, %swap3A_68], %broadcast_in_dim3A_14 {strides = array<i32>} : memref<128x128xf32, #tpu.memory_space<vmem>>, vector<16xf32>,
      %swap3A_70 = arith.index_cast %scan3A_63 : i32 to index
      %swap3A_71 = arith.constant 32 : index
      %swap3A_72 = tpu.vector_load %arg12[%swap3A_70, %swap3A_71] {strides = array<i32>} : memref<128x128xf32, #tpu.memory_space<vmem>>, vector<16xf32>,
      tpu.vector_store %arg12[%swap3A_70, %swap3A_71], %broadcast_in_dim3A_14 {strides = array<i32>} : memref<128x128xf32, #tpu.memory_space<vmem>>, vector<16xf32>,
      %swap3A_73 = arith.index_cast %scan3A_63 : i32 to index
      %swap3A_74 = arith.constant 48 : index
      %swap3A_75 = tpu.vector_load %arg12[%swap3A_73, %swap3A_74] {strides = array<i32>} : memref<128x128xf32, #tpu.memory_space<vmem>>, vector<16xf32>,
      tpu.vector_store %arg12[%swap3A_73, %swap3A_74], %broadcast_in_dim3A_14 {strides = array<i32>} : memref<128x128xf32, #tpu.memory_space<vmem>>, vector<16xf32>,
      %swap3A_76 = arith.index_cast %scan3A_63 : i32 to index
      %swap3A_77 = arith.constant 64 : index
      %swap3A_78 = tpu.vector_load %arg12[%swap3A_76, %swap3A_77] {strides = array<i32>} : memref<128x128xf32, #tpu.memory_space<vmem>>, vector<16xf32>,
      tpu.vector_store %arg12[%swap3A_76, %swap3A_77], %broadcast_in_dim3A_14 {strides = array<i32>} : memref<128x128xf32, #tpu.memory_space<vmem>>, vector<16xf32>,
      %swap3A_79 = arith.index_cast %scan3A_63 : i32 to index
      %swap3A_80 = arith.constant 80 : index
      %swap3A_81 = tpu.vector_load %arg12[%swap3A_79, %swap3A_80] {strides = array<i32>} : memref<128x128xf32, #tpu.memory_space<vmem>>, vector<16xf32>,
      tpu.vector_store %arg12[%swap3A_79, %swap3A_80], %broadcast_in_dim3A_14 {strides = array<i32>} : memref<128x128xf32, #tpu.memory_space<vmem>>, vector<16xf32>,
      %swap3A_82 = arith.index_cast %scan3A_63 : i32 to index
      %swap3A_83 = arith.constant 96 : index
      %swap3A_84 = tpu.vector_load %arg12[%swap3A_82, %swap3A_83] {strides = array<i32>} : memref<128x128xf32, #tpu.memory_space<vmem>>, vector<16xf32>,
      tpu.vector_store %arg12[%swap3A_82, %swap3A_83], %broadcast_in_dim3A_14 {strides = array<i32>} : memref<128x128xf32, #tpu.memory_space<vmem>>, vector<16xf32>,
      %swap3A_85 = arith.index_cast %scan3A_63 : i32 to index
      %swap3A_86 = arith.constant 112 : index
      %swap3A_87 = tpu.vector_load %arg12[%swap3A_85, %swap3A_86] {strides = array<i32>} : memref<128x128xf32, #tpu.memory_space<vmem>>, vector<16xf32>,
      tpu.vector_store %arg12[%swap3A_85, %swap3A_86], %broadcast_in_dim3A_14 {strides = array<i32>} : memref<128x128xf32, #tpu.memory_space<vmem>>, vector<16xf32>,
      %scan3A_88 = arith.constant 0 : i32
      scf.yield %scan3A_88 : i32
    }
    %scan3A_20 = arith.constant 128 : i32
    %mul3A_21 = arith.constant 640 : i32
    %mul3A_22 = arith.muli %arg1, %mul3A_21 : i32
    %add3A_23 = arith.constant 0 : i32
    %add3A_24 = arith.addi %mul3A_22, %add3A_23 : i32
    "tpu.region"() ({
      %run_scoped3A = tpu.sem_alloc : memref<!tpu.dma_semaphore, #tpu.memory_space<semaphore_mem>>
      %dma_start3A_63 = arith.constant 0 : i32
      %dma_start3A_64 = tpu.memref_slice %arg19[%add3A_24, %dma_start3A_63] : memref<10240x128xf32, #tpu.memory_space<vmem_shared>> -> memref<128x128xf32, #tpu.memory_space<vmem_shared>>
      %dma_start3A_65 = arith.constant 0 : i32
      %dma_start3A_66 = tpu.memref_slice %arg19[%add3A_24, %dma_start3A_65] : memref<10240x128xf32, #tpu.memory_space<vmem_shared>> -> memref<128x128xf32, #tpu.memory_space<vmem_shared>>
      tpu.enqueue_dma source(%arg12 : memref<128x128xf32, #tpu.memory_space<vmem>>) target(%dma_start3A_66 : memref<128x128xf32, #tpu.memory_space<vmem_shared>>) target_semaphore(%run_scoped3A : memref<!tpu.dma_semaphore, #tpu.memory_space<semaphore_mem>>)
      %dma_wait3A_67 = arith.constant 0 : i32
      %dma_wait3A_68 = tpu.memref_slice %arg19[%add3A_24, %dma_wait3A_67] : memref<10240x128xf32, #tpu.memory_space<vmem_shared>> -> memref<128x128xf32, #tpu.memory_space<vmem_shared>>
      %dma_wait3A_69 = arith.constant 0 : i32
      %dma_wait3A_70 = tpu.memref_slice %arg19[%add3A_24, %dma_wait3A_69] : memref<10240x128xf32, #tpu.memory_space<vmem_shared>> -> memref<128x128xf32, #tpu.memory_space<vmem_shared>>
      tpu.wait_dma2 semaphore(%run_scoped3A : memref<!tpu.dma_semaphore, #tpu.memory_space<semaphore_mem>>) src(%arg12 : memref<128x128xf32, #tpu.memory_space<vmem>>) dst(%dma_wait3A_70 : memref<128x128xf32, #tpu.memory_space<vmem_shared>>)
      tpu.yield
    }) : () -> ()
    %mul3A_25 = arith.constant 640 : i32
    %mul3A_26 = arith.muli %arg1, %mul3A_25 : i32
    %add3A_27 = arith.constant 128 : i32
    %add3A_28 = arith.addi %mul3A_26, %add3A_27 : i32
    "tpu.region"() ({
      %run_scoped3A = tpu.sem_alloc : memref<!tpu.dma_semaphore, #tpu.memory_space<semaphore_mem>>
      %dma_start3A_63 = arith.constant 0 : i32
      %dma_start3A_64 = tpu.memref_slice %arg19[%add3A_28, %dma_start3A_63] : memref<10240x128xf32, #tpu.memory_space<vmem_shared>> -> memref<128x128xf32, #tpu.memory_space<vmem_shared>>
      %dma_start3A_65 = arith.constant 0 : i32
      %dma_start3A_66 = tpu.memref_slice %arg19[%add3A_28, %dma_start3A_65] : memref<10240x128xf32, #tpu.memory_space<vmem_shared>> -> memref<128x128xf32, #tpu.memory_space<vmem_shared>>
      tpu.enqueue_dma source(%arg12 : memref<128x128xf32, #tpu.memory_space<vmem>>) target(%dma_start3A_66 : memref<128x128xf32, #tpu.memory_space<vmem_shared>>) target_semaphore(%run_scoped3A : memref<!tpu.dma_semaphore, #tpu.memory_space<semaphore_mem>>)
      %dma_wait3A_67 = arith.constant 0 : i32
      %dma_wait3A_68 = tpu.memref_slice %arg19[%add3A_28, %dma_wait3A_67] : memref<10240x128xf32, #tpu.memory_space<vmem_shared>> -> memref<128x128xf32, #tpu.memory_space<vmem_shared>>
      %dma_wait3A_69 = arith.constant 0 : i32
      %dma_wait3A_70 = tpu.memref_slice %arg19[%add3A_28, %dma_wait3A_69] : memref<10240x128xf32, #tpu.memory_space<vmem_shared>> -> memref<128x128xf32, #tpu.memory_space<vmem_shared>>
      tpu.wait_dma2 semaphore(%run_scoped3A : memref<!tpu.dma_semaphore, #tpu.memory_space<semaphore_mem>>) src(%arg12 : memref<128x128xf32, #tpu.memory_space<vmem>>) dst(%dma_wait3A_70 : memref<128x128xf32, #tpu.memory_space<vmem_shared>>)
      tpu.yield
    }) : () -> ()
    %mul3A_29 = arith.constant 640 : i32
    %mul3A_30 = arith.muli %arg1, %mul3A_29 : i32
    %add3A_31 = arith.constant 256 : i32
    %add3A_32 = arith.addi %mul3A_30, %add3A_31 : i32
    "tpu.region"() ({
      %run_scoped3A = tpu.sem_alloc : memref<!tpu.dma_semaphore, #tpu.memory_space<semaphore_mem>>
      %dma_start3A_63 = arith.constant 0 : i32
      %dma_start3A_64 = tpu.memref_slice %arg19[%add3A_32, %dma_start3A_63] : memref<10240x128xf32, #tpu.memory_space<vmem_shared>> -> memref<128x128xf32, #tpu.memory_space<vmem_shared>>
      %dma_start3A_65 = arith.constant 0 : i32
      %dma_start3A_66 = tpu.memref_slice %arg19[%add3A_32, %dma_start3A_65] : memref<10240x128xf32, #tpu.memory_space<vmem_shared>> -> memref<128x128xf32, #tpu.memory_space<vmem_shared>>
      tpu.enqueue_dma source(%arg12 : memref<128x128xf32, #tpu.memory_space<vmem>>) target(%dma_start3A_66 : memref<128x128xf32, #tpu.memory_space<vmem_shared>>) target_semaphore(%run_scoped3A : memref<!tpu.dma_semaphore, #tpu.memory_space<semaphore_mem>>)
      %dma_wait3A_67 = arith.constant 0 : i32
      %dma_wait3A_68 = tpu.memref_slice %arg19[%add3A_32, %dma_wait3A_67] : memref<10240x128xf32, #tpu.memory_space<vmem_shared>> -> memref<128x128xf32, #tpu.memory_space<vmem_shared>>
      %dma_wait3A_69 = arith.constant 0 : i32
      %dma_wait3A_70 = tpu.memref_slice %arg19[%add3A_32, %dma_wait3A_69] : memref<10240x128xf32, #tpu.memory_space<vmem_shared>> -> memref<128x128xf32, #tpu.memory_space<vmem_shared>>
      tpu.wait_dma2 semaphore(%run_scoped3A : memref<!tpu.dma_semaphore, #tpu.memory_space<semaphore_mem>>) src(%arg12 : memref<128x128xf32, #tpu.memory_space<vmem>>) dst(%dma_wait3A_70 : memref<128x128xf32, #tpu.memory_space<vmem_shared>>)
      tpu.yield
    }) : () -> ()
    %mul3A_33 = arith.constant 640 : i32
    %mul3A_34 = arith.muli %arg1, %mul3A_33 : i32
    %add3A_35 = arith.constant 384 : i32
    %add3A_36 = arith.addi %mul3A_34, %add3A_35 : i32
    "tpu.region"() ({
      %run_scoped3A = tpu.sem_alloc : memref<!tpu.dma_semaphore, #tpu.memory_space<semaphore_mem>>
      %dma_start3A_63 = arith.constant 0 : i32
      %dma_start3A_64 = tpu.memref_slice %arg19[%add3A_36, %dma_start3A_63] : memref<10240x128xf32, #tpu.memory_space<vmem_shared>> -> memref<128x128xf32, #tpu.memory_space<vmem_shared>>
      %dma_start3A_65 = arith.constant 0 : i32
      %dma_start3A_66 = tpu.memref_slice %arg19[%add3A_36, %dma_start3A_65] : memref<10240x128xf32, #tpu.memory_space<vmem_shared>> -> memref<128x128xf32, #tpu.memory_space<vmem_shared>>
      tpu.enqueue_dma source(%arg12 : memref<128x128xf32, #tpu.memory_space<vmem>>) target(%dma_start3A_66 : memref<128x128xf32, #tpu.memory_space<vmem_shared>>) target_semaphore(%run_scoped3A : memref<!tpu.dma_semaphore, #tpu.memory_space<semaphore_mem>>)
      %dma_wait3A_67 = arith.constant 0 : i32
      %dma_wait3A_68 = tpu.memref_slice %arg19[%add3A_36, %dma_wait3A_67] : memref<10240x128xf32, #tpu.memory_space<vmem_shared>> -> memref<128x128xf32, #tpu.memory_space<vmem_shared>>
      %dma_wait3A_69 = arith.constant 0 : i32
      %dma_wait3A_70 = tpu.memref_slice %arg19[%add3A_36, %dma_wait3A_69] : memref<10240x128xf32, #tpu.memory_space<vmem_shared>> -> memref<128x128xf32, #tpu.memory_space<vmem_shared>>
      tpu.wait_dma2 semaphore(%run_scoped3A : memref<!tpu.dma_semaphore, #tpu.memory_space<semaphore_mem>>) src(%arg12 : memref<128x128xf32, #tpu.memory_space<vmem>>) dst(%dma_wait3A_70 : memref<128x128xf32, #tpu.memory_space<vmem_shared>>)
      tpu.yield
    }) : () -> ()
    %mul3A_37 = arith.constant 640 : i32
    %mul3A_38 = arith.muli %arg1, %mul3A_37 : i32
    %add3A_39 = arith.constant 512 : i32
    %add3A_40 = arith.addi %mul3A_38, %add3A_39 : i32
    "tpu.region"() ({
      %run_scoped3A = tpu.sem_alloc : memref<!tpu.dma_semaphore, #tpu.memory_space<semaphore_mem>>
      %dma_start3A_63 = arith.constant 0 : i32
      %dma_start3A_64 = tpu.memref_slice %arg19[%add3A_40, %dma_start3A_63] : memref<10240x128xf32, #tpu.memory_space<vmem_shared>> -> memref<128x128xf32, #tpu.memory_space<vmem_shared>>
      %dma_start3A_65 = arith.constant 0 : i32
      %dma_start3A_66 = tpu.memref_slice %arg19[%add3A_40, %dma_start3A_65] : memref<10240x128xf32, #tpu.memory_space<vmem_shared>> -> memref<128x128xf32, #tpu.memory_space<vmem_shared>>
      tpu.enqueue_dma source(%arg12 : memref<128x128xf32, #tpu.memory_space<vmem>>) target(%dma_start3A_66 : memref<128x128xf32, #tpu.memory_space<vmem_shared>>) target_semaphore(%run_scoped3A : memref<!tpu.dma_semaphore, #tpu.memory_space<semaphore_mem>>)
      %dma_wait3A_67 = arith.constant 0 : i32
      %dma_wait3A_68 = tpu.memref_slice %arg19[%add3A_40, %dma_wait3A_67] : memref<10240x128xf32, #tpu.memory_space<vmem_shared>> -> memref<128x128xf32, #tpu.memory_space<vmem_shared>>
      %dma_wait3A_69 = arith.constant 0 : i32
      %dma_wait3A_70 = tpu.memref_slice %arg19[%add3A_40, %dma_wait3A_69] : memref<10240x128xf32, #tpu.memory_space<vmem_shared>> -> memref<128x128xf32, #tpu.memory_space<vmem_shared>>
      tpu.wait_dma2 semaphore(%run_scoped3A : memref<!tpu.dma_semaphore, #tpu.memory_space<semaphore_mem>>) src(%arg12 : memref<128x128xf32, #tpu.memory_space<vmem>>) dst(%dma_wait3A_70 : memref<128x128xf32, #tpu.memory_space<vmem_shared>>)
      tpu.yield
    }) : () -> ()
    %add3A_41 = arith.constant 0 : i32
    %add3A_42 = arith.addi %mul3A_2, %add3A_41 : i32
    %dma_wait3A = tpu.memref_slice %arg3[%add3A_42] : memref<320000xi32, #tpu.memory_space<hbm>> -> memref<128xi32, #tpu.memory_space<hbm>>
    %dma_wait3A_43 = tpu.memref_slice %arg3[%add3A_42] : memref<320000xi32, #tpu.memory_space<hbm>> -> memref<128xi32, #tpu.memory_space<hbm>>
    tpu.wait_dma2 semaphore(%arg14 : memref<!tpu.dma_semaphore, #tpu.memory_space<semaphore_mem>>) src(%dma_wait3A_43 : memref<128xi32, #tpu.memory_space<hbm>>) dst(%arg6 : memref<128xi32, #tpu.memory_space<vmem>>)
    %dma_wait3A_44 = tpu.memref_slice %arg4[%add3A_42] : memref<320000xi32, #tpu.memory_space<hbm>> -> memref<128xi32, #tpu.memory_space<hbm>>
    %dma_wait3A_45 = tpu.memref_slice %arg4[%add3A_42] : memref<320000xi32, #tpu.memory_space<hbm>> -> memref<128xi32, #tpu.memory_space<hbm>>
    tpu.wait_dma2 semaphore(%arg14 : memref<!tpu.dma_semaphore, #tpu.memory_space<semaphore_mem>>) src(%dma_wait3A_45 : memref<128xi32, #tpu.memory_space<hbm>>) dst(%arg9 : memref<128xi32, #tpu.memory_space<vmem>>)
    %dma_start3A_46 = arith.constant 0 : i32
    %dma_start3A_47 = arith.constant 0 : i32
    %dma_start3A_48 = tpu.memref_slice %arg2[%dma_start3A_46, %dma_start3A_47] : memref<10240x128xf32, #tpu.memory_space<hbm>> -> memref<10240x128xf32, #tpu.memory_space<hbm>>
    tpu.enqueue_indirect_dma source(%dma_start3A_48 : memref<10240x128xf32, #tpu.memory_space<hbm>>) target(%arg12 : memref<128x128xf32, #tpu.memory_space<vmem>>) offsets(%arg6 : memref<128xi32, #tpu.memory_space<vmem>>) semaphore(%arg17 : memref<!tpu.dma_semaphore, #tpu.memory_space<semaphore_mem>>)
    %barrier3A = arith.constant 0 : index
    tpu.barrier barrier_id(%barrier3A)
    %scan3A_49 = arith.constant 0 : i32
    %scan3A_50 = arith.constant 0 : i32
    %scan3A_51 = arith.constant 13 : i32
    %scan3A_52 = arith.addi %scan3A_50, %scan3A_51 : i32
    %scan3A_53 = arith.constant 1 : i32
    %scan3A_54 = scf.for %scan3A_63 = %scan3A_50 to %scan3A_52 step %scan3A_53 iter_args(%scan3A_64 = %scan3A_49) -> (i32)  : i32 {
      %mul3A_65 = arith.constant 6 : i32
      %mul3A_66 = arith.muli %mul3A_65, %scan3A_63 : i32
      %add3A_67 = arith.constant 0 : i32
      %add3A_68 = arith.addi %mul3A_66, %add3A_67 : i32
      %add3A_69 = arith.constant 2 : i32
      %add3A_70 = arith.addi %add3A_68, %add3A_69 : i32
      %lt3A_71 = arith.constant 78 : i32
      %lt3A_72 = arith.cmpi slt, %add3A_70, %lt3A_71 : i32
      %convert_element_type3A_73 = arith.extui %lt3A_72 : i1 to i32
      %cond3A_74 = arith.constant 0 : i32
      %cond3A_75 = arith.cmpi ne, %convert_element_type3A_73, %cond3A_74 : i32
      scf.if %cond3A_75 {
        %add3A_182 = arith.constant 2 : i32
        %add3A_183 = arith.addi %add3A_68, %add3A_182 : i32
        %mul3A_184 = arith.constant 128 : i32
        %mul3A_185 = arith.muli %add3A_183, %mul3A_184 : i32
        %add3A_186 = arith.addi %mul3A_2, %mul3A_185 : i32
        %dma_start3A_187 = tpu.memref_slice %arg3[%add3A_186] : memref<320000xi32, #tpu.memory_space<hbm>> -> memref<128xi32, #tpu.memory_space<hbm>>
        %dma_start3A_188 = tpu.memref_slice %arg3[%add3A_186] : memref<320000xi32, #tpu.memory_space<hbm>> -> memref<128xi32, #tpu.memory_space<hbm>>
        tpu.enqueue_dma source(%dma_start3A_188 : memref<128xi32, #tpu.memory_space<hbm>>) target(%arg8 : memref<128xi32, #tpu.memory_space<vmem>>) target_semaphore(%arg16 : memref<!tpu.dma_semaphore, #tpu.memory_space<semaphore_mem>>)
        %dma_start3A_189 = tpu.memref_slice %arg4[%add3A_186] : memref<320000xi32, #tpu.memory_space<hbm>> -> memref<128xi32, #tpu.memory_space<hbm>>
        %dma_start3A_190 = tpu.memref_slice %arg4[%add3A_186] : memref<320000xi32, #tpu.memory_space<hbm>> -> memref<128xi32, #tpu.memory_space<hbm>>
        tpu.enqueue_dma source(%dma_start3A_190 : memref<128xi32, #tpu.memory_space<hbm>>) target(%arg11 : memref<128xi32, #tpu.memory_space<vmem>>) target_semaphore(%arg16 : memref<!tpu.dma_semaphore, #tpu.memory_space<semaphore_mem>>)
      } else {
      }
      %add3A_76 = arith.constant 1 : i32
      %add3A_77 = arith.addi %add3A_68, %add3A_76 : i32
      %lt3A_78 = arith.constant 78 : i32
      %lt3A_79 = arith.cmpi slt, %add3A_77, %lt3A_78 : i32
      %convert_element_type3A_80 = arith.extui %lt3A_79 : i1 to i32
      %cond3A_81 = arith.constant 0 : i32
      %cond3A_82 = arith.cmpi ne, %convert_element_type3A_80, %cond3A_81 : i32
      scf.if %cond3A_82 {
        %add3A_182 = arith.constant 1 : i32
        %add3A_183 = arith.addi %add3A_68, %add3A_182 : i32
        %mul3A_184 = arith.constant 128 : i32
        %mul3A_185 = arith.muli %add3A_183, %mul3A_184 : i32
        %add3A_186 = arith.addi %mul3A_2, %mul3A_185 : i32
        %dma_wait3A_187 = tpu.memref_slice %arg3[%add3A_186] : memref<320000xi32, #tpu.memory_space<hbm>> -> memref<128xi32, #tpu.memory_space<hbm>>
        %dma_wait3A_188 = tpu.memref_slice %arg3[%add3A_186] : memref<320000xi32, #tpu.memory_space<hbm>> -> memref<128xi32, #tpu.memory_space<hbm>>
        tpu.wait_dma2 semaphore(%arg15 : memref<!tpu.dma_semaphore, #tpu.memory_space<semaphore_mem>>) src(%dma_wait3A_188 : memref<128xi32, #tpu.memory_space<hbm>>) dst(%arg7 : memref<128xi32, #tpu.memory_space<vmem>>)
        %dma_wait3A_189 = tpu.memref_slice %arg4[%add3A_186] : memref<320000xi32, #tpu.memory_space<hbm>> -> memref<128xi32, #tpu.memory_space<hbm>>
        %dma_wait3A_190 = tpu.memref_slice %arg4[%add3A_186] : memref<320000xi32, #tpu.memory_space<hbm>> -> memref<128xi32, #tpu.memory_space<hbm>>
        tpu.wait_dma2 semaphore(%arg15 : memref<!tpu.dma_semaphore, #tpu.memory_space<semaphore_mem>>) src(%dma_wait3A_190 : memref<128xi32, #tpu.memory_space<hbm>>) dst(%arg10 : memref<128xi32, #tpu.memory_space<vmem>>)
        %dma_start3A_191 = arith.constant 0 : i32
        %dma_start3A_192 = arith.constant 0 : i32
        %dma_start3A_193 = tpu.memref_slice %arg2[%dma_start3A_191, %dma_start3A_192] : memref<10240x128xf32, #tpu.memory_space<hbm>> -> memref<10240x128xf32, #tpu.memory_space<hbm>>
        tpu.enqueue_indirect_dma source(%dma_start3A_193 : memref<10240x128xf32, #tpu.memory_space<hbm>>) target(%arg13 : memref<128x128xf32, #tpu.memory_space<vmem>>) offsets(%arg7 : memref<128xi32, #tpu.memory_space<vmem>>) semaphore(%arg18 : memref<!tpu.dma_semaphore, #tpu.memory_space<semaphore_mem>>)
      } else {
      }
      %dma_wait3A_83 = arith.constant 0 : i32
      %dma_wait3A_84 = arith.constant 0 : i32
      %dma_wait3A_85 = tpu.memref_slice %arg2[%dma_wait3A_83, %dma_wait3A_84] : memref<10240x128xf32, #tpu.memory_space<hbm>> -> memref<10240x128xf32, #tpu.memory_space<hbm>>
      tpu.wait_indirect_dma semaphore(%arg17 : memref<!tpu.dma_semaphore, #tpu.memory_space<semaphore_mem>>) src(%dma_wait3A_85 : memref<10240x128xf32, #tpu.memory_space<hbm>>) dst(%arg12 : memref<128x128xf32, #tpu.memory_space<vmem>>)
      "tpu.region"() ({
        %run_scoped3A = tpu.sem_alloc : memref<!tpu.dma_semaphore, #tpu.memory_space<semaphore_mem>>
        %dma_start3A_182 = arith.constant 0 : i32
        %dma_start3A_183 = arith.constant 0 : i32
        %dma_start3A_184 = tpu.memref_slice %arg19[%dma_start3A_182, %dma_start3A_183] : memref<10240x128xf32, #tpu.memory_space<vmem_shared>> -> memref<10240x128xf32, #tpu.memory_space<vmem_shared>>
        tpu.enqueue_indirect_dma source(%arg12 : memref<128x128xf32, #tpu.memory_space<vmem>>) target(%dma_start3A_184 : memref<10240x128xf32, #tpu.memory_space<vmem_shared>>) offsets(%arg9 : memref<128xi32, #tpu.memory_space<vmem>>) semaphore(%run_scoped3A : memref<!tpu.dma_semaphore, #tpu.memory_space<semaphore_mem>>) {add = true}
        %dma_wait3A_185 = arith.constant 0 : i32
        %dma_wait3A_186 = arith.constant 0 : i32
        %dma_wait3A_187 = tpu.memref_slice %arg19[%dma_wait3A_185, %dma_wait3A_186] : memref<10240x128xf32, #tpu.memory_space<vmem_shared>> -> memref<10240x128xf32, #tpu.memory_space<vmem_shared>>
        tpu.wait_indirect_dma semaphore(%run_scoped3A : memref<!tpu.dma_semaphore, #tpu.memory_space<semaphore_mem>>) src(%arg12 : memref<128x128xf32, #tpu.memory_space<vmem>>) dst(%dma_wait3A_187 : memref<10240x128xf32, #tpu.memory_space<vmem_shared>>)
        tpu.yield
      }) : () -> ()
      %add3A_86 = arith.constant 1 : i32
      %add3A_87 = arith.addi %mul3A_66, %add3A_86 : i32
      %add3A_88 = arith.constant 2 : i32
      %add3A_89 = arith.addi %add3A_87, %add3A_88 : i32
      %lt3A_90 = arith.constant 78 : i32
      %lt3A_91 = arith.cmpi slt, %add3A_89, %lt3A_90 : i32
      %convert_element_type3A_92 = arith.extui %lt3A_91 : i1 to i32
      %cond3A_93 = arith.constant 0 : i32
      %cond3A_94 = arith.cmpi ne, %convert_element_type3A_92, %cond3A_93 : i32
      scf.if %cond3A_94 {
        %add3A_182 = arith.constant 2 : i32
        %add3A_183 = arith.addi %add3A_87, %add3A_182 : i32
        %mul3A_184 = arith.constant 128 : i32
        %mul3A_185 = arith.muli %add3A_183, %mul3A_184 : i32
        %add3A_186 = arith.addi %mul3A_2, %mul3A_185 : i32
        %dma_start3A_187 = tpu.memref_slice %arg3[%add3A_186] : memref<320000xi32, #tpu.memory_space<hbm>> -> memref<128xi32, #tpu.memory_space<hbm>>
        %dma_start3A_188 = tpu.memref_slice %arg3[%add3A_186] : memref<320000xi32, #tpu.memory_space<hbm>> -> memref<128xi32, #tpu.memory_space<hbm>>
        tpu.enqueue_dma source(%dma_start3A_188 : memref<128xi32, #tpu.memory_space<hbm>>) target(%arg6 : memref<128xi32, #tpu.memory_space<vmem>>) target_semaphore(%arg14 : memref<!tpu.dma_semaphore, #tpu.memory_space<semaphore_mem>>)
        %dma_start3A_189 = tpu.memref_slice %arg4[%add3A_186] : memref<320000xi32, #tpu.memory_space<hbm>> -> memref<128xi32, #tpu.memory_space<hbm>>
        %dma_start3A_190 = tpu.memref_slice %arg4[%add3A_186] : memref<320000xi32, #tpu.memory_space<hbm>> -> memref<128xi32, #tpu.memory_space<hbm>>
        tpu.enqueue_dma source(%dma_start3A_190 : memref<128xi32, #tpu.memory_space<hbm>>) target(%arg9 : memref<128xi32, #tpu.memory_space<vmem>>) target_semaphore(%arg14 : memref<!tpu.dma_semaphore, #tpu.memory_space<semaphore_mem>>)
      } else {
      }
      %add3A_95 = arith.constant 1 : i32
      %add3A_96 = arith.addi %add3A_87, %add3A_95 : i32
      %lt3A_97 = arith.constant 78 : i32
      %lt3A_98 = arith.cmpi slt, %add3A_96, %lt3A_97 : i32
      %convert_element_type3A_99 = arith.extui %lt3A_98 : i1 to i32
      %cond3A_100 = arith.constant 0 : i32
      %cond3A_101 = arith.cmpi ne, %convert_element_type3A_99, %cond3A_100 : i32
      scf.if %cond3A_101 {
        %add3A_182 = arith.constant 1 : i32
        %add3A_183 = arith.addi %add3A_87, %add3A_182 : i32
        %mul3A_184 = arith.constant 128 : i32
        %mul3A_185 = arith.muli %add3A_183, %mul3A_184 : i32
        %add3A_186 = arith.addi %mul3A_2, %mul3A_185 : i32
        %dma_wait3A_187 = tpu.memref_slice %arg3[%add3A_186] : memref<320000xi32, #tpu.memory_space<hbm>> -> memref<128xi32, #tpu.memory_space<hbm>>
        %dma_wait3A_188 = tpu.memref_slice %arg3[%add3A_186] : memref<320000xi32, #tpu.memory_space<hbm>> -> memref<128xi32, #tpu.memory_space<hbm>>
        tpu.wait_dma2 semaphore(%arg16 : memref<!tpu.dma_semaphore, #tpu.memory_space<semaphore_mem>>) src(%dma_wait3A_188 : memref<128xi32, #tpu.memory_space<hbm>>) dst(%arg8 : memref<128xi32, #tpu.memory_space<vmem>>)
        %dma_wait3A_189 = tpu.memref_slice %arg4[%add3A_186] : memref<320000xi32, #tpu.memory_space<hbm>> -> memref<128xi32, #tpu.memory_space<hbm>>
        %dma_wait3A_190 = tpu.memref_slice %arg4[%add3A_186] : memref<320000xi32, #tpu.memory_space<hbm>> -> memref<128xi32, #tpu.memory_space<hbm>>
        tpu.wait_dma2 semaphore(%arg16 : memref<!tpu.dma_semaphore, #tpu.memory_space<semaphore_mem>>) src(%dma_wait3A_190 : memref<128xi32, #tpu.memory_space<hbm>>) dst(%arg11 : memref<128xi32, #tpu.memory_space<vmem>>)
        %dma_start3A_191 = arith.constant 0 : i32
        %dma_start3A_192 = arith.constant 0 : i32
        %dma_start3A_193 = tpu.memref_slice %arg2[%dma_start3A_191, %dma_start3A_192] : memref<10240x128xf32, #tpu.memory_space<hbm>> -> memref<10240x128xf32, #tpu.memory_space<hbm>>
        tpu.enqueue_indirect_dma source(%dma_start3A_193 : memref<10240x128xf32, #tpu.memory_space<hbm>>) target(%arg12 : memref<128x128xf32, #tpu.memory_space<vmem>>) offsets(%arg8 : memref<128xi32, #tpu.memory_space<vmem>>) semaphore(%arg17 : memref<!tpu.dma_semaphore, #tpu.memory_space<semaphore_mem>>)
      } else {
      }
      %dma_wait3A_102 = arith.constant 0 : i32
      %dma_wait3A_103 = arith.constant 0 : i32
      %dma_wait3A_104 = tpu.memref_slice %arg2[%dma_wait3A_102, %dma_wait3A_103] : memref<10240x128xf32, #tpu.memory_space<hbm>> -> memref<10240x128xf32, #tpu.memory_space<hbm>>
      tpu.wait_indirect_dma semaphore(%arg18 : memref<!tpu.dma_semaphore, #tpu.memory_space<semaphore_mem>>) src(%dma_wait3A_104 : memref<10240x128xf32, #tpu.memory_space<hbm>>) dst(%arg13 : memref<128x128xf32, #tpu.memory_space<vmem>>)
      "tpu.region"() ({
        %run_scoped3A = tpu.sem_alloc : memref<!tpu.dma_semaphore, #tpu.memory_space<semaphore_mem>>
        %dma_start3A_182 = arith.constant 0 : i32
        %dma_start3A_183 = arith.constant 0 : i32
        %dma_start3A_184 = tpu.memref_slice %arg19[%dma_start3A_182, %dma_start3A_183] : memref<10240x128xf32, #tpu.memory_space<vmem_shared>> -> memref<10240x128xf32, #tpu.memory_space<vmem_shared>>
        tpu.enqueue_indirect_dma source(%arg13 : memref<128x128xf32, #tpu.memory_space<vmem>>) target(%dma_start3A_184 : memref<10240x128xf32, #tpu.memory_space<vmem_shared>>) offsets(%arg10 : memref<128xi32, #tpu.memory_space<vmem>>) semaphore(%run_scoped3A : memref<!tpu.dma_semaphore, #tpu.memory_space<semaphore_mem>>) {add = true}
        %dma_wait3A_185 = arith.constant 0 : i32
        %dma_wait3A_186 = arith.constant 0 : i32
        %dma_wait3A_187 = tpu.memref_slice %arg19[%dma_wait3A_185, %dma_wait3A_186] : memref<10240x128xf32, #tpu.memory_space<vmem_shared>> -> memref<10240x128xf32, #tpu.memory_space<vmem_shared>>
        tpu.wait_indirect_dma semaphore(%run_scoped3A : memref<!tpu.dma_semaphore, #tpu.memory_space<semaphore_mem>>) src(%arg13 : memref<128x128xf32, #tpu.memory_space<vmem>>) dst(%dma_wait3A_187 : memref<10240x128xf32, #tpu.memory_space<vmem_shared>>)
        tpu.yield
      }) : () -> ()
      %add3A_105 = arith.constant 2 : i32
      %add3A_106 = arith.addi %mul3A_66, %add3A_105 : i32
      %add3A_107 = arith.constant 2 : i32
      %add3A_108 = arith.addi %add3A_106, %add3A_107 : i32
      %lt3A_109 = arith.constant 78 : i32
      %lt3A_110 = arith.cmpi slt, %add3A_108, %lt3A_109 : i32
      %convert_element_type3A_111 = arith.extui %lt3A_110 : i1 to i32
      %cond3A_112 = arith.constant 0 : i32
      %cond3A_113 = arith.cmpi ne, %convert_element_type3A_111, %cond3A_112 : i32
      scf.if %cond3A_113 {
        %add3A_182 = arith.constant 2 : i32
        %add3A_183 = arith.addi %add3A_106, %add3A_182 : i32
        %mul3A_184 = arith.constant 128 : i32
        %mul3A_185 = arith.muli %add3A_183, %mul3A_184 : i32
        %add3A_186 = arith.addi %mul3A_2, %mul3A_185 : i32
        %dma_start3A_187 = tpu.memref_slice %arg3[%add3A_186] : memref<320000xi32, #tpu.memory_space<hbm>> -> memref<128xi32, #tpu.memory_space<hbm>>
        %dma_start3A_188 = tpu.memref_slice %arg3[%add3A_186] : memref<320000xi32, #tpu.memory_space<hbm>> -> memref<128xi32, #tpu.memory_space<hbm>>
        tpu.enqueue_dma source(%dma_start3A_188 : memref<128xi32, #tpu.memory_space<hbm>>) target(%arg7 : memref<128xi32, #tpu.memory_space<vmem>>) target_semaphore(%arg15 : memref<!tpu.dma_semaphore, #tpu.memory_space<semaphore_mem>>)
        %dma_start3A_189 = tpu.memref_slice %arg4[%add3A_186] : memref<320000xi32, #tpu.memory_space<hbm>> -> memref<128xi32, #tpu.memory_space<hbm>>
        %dma_start3A_190 = tpu.memref_slice %arg4[%add3A_186] : memref<320000xi32, #tpu.memory_space<hbm>> -> memref<128xi32, #tpu.memory_space<hbm>>
        tpu.enqueue_dma source(%dma_start3A_190 : memref<128xi32, #tpu.memory_space<hbm>>) target(%arg10 : memref<128xi32, #tpu.memory_space<vmem>>) target_semaphore(%arg15 : memref<!tpu.dma_semaphore, #tpu.memory_space<semaphore_mem>>)
      } else {
      }
      %add3A_114 = arith.constant 1 : i32
      %add3A_115 = arith.addi %add3A_106, %add3A_114 : i32
      %lt3A_116 = arith.constant 78 : i32
      %lt3A_117 = arith.cmpi slt, %add3A_115, %lt3A_116 : i32
      %convert_element_type3A_118 = arith.extui %lt3A_117 : i1 to i32
      %cond3A_119 = arith.constant 0 : i32
      %cond3A_120 = arith.cmpi ne, %convert_element_type3A_118, %cond3A_119 : i32
      scf.if %cond3A_120 {
        %add3A_182 = arith.constant 1 : i32
        %add3A_183 = arith.addi %add3A_106, %add3A_182 : i32
        %mul3A_184 = arith.constant 128 : i32
        %mul3A_185 = arith.muli %add3A_183, %mul3A_184 : i32
        %add3A_186 = arith.addi %mul3A_2, %mul3A_185 : i32
        %dma_wait3A_187 = tpu.memref_slice %arg3[%add3A_186] : memref<320000xi32, #tpu.memory_space<hbm>> -> memref<128xi32, #tpu.memory_space<hbm>>
        %dma_wait3A_188 = tpu.memref_slice %arg3[%add3A_186] : memref<320000xi32, #tpu.memory_space<hbm>> -> memref<128xi32, #tpu.memory_space<hbm>>
        tpu.wait_dma2 semaphore(%arg14 : memref<!tpu.dma_semaphore, #tpu.memory_space<semaphore_mem>>) src(%dma_wait3A_188 : memref<128xi32, #tpu.memory_space<hbm>>) dst(%arg6 : memref<128xi32, #tpu.memory_space<vmem>>)
        %dma_wait3A_189 = tpu.memref_slice %arg4[%add3A_186] : memref<320000xi32, #tpu.memory_space<hbm>> -> memref<128xi32, #tpu.memory_space<hbm>>
        %dma_wait3A_190 = tpu.memref_slice %arg4[%add3A_186] : memref<320000xi32, #tpu.memory_space<hbm>> -> memref<128xi32, #tpu.memory_space<hbm>>
        tpu.wait_dma2 semaphore(%arg14 : memref<!tpu.dma_semaphore, #tpu.memory_space<semaphore_mem>>) src(%dma_wait3A_190 : memref<128xi32, #tpu.memory_space<hbm>>) dst(%arg9 : memref<128xi32, #tpu.memory_space<vmem>>)
        %dma_start3A_191 = arith.constant 0 : i32
        %dma_start3A_192 = arith.constant 0 : i32
        %dma_start3A_193 = tpu.memref_slice %arg2[%dma_start3A_191, %dma_start3A_192] : memref<10240x128xf32, #tpu.memory_space<hbm>> -> memref<10240x128xf32, #tpu.memory_space<hbm>>
        tpu.enqueue_indirect_dma source(%dma_start3A_193 : memref<10240x128xf32, #tpu.memory_space<hbm>>) target(%arg13 : memref<128x128xf32, #tpu.memory_space<vmem>>) offsets(%arg6 : memref<128xi32, #tpu.memory_space<vmem>>) semaphore(%arg18 : memref<!tpu.dma_semaphore, #tpu.memory_space<semaphore_mem>>)
      } else {
      }
      %dma_wait3A_121 = arith.constant 0 : i32
      %dma_wait3A_122 = arith.constant 0 : i32
      %dma_wait3A_123 = tpu.memref_slice %arg2[%dma_wait3A_121, %dma_wait3A_122] : memref<10240x128xf32, #tpu.memory_space<hbm>> -> memref<10240x128xf32, #tpu.memory_space<hbm>>
      tpu.wait_indirect_dma semaphore(%arg17 : memref<!tpu.dma_semaphore, #tpu.memory_space<semaphore_mem>>) src(%dma_wait3A_123 : memref<10240x128xf32, #tpu.memory_space<hbm>>) dst(%arg12 : memref<128x128xf32, #tpu.memory_space<vmem>>)
      "tpu.region"() ({
        %run_scoped3A = tpu.sem_alloc : memref<!tpu.dma_semaphore, #tpu.memory_space<semaphore_mem>>
        %dma_start3A_182 = arith.constant 0 : i32
        %dma_start3A_183 = arith.constant 0 : i32
        %dma_start3A_184 = tpu.memref_slice %arg19[%dma_start3A_182, %dma_start3A_183] : memref<10240x128xf32, #tpu.memory_space<vmem_shared>> -> memref<10240x128xf32, #tpu.memory_space<vmem_shared>>
        tpu.enqueue_indirect_dma source(%arg12 : memref<128x128xf32, #tpu.memory_space<vmem>>) target(%dma_start3A_184 : memref<10240x128xf32, #tpu.memory_space<vmem_shared>>) offsets(%arg11 : memref<128xi32, #tpu.memory_space<vmem>>) semaphore(%run_scoped3A : memref<!tpu.dma_semaphore, #tpu.memory_space<semaphore_mem>>) {add = true}
        %dma_wait3A_185 = arith.constant 0 : i32
        %dma_wait3A_186 = arith.constant 0 : i32
        %dma_wait3A_187 = tpu.memref_slice %arg19[%dma_wait3A_185, %dma_wait3A_186] : memref<10240x128xf32, #tpu.memory_space<vmem_shared>> -> memref<10240x128xf32, #tpu.memory_space<vmem_shared>>
        tpu.wait_indirect_dma semaphore(%run_scoped3A : memref<!tpu.dma_semaphore, #tpu.memory_space<semaphore_mem>>) src(%arg12 : memref<128x128xf32, #tpu.memory_space<vmem>>) dst(%dma_wait3A_187 : memref<10240x128xf32, #tpu.memory_space<vmem_shared>>)
        tpu.yield
      }) : () -> ()
      %add3A_124 = arith.constant 3 : i32
      %add3A_125 = arith.addi %mul3A_66, %add3A_124 : i32
      %add3A_126 = arith.constant 2 : i32
      %add3A_127 = arith.addi %add3A_125, %add3A_126 : i32
      %lt3A_128 = arith.constant 78 : i32
      %lt3A_129 = arith.cmpi slt, %add3A_127, %lt3A_128 : i32
      %convert_element_type3A_130 = arith.extui %lt3A_129 : i1 to i32
      %cond3A_131 = arith.constant 0 : i32
      %cond3A_132 = arith.cmpi ne, %convert_element_type3A_130, %cond3A_131 : i32
      scf.if %cond3A_132 {
        %add3A_182 = arith.constant 2 : i32
        %add3A_183 = arith.addi %add3A_125, %add3A_182 : i32
        %mul3A_184 = arith.constant 128 : i32
        %mul3A_185 = arith.muli %add3A_183, %mul3A_184 : i32
        %add3A_186 = arith.addi %mul3A_2, %mul3A_185 : i32
        %dma_start3A_187 = tpu.memref_slice %arg3[%add3A_186] : memref<320000xi32, #tpu.memory_space<hbm>> -> memref<128xi32, #tpu.memory_space<hbm>>
        %dma_start3A_188 = tpu.memref_slice %arg3[%add3A_186] : memref<320000xi32, #tpu.memory_space<hbm>> -> memref<128xi32, #tpu.memory_space<hbm>>
        tpu.enqueue_dma source(%dma_start3A_188 : memref<128xi32, #tpu.memory_space<hbm>>) target(%arg8 : memref<128xi32, #tpu.memory_space<vmem>>) target_semaphore(%arg16 : memref<!tpu.dma_semaphore, #tpu.memory_space<semaphore_mem>>)
        %dma_start3A_189 = tpu.memref_slice %arg4[%add3A_186] : memref<320000xi32, #tpu.memory_space<hbm>> -> memref<128xi32, #tpu.memory_space<hbm>>
        %dma_start3A_190 = tpu.memref_slice %arg4[%add3A_186] : memref<320000xi32, #tpu.memory_space<hbm>> -> memref<128xi32, #tpu.memory_space<hbm>>
        tpu.enqueue_dma source(%dma_start3A_190 : memref<128xi32, #tpu.memory_space<hbm>>) target(%arg11 : memref<128xi32, #tpu.memory_space<vmem>>) target_semaphore(%arg16 : memref<!tpu.dma_semaphore, #tpu.memory_space<semaphore_mem>>)
      } else {
      }
      %add3A_133 = arith.constant 1 : i32
      %add3A_134 = arith.addi %add3A_125, %add3A_133 : i32
      %lt3A_135 = arith.constant 78 : i32
      %lt3A_136 = arith.cmpi slt, %add3A_134, %lt3A_135 : i32
      %convert_element_type3A_137 = arith.extui %lt3A_136 : i1 to i32
      %cond3A_138 = arith.constant 0 : i32
      %cond3A_139 = arith.cmpi ne, %convert_element_type3A_137, %cond3A_138 : i32
      scf.if %cond3A_139 {
        %add3A_182 = arith.constant 1 : i32
        %add3A_183 = arith.addi %add3A_125, %add3A_182 : i32
        %mul3A_184 = arith.constant 128 : i32
        %mul3A_185 = arith.muli %add3A_183, %mul3A_184 : i32
        %add3A_186 = arith.addi %mul3A_2, %mul3A_185 : i32
        %dma_wait3A_187 = tpu.memref_slice %arg3[%add3A_186] : memref<320000xi32, #tpu.memory_space<hbm>> -> memref<128xi32, #tpu.memory_space<hbm>>
        %dma_wait3A_188 = tpu.memref_slice %arg3[%add3A_186] : memref<320000xi32, #tpu.memory_space<hbm>> -> memref<128xi32, #tpu.memory_space<hbm>>
        tpu.wait_dma2 semaphore(%arg15 : memref<!tpu.dma_semaphore, #tpu.memory_space<semaphore_mem>>) src(%dma_wait3A_188 : memref<128xi32, #tpu.memory_space<hbm>>) dst(%arg7 : memref<128xi32, #tpu.memory_space<vmem>>)
        %dma_wait3A_189 = tpu.memref_slice %arg4[%add3A_186] : memref<320000xi32, #tpu.memory_space<hbm>> -> memref<128xi32, #tpu.memory_space<hbm>>
        %dma_wait3A_190 = tpu.memref_slice %arg4[%add3A_186] : memref<320000xi32, #tpu.memory_space<hbm>> -> memref<128xi32, #tpu.memory_space<hbm>>
        tpu.wait_dma2 semaphore(%arg15 : memref<!tpu.dma_semaphore, #tpu.memory_space<semaphore_mem>>) src(%dma_wait3A_190 : memref<128xi32, #tpu.memory_space<hbm>>) dst(%arg10 : memref<128xi32, #tpu.memory_space<vmem>>)
        %dma_start3A_191 = arith.constant 0 : i32
        %dma_start3A_192 = arith.constant 0 : i32
        %dma_start3A_193 = tpu.memref_slice %arg2[%dma_start3A_191, %dma_start3A_192] : memref<10240x128xf32, #tpu.memory_space<hbm>> -> memref<10240x128xf32, #tpu.memory_space<hbm>>
        tpu.enqueue_indirect_dma source(%dma_start3A_193 : memref<10240x128xf32, #tpu.memory_space<hbm>>) target(%arg12 : memref<128x128xf32, #tpu.memory_space<vmem>>) offsets(%arg7 : memref<128xi32, #tpu.memory_space<vmem>>) semaphore(%arg17 : memref<!tpu.dma_semaphore, #tpu.memory_space<semaphore_mem>>)
      } else {
      }
      %dma_wait3A_140 = arith.constant 0 : i32
      %dma_wait3A_141 = arith.constant 0 : i32
      %dma_wait3A_142 = tpu.memref_slice %arg2[%dma_wait3A_140, %dma_wait3A_141] : memref<10240x128xf32, #tpu.memory_space<hbm>> -> memref<10240x128xf32, #tpu.memory_space<hbm>>
      tpu.wait_indirect_dma semaphore(%arg18 : memref<!tpu.dma_semaphore, #tpu.memory_space<semaphore_mem>>) src(%dma_wait3A_142 : memref<10240x128xf32, #tpu.memory_space<hbm>>) dst(%arg13 : memref<128x128xf32, #tpu.memory_space<vmem>>)
      "tpu.region"() ({
        %run_scoped3A = tpu.sem_alloc : memref<!tpu.dma_semaphore, #tpu.memory_space<semaphore_mem>>
        %dma_start3A_182 = arith.constant 0 : i32
        %dma_start3A_183 = arith.constant 0 : i32
        %dma_start3A_184 = tpu.memref_slice %arg19[%dma_start3A_182, %dma_start3A_183] : memref<10240x128xf32, #tpu.memory_space<vmem_shared>> -> memref<10240x128xf32, #tpu.memory_space<vmem_shared>>
        tpu.enqueue_indirect_dma source(%arg13 : memref<128x128xf32, #tpu.memory_space<vmem>>) target(%dma_start3A_184 : memref<10240x128xf32, #tpu.memory_space<vmem_shared>>) offsets(%arg9 : memref<128xi32, #tpu.memory_space<vmem>>) semaphore(%run_scoped3A : memref<!tpu.dma_semaphore, #tpu.memory_space<semaphore_mem>>) {add = true}
        %dma_wait3A_185 = arith.constant 0 : i32
        %dma_wait3A_186 = arith.constant 0 : i32
        %dma_wait3A_187 = tpu.memref_slice %arg19[%dma_wait3A_185, %dma_wait3A_186] : memref<10240x128xf32, #tpu.memory_space<vmem_shared>> -> memref<10240x128xf32, #tpu.memory_space<vmem_shared>>
        tpu.wait_indirect_dma semaphore(%run_scoped3A : memref<!tpu.dma_semaphore, #tpu.memory_space<semaphore_mem>>) src(%arg13 : memref<128x128xf32, #tpu.memory_space<vmem>>) dst(%dma_wait3A_187 : memref<10240x128xf32, #tpu.memory_space<vmem_shared>>)
        tpu.yield
      }) : () -> ()
      %add3A_143 = arith.constant 4 : i32
      %add3A_144 = arith.addi %mul3A_66, %add3A_143 : i32
      %add3A_145 = arith.constant 2 : i32
      %add3A_146 = arith.addi %add3A_144, %add3A_145 : i32
      %lt3A_147 = arith.constant 78 : i32
      %lt3A_148 = arith.cmpi slt, %add3A_146, %lt3A_147 : i32
      %convert_element_type3A_149 = arith.extui %lt3A_148 : i1 to i32
      %cond3A_150 = arith.constant 0 : i32
      %cond3A_151 = arith.cmpi ne, %convert_element_type3A_149, %cond3A_150 : i32
      scf.if %cond3A_151 {
        %add3A_182 = arith.constant 2 : i32
        %add3A_183 = arith.addi %add3A_144, %add3A_182 : i32
        %mul3A_184 = arith.constant 128 : i32
        %mul3A_185 = arith.muli %add3A_183, %mul3A_184 : i32
        %add3A_186 = arith.addi %mul3A_2, %mul3A_185 : i32
        %dma_start3A_187 = tpu.memref_slice %arg3[%add3A_186] : memref<320000xi32, #tpu.memory_space<hbm>> -> memref<128xi32, #tpu.memory_space<hbm>>
        %dma_start3A_188 = tpu.memref_slice %arg3[%add3A_186] : memref<320000xi32, #tpu.memory_space<hbm>> -> memref<128xi32, #tpu.memory_space<hbm>>
        tpu.enqueue_dma source(%dma_start3A_188 : memref<128xi32, #tpu.memory_space<hbm>>) target(%arg6 : memref<128xi32, #tpu.memory_space<vmem>>) target_semaphore(%arg14 : memref<!tpu.dma_semaphore, #tpu.memory_space<semaphore_mem>>)
        %dma_start3A_189 = tpu.memref_slice %arg4[%add3A_186] : memref<320000xi32, #tpu.memory_space<hbm>> -> memref<128xi32, #tpu.memory_space<hbm>>
        %dma_start3A_190 = tpu.memref_slice %arg4[%add3A_186] : memref<320000xi32, #tpu.memory_space<hbm>> -> memref<128xi32, #tpu.memory_space<hbm>>
        tpu.enqueue_dma source(%dma_start3A_190 : memref<128xi32, #tpu.memory_space<hbm>>) target(%arg9 : memref<128xi32, #tpu.memory_space<vmem>>) target_semaphore(%arg14 : memref<!tpu.dma_semaphore, #tpu.memory_space<semaphore_mem>>)
      } else {
      }
      %add3A_152 = arith.constant 1 : i32
      %add3A_153 = arith.addi %add3A_144, %add3A_152 : i32
      %lt3A_154 = arith.constant 78 : i32
      %lt3A_155 = arith.cmpi slt, %add3A_153, %lt3A_154 : i32
      %convert_element_type3A_156 = arith.extui %lt3A_155 : i1 to i32
      %cond3A_157 = arith.constant 0 : i32
      %cond3A_158 = arith.cmpi ne, %convert_element_type3A_156, %cond3A_157 : i32
      scf.if %cond3A_158 {
        %add3A_182 = arith.constant 1 : i32
        %add3A_183 = arith.addi %add3A_144, %add3A_182 : i32
        %mul3A_184 = arith.constant 128 : i32
        %mul3A_185 = arith.muli %add3A_183, %mul3A_184 : i32
        %add3A_186 = arith.addi %mul3A_2, %mul3A_185 : i32
        %dma_wait3A_187 = tpu.memref_slice %arg3[%add3A_186] : memref<320000xi32, #tpu.memory_space<hbm>> -> memref<128xi32, #tpu.memory_space<hbm>>
        %dma_wait3A_188 = tpu.memref_slice %arg3[%add3A_186] : memref<320000xi32, #tpu.memory_space<hbm>> -> memref<128xi32, #tpu.memory_space<hbm>>
        tpu.wait_dma2 semaphore(%arg16 : memref<!tpu.dma_semaphore, #tpu.memory_space<semaphore_mem>>) src(%dma_wait3A_188 : memref<128xi32, #tpu.memory_space<hbm>>) dst(%arg8 : memref<128xi32, #tpu.memory_space<vmem>>)
        %dma_wait3A_189 = tpu.memref_slice %arg4[%add3A_186] : memref<320000xi32, #tpu.memory_space<hbm>> -> memref<128xi32, #tpu.memory_space<hbm>>
        %dma_wait3A_190 = tpu.memref_slice %arg4[%add3A_186] : memref<320000xi32, #tpu.memory_space<hbm>> -> memref<128xi32, #tpu.memory_space<hbm>>
        tpu.wait_dma2 semaphore(%arg16 : memref<!tpu.dma_semaphore, #tpu.memory_space<semaphore_mem>>) src(%dma_wait3A_190 : memref<128xi32, #tpu.memory_space<hbm>>) dst(%arg11 : memref<128xi32, #tpu.memory_space<vmem>>)
        %dma_start3A_191 = arith.constant 0 : i32
        %dma_start3A_192 = arith.constant 0 : i32
        %dma_start3A_193 = tpu.memref_slice %arg2[%dma_start3A_191, %dma_start3A_192] : memref<10240x128xf32, #tpu.memory_space<hbm>> -> memref<10240x128xf32, #tpu.memory_space<hbm>>
        tpu.enqueue_indirect_dma source(%dma_start3A_193 : memref<10240x128xf32, #tpu.memory_space<hbm>>) target(%arg13 : memref<128x128xf32, #tpu.memory_space<vmem>>) offsets(%arg8 : memref<128xi32, #tpu.memory_space<vmem>>) semaphore(%arg18 : memref<!tpu.dma_semaphore, #tpu.memory_space<semaphore_mem>>)
      } else {
      }
      %dma_wait3A_159 = arith.constant 0 : i32
      %dma_wait3A_160 = arith.constant 0 : i32
      %dma_wait3A_161 = tpu.memref_slice %arg2[%dma_wait3A_159, %dma_wait3A_160] : memref<10240x128xf32, #tpu.memory_space<hbm>> -> memref<10240x128xf32, #tpu.memory_space<hbm>>
      tpu.wait_indirect_dma semaphore(%arg17 : memref<!tpu.dma_semaphore, #tpu.memory_space<semaphore_mem>>) src(%dma_wait3A_161 : memref<10240x128xf32, #tpu.memory_space<hbm>>) dst(%arg12 : memref<128x128xf32, #tpu.memory_space<vmem>>)
      "tpu.region"() ({
        %run_scoped3A = tpu.sem_alloc : memref<!tpu.dma_semaphore, #tpu.memory_space<semaphore_mem>>
        %dma_start3A_182 = arith.constant 0 : i32
        %dma_start3A_183 = arith.constant 0 : i32
        %dma_start3A_184 = tpu.memref_slice %arg19[%dma_start3A_182, %dma_start3A_183] : memref<10240x128xf32, #tpu.memory_space<vmem_shared>> -> memref<10240x128xf32, #tpu.memory_space<vmem_shared>>
        tpu.enqueue_indirect_dma source(%arg12 : memref<128x128xf32, #tpu.memory_space<vmem>>) target(%dma_start3A_184 : memref<10240x128xf32, #tpu.memory_space<vmem_shared>>) offsets(%arg10 : memref<128xi32, #tpu.memory_space<vmem>>) semaphore(%run_scoped3A : memref<!tpu.dma_semaphore, #tpu.memory_space<semaphore_mem>>) {add = true}
        %dma_wait3A_185 = arith.constant 0 : i32
        %dma_wait3A_186 = arith.constant 0 : i32
        %dma_wait3A_187 = tpu.memref_slice %arg19[%dma_wait3A_185, %dma_wait3A_186] : memref<10240x128xf32, #tpu.memory_space<vmem_shared>> -> memref<10240x128xf32, #tpu.memory_space<vmem_shared>>
        tpu.wait_indirect_dma semaphore(%run_scoped3A : memref<!tpu.dma_semaphore, #tpu.memory_space<semaphore_mem>>) src(%arg12 : memref<128x128xf32, #tpu.memory_space<vmem>>) dst(%dma_wait3A_187 : memref<10240x128xf32, #tpu.memory_space<vmem_shared>>)
        tpu.yield
      }) : () -> ()
      %add3A_162 = arith.constant 5 : i32
      %add3A_163 = arith.addi %mul3A_66, %add3A_162 : i32
      %add3A_164 = arith.constant 2 : i32
      %add3A_165 = arith.addi %add3A_163, %add3A_164 : i32
      %lt3A_166 = arith.constant 78 : i32
      %lt3A_167 = arith.cmpi slt, %add3A_165, %lt3A_166 : i32
      %convert_element_type3A_168 = arith.extui %lt3A_167 : i1 to i32
      %cond3A_169 = arith.constant 0 : i32
      %cond3A_170 = arith.cmpi ne, %convert_element_type3A_168, %cond3A_169 : i32
      scf.if %cond3A_170 {
        %add3A_182 = arith.constant 2 : i32
        %add3A_183 = arith.addi %add3A_163, %add3A_182 : i32
        %mul3A_184 = arith.constant 128 : i32
        %mul3A_185 = arith.muli %add3A_183, %mul3A_184 : i32
        %add3A_186 = arith.addi %mul3A_2, %mul3A_185 : i32
        %dma_start3A_187 = tpu.memref_slice %arg3[%add3A_186] : memref<320000xi32, #tpu.memory_space<hbm>> -> memref<128xi32, #tpu.memory_space<hbm>>
        %dma_start3A_188 = tpu.memref_slice %arg3[%add3A_186] : memref<320000xi32, #tpu.memory_space<hbm>> -> memref<128xi32, #tpu.memory_space<hbm>>
        tpu.enqueue_dma source(%dma_start3A_188 : memref<128xi32, #tpu.memory_space<hbm>>) target(%arg7 : memref<128xi32, #tpu.memory_space<vmem>>) target_semaphore(%arg15 : memref<!tpu.dma_semaphore, #tpu.memory_space<semaphore_mem>>)
        %dma_start3A_189 = tpu.memref_slice %arg4[%add3A_186] : memref<320000xi32, #tpu.memory_space<hbm>> -> memref<128xi32, #tpu.memory_space<hbm>>
        %dma_start3A_190 = tpu.memref_slice %arg4[%add3A_186] : memref<320000xi32, #tpu.memory_space<hbm>> -> memref<128xi32, #tpu.memory_space<hbm>>
        tpu.enqueue_dma source(%dma_start3A_190 : memref<128xi32, #tpu.memory_space<hbm>>) target(%arg10 : memref<128xi32, #tpu.memory_space<vmem>>) target_semaphore(%arg15 : memref<!tpu.dma_semaphore, #tpu.memory_space<semaphore_mem>>)
      } else {
      }
      %add3A_171 = arith.constant 1 : i32
      %add3A_172 = arith.addi %add3A_163, %add3A_171 : i32
      %lt3A_173 = arith.constant 78 : i32
      %lt3A_174 = arith.cmpi slt, %add3A_172, %lt3A_173 : i32
      %convert_element_type3A_175 = arith.extui %lt3A_174 : i1 to i32
      %cond3A_176 = arith.constant 0 : i32
      %cond3A_177 = arith.cmpi ne, %convert_element_type3A_175, %cond3A_176 : i32
      scf.if %cond3A_177 {
        %add3A_182 = arith.constant 1 : i32
        %add3A_183 = arith.addi %add3A_163, %add3A_182 : i32
        %mul3A_184 = arith.constant 128 : i32
        %mul3A_185 = arith.muli %add3A_183, %mul3A_184 : i32
        %add3A_186 = arith.addi %mul3A_2, %mul3A_185 : i32
        %dma_wait3A_187 = tpu.memref_slice %arg3[%add3A_186] : memref<320000xi32, #tpu.memory_space<hbm>> -> memref<128xi32, #tpu.memory_space<hbm>>
        %dma_wait3A_188 = tpu.memref_slice %arg3[%add3A_186] : memref<320000xi32, #tpu.memory_space<hbm>> -> memref<128xi32, #tpu.memory_space<hbm>>
        tpu.wait_dma2 semaphore(%arg14 : memref<!tpu.dma_semaphore, #tpu.memory_space<semaphore_mem>>) src(%dma_wait3A_188 : memref<128xi32, #tpu.memory_space<hbm>>) dst(%arg6 : memref<128xi32, #tpu.memory_space<vmem>>)
        %dma_wait3A_189 = tpu.memref_slice %arg4[%add3A_186] : memref<320000xi32, #tpu.memory_space<hbm>> -> memref<128xi32, #tpu.memory_space<hbm>>
        %dma_wait3A_190 = tpu.memref_slice %arg4[%add3A_186] : memref<320000xi32, #tpu.memory_space<hbm>> -> memref<128xi32, #tpu.memory_space<hbm>>
        tpu.wait_dma2 semaphore(%arg14 : memref<!tpu.dma_semaphore, #tpu.memory_space<semaphore_mem>>) src(%dma_wait3A_190 : memref<128xi32, #tpu.memory_space<hbm>>) dst(%arg9 : memref<128xi32, #tpu.memory_space<vmem>>)
        %dma_start3A_191 = arith.constant 0 : i32
        %dma_start3A_192 = arith.constant 0 : i32
        %dma_start3A_193 = tpu.memref_slice %arg2[%dma_start3A_191, %dma_start3A_192] : memref<10240x128xf32, #tpu.memory_space<hbm>> -> memref<10240x128xf32, #tpu.memory_space<hbm>>
        tpu.enqueue_indirect_dma source(%dma_start3A_193 : memref<10240x128xf32, #tpu.memory_space<hbm>>) target(%arg12 : memref<128x128xf32, #tpu.memory_space<vmem>>) offsets(%arg6 : memref<128xi32, #tpu.memory_space<vmem>>) semaphore(%arg17 : memref<!tpu.dma_semaphore, #tpu.memory_space<semaphore_mem>>)
      } else {
      }
      %dma_wait3A_178 = arith.constant 0 : i32
      %dma_wait3A_179 = arith.constant 0 : i32
      %dma_wait3A_180 = tpu.memref_slice %arg2[%dma_wait3A_178, %dma_wait3A_179] : memref<10240x128xf32, #tpu.memory_space<hbm>> -> memref<10240x128xf32, #tpu.memory_space<hbm>>
      tpu.wait_indirect_dma semaphore(%arg18 : memref<!tpu.dma_semaphore, #tpu.memory_space<semaphore_mem>>) src(%dma_wait3A_180 : memref<10240x128xf32, #tpu.memory_space<hbm>>) dst(%arg13 : memref<128x128xf32, #tpu.memory_space<vmem>>)
      "tpu.region"() ({
        %run_scoped3A = tpu.sem_alloc : memref<!tpu.dma_semaphore, #tpu.memory_space<semaphore_mem>>
        %dma_start3A_182 = arith.constant 0 : i32
        %dma_start3A_183 = arith.constant 0 : i32
        %dma_start3A_184 = tpu.memref_slice %arg19[%dma_start3A_182, %dma_start3A_183] : memref<10240x128xf32, #tpu.memory_space<vmem_shared>> -> memref<10240x128xf32, #tpu.memory_space<vmem_shared>>
        tpu.enqueue_indirect_dma source(%arg13 : memref<128x128xf32, #tpu.memory_space<vmem>>) target(%dma_start3A_184 : memref<10240x128xf32, #tpu.memory_space<vmem_shared>>) offsets(%arg11 : memref<128xi32, #tpu.memory_space<vmem>>) semaphore(%run_scoped3A : memref<!tpu.dma_semaphore, #tpu.memory_space<semaphore_mem>>) {add = true}
        %dma_wait3A_185 = arith.constant 0 : i32
        %dma_wait3A_186 = arith.constant 0 : i32
        %dma_wait3A_187 = tpu.memref_slice %arg19[%dma_wait3A_185, %dma_wait3A_186] : memref<10240x128xf32, #tpu.memory_space<vmem_shared>> -> memref<10240x128xf32, #tpu.memory_space<vmem_shared>>
        tpu.wait_indirect_dma semaphore(%run_scoped3A : memref<!tpu.dma_semaphore, #tpu.memory_space<semaphore_mem>>) src(%arg13 : memref<128x128xf32, #tpu.memory_space<vmem>>) dst(%dma_wait3A_187 : memref<10240x128xf32, #tpu.memory_space<vmem_shared>>)
        tpu.yield
      }) : () -> ()
      %scan3A_181 = arith.constant 0 : i32
      scf.yield %scan3A_181 : i32
    }
    %scan3A_55 = arith.constant 13 : i32
    %lt3A = arith.constant 4 : i32
    %lt3A_56 = arith.cmpi slt, %add3A, %lt3A : i32
    %convert_element_type3A = arith.extui %lt3A_56 : i1 to i32
    %cond3A = arith.constant 0 : i32
    %cond3A_57 = arith.cmpi ne, %convert_element_type3A, %cond3A : i32
    scf.if %cond3A_57 {
      %mul3A_63 = arith.constant 128 : i32
      %mul3A_64 = arith.muli %add3A, %mul3A_63 : i32
      %add3A_65 = arith.constant 319488 : i32
      %add3A_66 = arith.addi %add3A_65, %mul3A_64 : i32
      "tpu.region"() ({
        %run_scoped3A = tpu.sem_alloc : memref<!tpu.dma_semaphore, #tpu.memory_space<semaphore_mem>>
        %dma_start3A_73 = tpu.memref_slice %arg3[%add3A_66] : memref<320000xi32, #tpu.memory_space<hbm>> -> memref<128xi32, #tpu.memory_space<hbm>>
        %dma_start3A_74 = tpu.memref_slice %arg3[%add3A_66] : memref<320000xi32, #tpu.memory_space<hbm>> -> memref<128xi32, #tpu.memory_space<hbm>>
        tpu.enqueue_dma source(%dma_start3A_74 : memref<128xi32, #tpu.memory_space<hbm>>) target(%arg6 : memref<128xi32, #tpu.memory_space<vmem>>) target_semaphore(%run_scoped3A : memref<!tpu.dma_semaphore, #tpu.memory_space<semaphore_mem>>)
        %dma_wait3A_75 = tpu.memref_slice %arg3[%add3A_66] : memref<320000xi32, #tpu.memory_space<hbm>> -> memref<128xi32, #tpu.memory_space<hbm>>
        %dma_wait3A_76 = tpu.memref_slice %arg3[%add3A_66] : memref<320000xi32, #tpu.memory_space<hbm>> -> memref<128xi32, #tpu.memory_space<hbm>>
        tpu.wait_dma2 semaphore(%run_scoped3A : memref<!tpu.dma_semaphore, #tpu.memory_space<semaphore_mem>>) src(%dma_wait3A_76 : memref<128xi32, #tpu.memory_space<hbm>>) dst(%arg6 : memref<128xi32, #tpu.memory_space<vmem>>)
        tpu.yield
      }) : () -> ()
      %dma_start3A_67 = arith.constant 0 : i32
      %dma_start3A_68 = arith.constant 0 : i32
      %dma_start3A_69 = tpu.memref_slice %arg2[%dma_start3A_67, %dma_start3A_68] : memref<10240x128xf32, #tpu.memory_space<hbm>> -> memref<10240x128xf32, #tpu.memory_space<hbm>>
      tpu.enqueue_indirect_dma source(%dma_start3A_69 : memref<10240x128xf32, #tpu.memory_space<hbm>>) target(%arg12 : memref<128x128xf32, #tpu.memory_space<vmem>>) offsets(%arg6 : memref<128xi32, #tpu.memory_space<vmem>>) semaphore(%arg17 : memref<!tpu.dma_semaphore, #tpu.memory_space<semaphore_mem>>)
      %dma_wait3A_70 = arith.constant 0 : i32
      %dma_wait3A_71 = arith.constant 0 : i32
      %dma_wait3A_72 = tpu.memref_slice %arg2[%dma_wait3A_70, %dma_wait3A_71] : memref<10240x128xf32, #tpu.memory_space<hbm>> -> memref<10240x128xf32, #tpu.memory_space<hbm>>
      tpu.wait_indirect_dma semaphore(%arg17 : memref<!tpu.dma_semaphore, #tpu.memory_space<semaphore_mem>>) src(%dma_wait3A_72 : memref<10240x128xf32, #tpu.memory_space<hbm>>) dst(%arg12 : memref<128x128xf32, #tpu.memory_space<vmem>>)
      "tpu.region"() ({
        %run_scoped3A = tpu.sem_alloc : memref<!tpu.dma_semaphore, #tpu.memory_space<semaphore_mem>>
        %dma_start3A_73 = tpu.memref_slice %arg4[%add3A_66] : memref<320000xi32, #tpu.memory_space<hbm>> -> memref<128xi32, #tpu.memory_space<hbm>>
        %dma_start3A_74 = tpu.memref_slice %arg4[%add3A_66] : memref<320000xi32, #tpu.memory_space<hbm>> -> memref<128xi32, #tpu.memory_space<hbm>>
        tpu.enqueue_dma source(%dma_start3A_74 : memref<128xi32, #tpu.memory_space<hbm>>) target(%arg9 : memref<128xi32, #tpu.memory_space<vmem>>) target_semaphore(%run_scoped3A : memref<!tpu.dma_semaphore, #tpu.memory_space<semaphore_mem>>)
        %dma_wait3A_75 = tpu.memref_slice %arg4[%add3A_66] : memref<320000xi32, #tpu.memory_space<hbm>> -> memref<128xi32, #tpu.memory_space<hbm>>
        %dma_wait3A_76 = tpu.memref_slice %arg4[%add3A_66] : memref<320000xi32, #tpu.memory_space<hbm>> -> memref<128xi32, #tpu.memory_space<hbm>>
        tpu.wait_dma2 semaphore(%run_scoped3A : memref<!tpu.dma_semaphore, #tpu.memory_space<semaphore_mem>>) src(%dma_wait3A_76 : memref<128xi32, #tpu.memory_space<hbm>>) dst(%arg9 : memref<128xi32, #tpu.memory_space<vmem>>)
        tpu.yield
      }) : () -> ()
      "tpu.region"() ({
        %run_scoped3A = tpu.sem_alloc : memref<!tpu.dma_semaphore, #tpu.memory_space<semaphore_mem>>
        %dma_start3A_73 = arith.constant 0 : i32
        %dma_start3A_74 = arith.constant 0 : i32
        %dma_start3A_75 = tpu.memref_slice %arg19[%dma_start3A_73, %dma_start3A_74] : memref<10240x128xf32, #tpu.memory_space<vmem_shared>> -> memref<10240x128xf32, #tpu.memory_space<vmem_shared>>
        tpu.enqueue_indirect_dma source(%arg12 : memref<128x128xf32, #tpu.memory_space<vmem>>) target(%dma_start3A_75 : memref<10240x128xf32, #tpu.memory_space<vmem_shared>>) offsets(%arg9 : memref<128xi32, #tpu.memory_space<vmem>>) semaphore(%run_scoped3A : memref<!tpu.dma_semaphore, #tpu.memory_space<semaphore_mem>>) {add = true}
        %dma_wait3A_76 = arith.constant 0 : i32
        %dma_wait3A_77 = arith.constant 0 : i32
        %dma_wait3A_78 = tpu.memref_slice %arg19[%dma_wait3A_76, %dma_wait3A_77] : memref<10240x128xf32, #tpu.memory_space<vmem_shared>> -> memref<10240x128xf32, #tpu.memory_space<vmem_shared>>
        tpu.wait_indirect_dma semaphore(%run_scoped3A : memref<!tpu.dma_semaphore, #tpu.memory_space<semaphore_mem>>) src(%arg12 : memref<128x128xf32, #tpu.memory_space<vmem>>) dst(%dma_wait3A_78 : memref<10240x128xf32, #tpu.memory_space<vmem_shared>>)
        tpu.yield
      }) : () -> ()
    } else {
    }
    %barrier3A_58 = arith.constant 0 : index
    tpu.barrier barrier_id(%barrier3A_58)
    %mul3A_59 = arith.constant 640 : i32
    %mul3A_60 = arith.muli %arg1, %mul3A_59 : i32
    %mul3A_61 = arith.constant 640 : i32
    %mul3A_62 = arith.muli %arg1, %mul3A_61 : i32
    "tpu.region"() ({
      %run_scoped3A = tpu.sem_alloc : memref<!tpu.dma_semaphore, #tpu.memory_space<semaphore_mem>>
      %dma_start3A_63 = arith.constant 0 : i32
      %dma_start3A_64 = tpu.memref_slice %arg5[%arg0, %mul3A_62, %dma_start3A_63] : memref<2x10240x128xf32, #tpu.memory_space<hbm>> -> memref<1x640x128xf32, #tpu.memory_space<hbm>>
      %dma_start3A_65 = tpu.memref_squeeze %dma_start3A_64 : memref<1x640x128xf32, #tpu.memory_space<hbm>> -> memref<640x128xf32, #tpu.memory_space<hbm>>
      %dma_start3A_66 = arith.constant 0 : i32
      %dma_start3A_67 = tpu.memref_slice %arg19[%mul3A_60, %dma_start3A_66] : memref<10240x128xf32, #tpu.memory_space<vmem_shared>> -> memref<640x128xf32, #tpu.memory_space<vmem_shared>>
      tpu.enqueue_dma source(%dma_start3A_67 : memref<640x128xf32, #tpu.memory_space<vmem_shared>>) target(%dma_start3A_65 : memref<640x128xf32, #tpu.memory_space<hbm>>) target_semaphore(%run_scoped3A : memref<!tpu.dma_semaphore, #tpu.memory_space<semaphore_mem>>)
      %dma_wait3A_68 = arith.constant 0 : i32
      %dma_wait3A_69 = tpu.memref_slice %arg5[%arg0, %mul3A_62, %dma_wait3A_68] : memref<2x10240x128xf32, #tpu.memory_space<hbm>> -> memref<1x640x128xf32, #tpu.memory_space<hbm>>
      %dma_wait3A_70 = tpu.memref_squeeze %dma_wait3A_69 : memref<1x640x128xf32, #tpu.memory_space<hbm>> -> memref<640x128xf32, #tpu.memory_space<hbm>>
      %dma_wait3A_71 = arith.constant 0 : i32
      %dma_wait3A_72 = tpu.memref_slice %arg19[%mul3A_60, %dma_wait3A_71] : memref<10240x128xf32, #tpu.memory_space<vmem_shared>> -> memref<640x128xf32, #tpu.memory_space<vmem_shared>>
      tpu.wait_dma2 semaphore(%run_scoped3A : memref<!tpu.dma_semaphore, #tpu.memory_space<semaphore_mem>>) src(%dma_wait3A_72 : memref<640x128xf32, #tpu.memory_space<vmem_shared>>) dst(%dma_wait3A_70 : memref<640x128xf32, #tpu.memory_space<hbm>>)
      tpu.yield
    }) : () -> ()
    return
  }
}

module attributes {stable_mosaic.version = 14 : i64} {
  func.func @_y1_body(%arg0: i32, %arg1: memref<32x2560xf32, #tpu.memory_space<vmem>>, %arg2: memref<2560x128xf32, #tpu.memory_space<vmem>>, %arg3: memref<128x128xf32, #tpu.memory_space<vmem>>, %arg4: memref<2560x1xf32, #tpu.memory_space<vmem>>, %arg5: memref<2560x128xf32, #tpu.memory_space<vmem>>, %arg6: memref<2560x128xf32, #tpu.memory_space<vmem>>, %arg7: memref<128x128xf32, #tpu.memory_space<vmem>>) attributes {dimension_semantics = [#tpu.dimension_semantics<arbitrary>], iteration_bounds = array<i64: 4>, scalar_prefetch = 0 : i64, scratch_operands = 0 : i64, tpu.core_type = #tpu.core_type<tc>, window_params = [{transform_indices = @transform_0, window_bounds = array<i64: 32, 2560>}, {transform_indices = @transform_1, window_bounds = array<i64: 2560, 128>}, {pipeline_mode = #tpu.pipeline_mode<synchronous>, transform_indices = @transform_2, window_bounds = array<i64: 128, 128>}, {transform_indices = @transform_3, window_bounds = array<i64: 2560, 1>}, {transform_indices = @transform_4, window_bounds = array<i64: 2560, 128>}, {transform_indices = @transform_5, window_bounds = array<i64: 2560, 128>}, {pipeline_mode = #tpu.pipeline_mode<synchronous>, transform_indices = @transform_6, window_bounds = array<i64: 128, 128>}]} {
    %get3A = arith.constant 0 : index
    %get3A_0 = arith.constant 0 : index
    %get3A_1 = vector.load %arg1[%get3A, %get3A_0] : memref<32x2560xf32, #tpu.memory_space<vmem>>, vector<32x2560xf32>
    %reduce_sum3A = arith.constant dense<0.000000e+00> : vector<2560xf32>
    %reduce_sum3A_2 = vector.multi_reduction <add>, %get3A_1, %reduce_sum3A [0] : vector<32x2560xf32> to vector<2560xf32>
    %broadcast_in_dim3A = vector.shape_cast %reduce_sum3A_2 : vector<2560xf32> to vector<1x2560xf32>
    %add3A = arith.constant 1.000000e+00 : f32
    %add3A_3 = vector.broadcast %add3A : f32 to vector<1x2560xf32>
    %add3A_4 = arith.addf %broadcast_in_dim3A, %add3A_3 : vector<1x2560xf32>
    %rsqrt3A = math.rsqrt %add3A_4 : vector<1x2560xf32>
    %transpose3A = tpu.transpose %rsqrt3A, [1, 0] : vector<1x2560xf32> -> vector<2560x1xf32>
    %swap3A = arith.constant 0 : index
    %swap3A_5 = arith.constant 0 : index
    %swap3A_6 = vector.load %arg4[%swap3A, %swap3A_5] : memref<2560x1xf32, #tpu.memory_space<vmem>>, vector<2560x1xf32>
    tpu.vector_store %arg4[%swap3A, %swap3A_5], %transpose3A {strides = array<i32>} : memref<2560x1xf32, #tpu.memory_space<vmem>>, vector<2560x1xf32>,
    %get3A_7 = arith.constant 0 : index
    %get3A_8 = arith.constant 0 : index
    %get3A_9 = vector.load %arg2[%get3A_7, %get3A_8] : memref<2560x128xf32, #tpu.memory_space<vmem>>, vector<2560x128xf32>
    %get3A_10 = arith.constant 0 : index
    %get3A_11 = arith.constant 0 : index
    %get3A_12 = vector.load %arg3[%get3A_10, %get3A_11] : memref<128x128xf32, #tpu.memory_space<vmem>>, vector<128x128xf32>
    %dot_general3A = arith.constant dense<0.000000e+00> : vector<2560x128xf32>
    %dot_general3A_13 = tpu.matmul %get3A_9, %get3A_12, %dot_general3A {dimension_numbers = #tpu.dot_dimension_numbers<[1], [0], [0], [1], [0, 0, 1, 1], [], []>, transpose_lhs_hint = false} : vector<2560x128xf32>, vector<128x128xf32>, vector<2560x128xf32> -> vector<2560x128xf32>
    %mul3A = vector.broadcast %transpose3A : vector<2560x1xf32> to vector<2560x128xf32>
    %mul3A_14 = arith.mulf %dot_general3A_13, %mul3A : vector<2560x128xf32>
    %swap3A_15 = arith.constant 0 : index
    %swap3A_16 = arith.constant 0 : index
    %swap3A_17 = vector.load %arg5[%swap3A_15, %swap3A_16] : memref<2560x128xf32, #tpu.memory_space<vmem>>, vector<2560x128xf32>
    tpu.vector_store %arg5[%swap3A_15, %swap3A_16], %mul3A_14 {strides = array<i32>} : memref<2560x128xf32, #tpu.memory_space<vmem>>, vector<2560x128xf32>,
    %mul3A_18 = arith.mulf %get3A_9, %get3A_9 : vector<2560x128xf32>
    %reduce_sum3A_19 = arith.constant dense<0.000000e+00> : vector<2560xf32>
    %reduce_sum3A_20 = vector.multi_reduction <add>, %mul3A_18, %reduce_sum3A_19 [1] : vector<2560x128xf32> to vector<2560xf32>
    %broadcast_in_dim3A_21 = vector.shape_cast %reduce_sum3A_20 : vector<2560xf32> to vector<2560x1xf32>
    %sqrt3A = math.sqrt %broadcast_in_dim3A_21 : vector<2560x1xf32>
    %add3A_22 = arith.constant 9.99999996E-13 : f32
    %add3A_23 = vector.broadcast %add3A_22 : f32 to vector<2560x1xf32>
    %add3A_24 = arith.addf %sqrt3A, %add3A_23 : vector<2560x1xf32>
    %div3A = vector.broadcast %add3A_24 : vector<2560x1xf32> to vector<2560x128xf32>
    %div3A_25 = arith.divf %get3A_9, %div3A : vector<2560x128xf32>
    %swap3A_26 = arith.constant 0 : index
    %swap3A_27 = arith.constant 0 : index
    %swap3A_28 = vector.load %arg6[%swap3A_26, %swap3A_27] : memref<2560x128xf32, #tpu.memory_space<vmem>>, vector<2560x128xf32>
    tpu.vector_store %arg6[%swap3A_26, %swap3A_27], %div3A_25 {strides = array<i32>} : memref<2560x128xf32, #tpu.memory_space<vmem>>, vector<2560x128xf32>,
    %dot_general3A_29 = arith.constant dense<0.000000e+00> : vector<128x128xf32>
    %dot_general3A_30 = tpu.matmul %div3A_25, %div3A_25, %dot_general3A_29 {dimension_numbers = #tpu.dot_dimension_numbers<[0], [0], [1], [1], [0, 1, 1, 1], [], []>, transpose_lhs_hint = false} : vector<2560x128xf32>, vector<2560x128xf32>, vector<128x128xf32> -> vector<128x128xf32>
    %eq3A = arith.constant 0 : i32
    %eq3A_31 = arith.cmpi eq, %arg0, %eq3A : i32
    %convert_element_type3A = arith.extui %eq3A_31 : i1 to i32
    %cond3A = arith.constant 0 : i32
    %cond3A_32 = arith.cmpi ne, %convert_element_type3A, %cond3A : i32
    scf.if %cond3A_32 {
      %broadcast_in_dim3A_40 = arith.constant 0.000000e+00 : f32
      %broadcast_in_dim3A_41 = vector.broadcast %broadcast_in_dim3A_40 : f32 to vector<128x128xf32>
      %swap3A_42 = arith.constant 0 : index
      %swap3A_43 = arith.constant 0 : index
      %swap3A_44 = vector.load %arg7[%swap3A_42, %swap3A_43] : memref<128x128xf32, #tpu.memory_space<vmem>>, vector<128x128xf32>
      tpu.vector_store %arg7[%swap3A_42, %swap3A_43], %broadcast_in_dim3A_41 {strides = array<i32>} : memref<128x128xf32, #tpu.memory_space<vmem>>, vector<128x128xf32>,
    } else {
    }
    %get3A_33 = arith.constant 0 : index
    %get3A_34 = arith.constant 0 : index
    %get3A_35 = vector.load %arg7[%get3A_33, %get3A_34] : memref<128x128xf32, #tpu.memory_space<vmem>>, vector<128x128xf32>
    %add3A_36 = arith.addf %get3A_35, %dot_general3A_30 : vector<128x128xf32>
    %swap3A_37 = arith.constant 0 : index
    %swap3A_38 = arith.constant 0 : index
    %swap3A_39 = vector.load %arg7[%swap3A_37, %swap3A_38] : memref<128x128xf32, #tpu.memory_space<vmem>>, vector<128x128xf32>
    tpu.vector_store %arg7[%swap3A_37, %swap3A_38], %add3A_36 {strides = array<i32>} : memref<128x128xf32, #tpu.memory_space<vmem>>, vector<128x128xf32>,
    return
  }
  func.func @transform_0(%arg0: i32) -> (i32, i32) {
    %c0_i32 = arith.constant 0 : i32
    %c0_i32_0 = arith.constant 0 : i32
    return %c0_i32, %arg0 : i32, i32
  }
  func.func @transform_1(%arg0: i32) -> (i32, i32) {
    %c0_i32 = arith.constant 0 : i32
    %c0_i32_0 = arith.constant 0 : i32
    return %arg0, %c0_i32 : i32, i32
  }
  func.func @transform_2(%arg0: i32) -> (i32, i32) {
    %c0_i32 = arith.constant 0 : i32
    %c0_i32_0 = arith.constant 0 : i32
    %c0_i32_1 = arith.constant 0 : i32
    return %c0_i32, %c0_i32_0 : i32, i32
  }
  func.func @transform_3(%arg0: i32) -> (i32, i32) {
    %c0_i32 = arith.constant 0 : i32
    %c0_i32_0 = arith.constant 0 : i32
    return %arg0, %c0_i32 : i32, i32
  }
  func.func @transform_4(%arg0: i32) -> (i32, i32) {
    %c0_i32 = arith.constant 0 : i32
    %c0_i32_0 = arith.constant 0 : i32
    return %arg0, %c0_i32 : i32, i32
  }
  func.func @transform_5(%arg0: i32) -> (i32, i32) {
    %c0_i32 = arith.constant 0 : i32
    %c0_i32_0 = arith.constant 0 : i32
    return %arg0, %c0_i32 : i32, i32
  }
  func.func @transform_6(%arg0: i32) -> (i32, i32) {
    %c0_i32 = arith.constant 0 : i32
    %c0_i32_0 = arith.constant 0 : i32
    %c0_i32_1 = arith.constant 0 : i32
    return %c0_i32, %c0_i32_0 : i32, i32
  }
}

module attributes {stable_mosaic.version = 14 : i64} {
  func.func @_post_mid_body(%arg0: i32, %arg1: memref<2560x128xf32, #tpu.memory_space<vmem>>, %arg2: memref<2560x128xf32, #tpu.memory_space<vmem>>, %arg3: memref<2560x128xf32, #tpu.memory_space<vmem>>, %arg4: memref<2560x1xf32, #tpu.memory_space<vmem>>, %arg5: memref<2560x128xf32, #tpu.memory_space<vmem>>, %arg6: memref<128x128xf32, #tpu.memory_space<vmem>>, %arg7: memref<128x128xf32, #tpu.memory_space<vmem>>, %arg8: memref<1x128xf32, #tpu.memory_space<vmem>>, %arg9: memref<2560x1xf32, #tpu.memory_space<vmem>>, %arg10: memref<128x128xf32, #tpu.memory_space<vmem>>, %arg11: memref<2560x128xf32, #tpu.memory_space<vmem>>, %arg12: memref<2560x128xf32, #tpu.memory_space<vmem>>, %arg13: memref<128x128xf32, #tpu.memory_space<vmem>>) attributes {dimension_semantics = [#tpu.dimension_semantics<arbitrary>], iteration_bounds = array<i64: 4>, scalar_prefetch = 0 : i64, scratch_operands = 0 : i64, tpu.core_type = #tpu.core_type<tc>, window_params = [{transform_indices = @transform_0, window_bounds = array<i64: 2560, 128>}, {transform_indices = @transform_1, window_bounds = array<i64: 2560, 128>}, {transform_indices = @transform_2, window_bounds = array<i64: 2560, 128>}, {transform_indices = @transform_3, window_bounds = array<i64: 2560, 1>}, {transform_indices = @transform_4, window_bounds = array<i64: 2560, 128>}, {pipeline_mode = #tpu.pipeline_mode<synchronous>, transform_indices = @transform_5, window_bounds = array<i64: 128, 128>}, {pipeline_mode = #tpu.pipeline_mode<synchronous>, transform_indices = @transform_6, window_bounds = array<i64: 128, 128>}, {pipeline_mode = #tpu.pipeline_mode<synchronous>, transform_indices = @transform_7, window_bounds = array<i64: 1, 128>}, {transform_indices = @transform_8, window_bounds = array<i64: 2560, 1>}, {pipeline_mode = #tpu.pipeline_mode<synchronous>, transform_indices = @transform_9, window_bounds = array<i64: 128, 128>}, {transform_indices = @transform_10, window_bounds = array<i64: 2560, 128>}, {transform_indices = @transform_11, window_bounds = array<i64: 2560, 128>}, {pipeline_mode = #tpu.pipeline_mode<synchronous>, transform_indices = @transform_12, window_bounds = array<i64: 128, 128>}]} {
    %get3A = arith.constant 0 : index
    %get3A_0 = arith.constant 0 : index
    %get3A_1 = vector.load %arg6[%get3A, %get3A_0] : memref<128x128xf32, #tpu.memory_space<vmem>>, vector<128x128xf32>
    %get3A_2 = arith.constant 0 : index
    %get3A_3 = arith.constant 0 : index
    %get3A_4 = vector.load %arg7[%get3A_2, %get3A_3] : memref<128x128xf32, #tpu.memory_space<vmem>>, vector<128x128xf32>
    %dot_general3A = arith.constant dense<0.000000e+00> : vector<128x128xf32>
    %dot_general3A_5 = tpu.matmul %get3A_1, %get3A_4, %dot_general3A {dimension_numbers = #tpu.dot_dimension_numbers<[1], [0], [0], [1], [0, 0, 1, 1], [], []>, transpose_lhs_hint = false} : vector<128x128xf32>, vector<128x128xf32>, vector<128x128xf32> -> vector<128x128xf32>
    %mul3A = arith.constant 9.99999974E-6 : f32
    %mul3A_6 = vector.broadcast %mul3A : f32 to vector<128x128xf32>
    %mul3A_7 = arith.mulf %dot_general3A_5, %mul3A_6 : vector<128x128xf32>
    %get3A_8 = arith.constant 0 : index
    %get3A_9 = arith.constant 0 : index
    %get3A_10 = vector.load %arg1[%get3A_8, %get3A_9] : memref<2560x128xf32, #tpu.memory_space<vmem>>, vector<2560x128xf32>
    %get3A_11 = arith.constant 0 : index
    %get3A_12 = arith.constant 0 : index
    %get3A_13 = vector.load %arg2[%get3A_11, %get3A_12] : memref<2560x128xf32, #tpu.memory_space<vmem>>, vector<2560x128xf32>
    %add3A = arith.addf %get3A_10, %get3A_13 : vector<2560x128xf32>
    %get3A_14 = arith.constant 0 : index
    %get3A_15 = arith.constant 0 : index
    %get3A_16 = vector.load %arg3[%get3A_14, %get3A_15] : memref<2560x128xf32, #tpu.memory_space<vmem>>, vector<2560x128xf32>
    %add3A_17 = arith.addf %add3A, %get3A_16 : vector<2560x128xf32>
    %get3A_18 = arith.constant 0 : index
    %get3A_19 = arith.constant 0 : index
    %get3A_20 = vector.load %arg4[%get3A_18, %get3A_19] : memref<2560x1xf32, #tpu.memory_space<vmem>>, vector<2560x1xf32>
    %mul3A_21 = vector.broadcast %get3A_20 : vector<2560x1xf32> to vector<2560x128xf32>
    %mul3A_22 = arith.mulf %add3A_17, %mul3A_21 : vector<2560x128xf32>
    %get3A_23 = arith.constant 0 : index
    %get3A_24 = arith.constant 0 : index
    %get3A_25 = vector.load %arg5[%get3A_23, %get3A_24] : memref<2560x128xf32, #tpu.memory_space<vmem>>, vector<2560x128xf32>
    %dot_general3A_26 = arith.constant dense<0.000000e+00> : vector<2560x128xf32>
    %dot_general3A_27 = tpu.matmul %get3A_25, %mul3A_7, %dot_general3A_26 {dimension_numbers = #tpu.dot_dimension_numbers<[1], [0], [0], [1], [0, 0, 1, 1], [], []>, transpose_lhs_hint = false} : vector<2560x128xf32>, vector<128x128xf32>, vector<2560x128xf32> -> vector<2560x128xf32>
    %add3A_28 = arith.addf %mul3A_22, %dot_general3A_27 : vector<2560x128xf32>
    %get3A_29 = arith.constant 0 : index
    %get3A_30 = arith.constant 0 : index
    %get3A_31 = vector.load %arg8[%get3A_29, %get3A_30] : memref<1x128xf32, #tpu.memory_space<vmem>>, vector<1x128xf32>
    %add3A_32 = vector.broadcast %get3A_31 : vector<1x128xf32> to vector<2560x128xf32>
    %add3A_33 = arith.addf %add3A_28, %add3A_32 : vector<2560x128xf32>
    %max3A = arith.constant 0.000000e+00 : f32
    %max3A_34 = vector.broadcast %max3A : f32 to vector<2560x128xf32>
    %max3A_35 = arith.maximumf %add3A_33, %max3A_34 : vector<2560x128xf32>
    %mul3A_36 = arith.mulf %max3A_35, %max3A_35 : vector<2560x128xf32>
    %reduce_sum3A = arith.constant dense<0.000000e+00> : vector<2560xf32>
    %reduce_sum3A_37 = vector.multi_reduction <add>, %mul3A_36, %reduce_sum3A [1] : vector<2560x128xf32> to vector<2560xf32>
    %broadcast_in_dim3A = vector.shape_cast %reduce_sum3A_37 : vector<2560xf32> to vector<2560x1xf32>
    %sqrt3A = math.sqrt %broadcast_in_dim3A : vector<2560x1xf32>
    %add3A_38 = arith.constant 9.99999996E-13 : f32
    %add3A_39 = vector.broadcast %add3A_38 : f32 to vector<2560x1xf32>
    %add3A_40 = arith.addf %sqrt3A, %add3A_39 : vector<2560x1xf32>
    %div3A = vector.broadcast %add3A_40 : vector<2560x1xf32> to vector<2560x128xf32>
    %div3A_41 = arith.divf %max3A_35, %div3A : vector<2560x128xf32>
    %get3A_42 = arith.constant 0 : index
    %get3A_43 = arith.constant 0 : index
    %get3A_44 = vector.load %arg9[%get3A_42, %get3A_43] : memref<2560x1xf32, #tpu.memory_space<vmem>>, vector<2560x1xf32>
    %mul3A_45 = vector.broadcast %get3A_44 : vector<2560x1xf32> to vector<2560x128xf32>
    %mul3A_46 = arith.mulf %div3A_41, %mul3A_45 : vector<2560x128xf32>
    %get3A_47 = arith.constant 0 : index
    %get3A_48 = arith.constant 0 : index
    %get3A_49 = vector.load %arg10[%get3A_47, %get3A_48] : memref<128x128xf32, #tpu.memory_space<vmem>>, vector<128x128xf32>
    %dot_general3A_50 = arith.constant dense<0.000000e+00> : vector<2560x128xf32>
    %dot_general3A_51 = tpu.matmul %mul3A_46, %get3A_49, %dot_general3A_50 {dimension_numbers = #tpu.dot_dimension_numbers<[1], [0], [0], [1], [0, 0, 1, 1], [], []>, transpose_lhs_hint = false} : vector<2560x128xf32>, vector<128x128xf32>, vector<2560x128xf32> -> vector<2560x128xf32>
    %get3A_52 = arith.constant 0 : index
    %get3A_53 = arith.constant 0 : index
    %get3A_54 = vector.load %arg4[%get3A_52, %get3A_53] : memref<2560x1xf32, #tpu.memory_space<vmem>>, vector<2560x1xf32>
    %mul3A_55 = vector.broadcast %get3A_54 : vector<2560x1xf32> to vector<2560x128xf32>
    %mul3A_56 = arith.mulf %dot_general3A_51, %mul3A_55 : vector<2560x128xf32>
    %swap3A = arith.constant 0 : index
    %swap3A_57 = arith.constant 0 : index
    %swap3A_58 = vector.load %arg11[%swap3A, %swap3A_57] : memref<2560x128xf32, #tpu.memory_space<vmem>>, vector<2560x128xf32>
    tpu.vector_store %arg11[%swap3A, %swap3A_57], %mul3A_56 {strides = array<i32>} : memref<2560x128xf32, #tpu.memory_space<vmem>>, vector<2560x128xf32>,
    %mul3A_59 = arith.mulf %mul3A_46, %mul3A_46 : vector<2560x128xf32>
    %reduce_sum3A_60 = arith.constant dense<0.000000e+00> : vector<2560xf32>
    %reduce_sum3A_61 = vector.multi_reduction <add>, %mul3A_59, %reduce_sum3A_60 [1] : vector<2560x128xf32> to vector<2560xf32>
    %broadcast_in_dim3A_62 = vector.shape_cast %reduce_sum3A_61 : vector<2560xf32> to vector<2560x1xf32>
    %sqrt3A_63 = math.sqrt %broadcast_in_dim3A_62 : vector<2560x1xf32>
    %add3A_64 = arith.constant 9.99999996E-13 : f32
    %add3A_65 = vector.broadcast %add3A_64 : f32 to vector<2560x1xf32>
    %add3A_66 = arith.addf %sqrt3A_63, %add3A_65 : vector<2560x1xf32>
    %div3A_67 = vector.broadcast %add3A_66 : vector<2560x1xf32> to vector<2560x128xf32>
    %div3A_68 = arith.divf %mul3A_46, %div3A_67 : vector<2560x128xf32>
    %swap3A_69 = arith.constant 0 : index
    %swap3A_70 = arith.constant 0 : index
    %swap3A_71 = vector.load %arg12[%swap3A_69, %swap3A_70] : memref<2560x128xf32, #tpu.memory_space<vmem>>, vector<2560x128xf32>
    tpu.vector_store %arg12[%swap3A_69, %swap3A_70], %div3A_68 {strides = array<i32>} : memref<2560x128xf32, #tpu.memory_space<vmem>>, vector<2560x128xf32>,
    %dot_general3A_72 = arith.constant dense<0.000000e+00> : vector<128x128xf32>
    %dot_general3A_73 = tpu.matmul %div3A_68, %div3A_68, %dot_general3A_72 {dimension_numbers = #tpu.dot_dimension_numbers<[0], [0], [1], [1], [0, 1, 1, 1], [], []>, transpose_lhs_hint = false} : vector<2560x128xf32>, vector<2560x128xf32>, vector<128x128xf32> -> vector<128x128xf32>
    %eq3A = arith.constant 0 : i32
    %eq3A_74 = arith.cmpi eq, %arg0, %eq3A : i32
    %convert_element_type3A = arith.extui %eq3A_74 : i1 to i32
    %cond3A = arith.constant 0 : i32
    %cond3A_75 = arith.cmpi ne, %convert_element_type3A, %cond3A : i32
    scf.if %cond3A_75 {
      %broadcast_in_dim3A_83 = arith.constant 0.000000e+00 : f32
      %broadcast_in_dim3A_84 = vector.broadcast %broadcast_in_dim3A_83 : f32 to vector<128x128xf32>
      %swap3A_85 = arith.constant 0 : index
      %swap3A_86 = arith.constant 0 : index
      %swap3A_87 = vector.load %arg13[%swap3A_85, %swap3A_86] : memref<128x128xf32, #tpu.memory_space<vmem>>, vector<128x128xf32>
      tpu.vector_store %arg13[%swap3A_85, %swap3A_86], %broadcast_in_dim3A_84 {strides = array<i32>} : memref<128x128xf32, #tpu.memory_space<vmem>>, vector<128x128xf32>,
    } else {
    }
    %get3A_76 = arith.constant 0 : index
    %get3A_77 = arith.constant 0 : index
    %get3A_78 = vector.load %arg13[%get3A_76, %get3A_77] : memref<128x128xf32, #tpu.memory_space<vmem>>, vector<128x128xf32>
    %add3A_79 = arith.addf %get3A_78, %dot_general3A_73 : vector<128x128xf32>
    %swap3A_80 = arith.constant 0 : index
    %swap3A_81 = arith.constant 0 : index
    %swap3A_82 = vector.load %arg13[%swap3A_80, %swap3A_81] : memref<128x128xf32, #tpu.memory_space<vmem>>, vector<128x128xf32>
    tpu.vector_store %arg13[%swap3A_80, %swap3A_81], %add3A_79 {strides = array<i32>} : memref<128x128xf32, #tpu.memory_space<vmem>>, vector<128x128xf32>,
    return
  }
  func.func @transform_0(%arg0: i32) -> (i32, i32) {
    %c0_i32 = arith.constant 0 : i32
    %c0_i32_0 = arith.constant 0 : i32
    return %arg0, %c0_i32 : i32, i32
  }
  func.func @transform_1(%arg0: i32) -> (i32, i32) {
    %c0_i32 = arith.constant 0 : i32
    %c0_i32_0 = arith.constant 0 : i32
    return %arg0, %c0_i32 : i32, i32
  }
  func.func @transform_2(%arg0: i32) -> (i32, i32) {
    %c0_i32 = arith.constant 0 : i32
    %c0_i32_0 = arith.constant 0 : i32
    return %arg0, %c0_i32 : i32, i32
  }
  func.func @transform_3(%arg0: i32) -> (i32, i32) {
    %c0_i32 = arith.constant 0 : i32
    %c0_i32_0 = arith.constant 0 : i32
    return %arg0, %c0_i32 : i32, i32
  }
  func.func @transform_4(%arg0: i32) -> (i32, i32) {
    %c0_i32 = arith.constant 0 : i32
    %c0_i32_0 = arith.constant 0 : i32
    return %arg0, %c0_i32 : i32, i32
  }
  func.func @transform_5(%arg0: i32) -> (i32, i32) {
    %c0_i32 = arith.constant 0 : i32
    %c0_i32_0 = arith.constant 0 : i32
    %c0_i32_1 = arith.constant 0 : i32
    return %c0_i32, %c0_i32_0 : i32, i32
  }
  func.func @transform_6(%arg0: i32) -> (i32, i32) {
    %c0_i32 = arith.constant 0 : i32
    %c0_i32_0 = arith.constant 0 : i32
    %c0_i32_1 = arith.constant 0 : i32
    return %c0_i32, %c0_i32_0 : i32, i32
  }
  func.func @transform_7(%arg0: i32) -> (i32, i32) {
    %c0_i32 = arith.constant 0 : i32
    %c0_i32_0 = arith.constant 0 : i32
    %c0_i32_1 = arith.constant 0 : i32
    return %c0_i32, %c0_i32_0 : i32, i32
  }
  func.func @transform_8(%arg0: i32) -> (i32, i32) {
    %c0_i32 = arith.constant 0 : i32
    %c0_i32_0 = arith.constant 0 : i32
    return %arg0, %c0_i32 : i32, i32
  }
  func.func @transform_9(%arg0: i32) -> (i32, i32) {
    %c0_i32 = arith.constant 0 : i32
    %c0_i32_0 = arith.constant 0 : i32
    %c0_i32_1 = arith.constant 0 : i32
    return %c0_i32, %c0_i32_0 : i32, i32
  }
  func.func @transform_10(%arg0: i32) -> (i32, i32) {
    %c0_i32 = arith.constant 0 : i32
    %c0_i32_0 = arith.constant 0 : i32
    return %arg0, %c0_i32 : i32, i32
  }
  func.func @transform_11(%arg0: i32) -> (i32, i32) {
    %c0_i32 = arith.constant 0 : i32
    %c0_i32_0 = arith.constant 0 : i32
    return %arg0, %c0_i32 : i32, i32
  }
  func.func @transform_12(%arg0: i32) -> (i32, i32) {
    %c0_i32 = arith.constant 0 : i32
    %c0_i32_0 = arith.constant 0 : i32
    %c0_i32_1 = arith.constant 0 : i32
    return %c0_i32, %c0_i32_0 : i32, i32
  }
}

module attributes {stable_mosaic.version = 14 : i64} {
  func.func @_post_final_body(%arg0: i32, %arg1: memref<2560x128xf32, #tpu.memory_space<vmem>>, %arg2: memref<2560x128xf32, #tpu.memory_space<vmem>>, %arg3: memref<2560x128xf32, #tpu.memory_space<vmem>>, %arg4: memref<2560x1xf32, #tpu.memory_space<vmem>>, %arg5: memref<2560x128xf32, #tpu.memory_space<vmem>>, %arg6: memref<128x128xf32, #tpu.memory_space<vmem>>, %arg7: memref<128x128xf32, #tpu.memory_space<vmem>>, %arg8: memref<1x128xf32, #tpu.memory_space<vmem>>, %arg9: memref<2560x1xf32, #tpu.memory_space<vmem>>, %arg10: memref<128x64xf32, #tpu.memory_space<vmem>>, %arg11: memref<1x64xf32, #tpu.memory_space<vmem>>, %arg12: memref<2560x64xf32, #tpu.memory_space<vmem>>) attributes {dimension_semantics = [#tpu.dimension_semantics<arbitrary>], iteration_bounds = array<i64: 4>, scalar_prefetch = 0 : i64, scratch_operands = 0 : i64, tpu.core_type = #tpu.core_type<tc>, window_params = [{transform_indices = @transform_0, window_bounds = array<i64: 2560, 128>}, {transform_indices = @transform_1, window_bounds = array<i64: 2560, 128>}, {transform_indices = @transform_2, window_bounds = array<i64: 2560, 128>}, {transform_indices = @transform_3, window_bounds = array<i64: 2560, 1>}, {transform_indices = @transform_4, window_bounds = array<i64: 2560, 128>}, {pipeline_mode = #tpu.pipeline_mode<synchronous>, transform_indices = @transform_5, window_bounds = array<i64: 128, 128>}, {pipeline_mode = #tpu.pipeline_mode<synchronous>, transform_indices = @transform_6, window_bounds = array<i64: 128, 128>}, {pipeline_mode = #tpu.pipeline_mode<synchronous>, transform_indices = @transform_7, window_bounds = array<i64: 1, 128>}, {transform_indices = @transform_8, window_bounds = array<i64: 2560, 1>}, {pipeline_mode = #tpu.pipeline_mode<synchronous>, transform_indices = @transform_9, window_bounds = array<i64: 128, 64>}, {pipeline_mode = #tpu.pipeline_mode<synchronous>, transform_indices = @transform_10, window_bounds = array<i64: 1, 64>}, {transform_indices = @transform_11, window_bounds = array<i64: 2560, 64>}]} {
    %get3A = arith.constant 0 : index
    %get3A_0 = arith.constant 0 : index
    %get3A_1 = vector.load %arg6[%get3A, %get3A_0] : memref<128x128xf32, #tpu.memory_space<vmem>>, vector<128x128xf32>
    %get3A_2 = arith.constant 0 : index
    %get3A_3 = arith.constant 0 : index
    %get3A_4 = vector.load %arg7[%get3A_2, %get3A_3] : memref<128x128xf32, #tpu.memory_space<vmem>>, vector<128x128xf32>
    %dot_general3A = arith.constant dense<0.000000e+00> : vector<128x128xf32>
    %dot_general3A_5 = tpu.matmul %get3A_1, %get3A_4, %dot_general3A {dimension_numbers = #tpu.dot_dimension_numbers<[1], [0], [0], [1], [0, 0, 1, 1], [], []>, transpose_lhs_hint = false} : vector<128x128xf32>, vector<128x128xf32>, vector<128x128xf32> -> vector<128x128xf32>
    %mul3A = arith.constant 9.99999974E-6 : f32
    %mul3A_6 = vector.broadcast %mul3A : f32 to vector<128x128xf32>
    %mul3A_7 = arith.mulf %dot_general3A_5, %mul3A_6 : vector<128x128xf32>
    %get3A_8 = arith.constant 0 : index
    %get3A_9 = arith.constant 0 : index
    %get3A_10 = vector.load %arg1[%get3A_8, %get3A_9] : memref<2560x128xf32, #tpu.memory_space<vmem>>, vector<2560x128xf32>
    %get3A_11 = arith.constant 0 : index
    %get3A_12 = arith.constant 0 : index
    %get3A_13 = vector.load %arg2[%get3A_11, %get3A_12] : memref<2560x128xf32, #tpu.memory_space<vmem>>, vector<2560x128xf32>
    %add3A = arith.addf %get3A_10, %get3A_13 : vector<2560x128xf32>
    %get3A_14 = arith.constant 0 : index
    %get3A_15 = arith.constant 0 : index
    %get3A_16 = vector.load %arg3[%get3A_14, %get3A_15] : memref<2560x128xf32, #tpu.memory_space<vmem>>, vector<2560x128xf32>
    %add3A_17 = arith.addf %add3A, %get3A_16 : vector<2560x128xf32>
    %get3A_18 = arith.constant 0 : index
    %get3A_19 = arith.constant 0 : index
    %get3A_20 = vector.load %arg4[%get3A_18, %get3A_19] : memref<2560x1xf32, #tpu.memory_space<vmem>>, vector<2560x1xf32>
    %mul3A_21 = vector.broadcast %get3A_20 : vector<2560x1xf32> to vector<2560x128xf32>
    %mul3A_22 = arith.mulf %add3A_17, %mul3A_21 : vector<2560x128xf32>
    %get3A_23 = arith.constant 0 : index
    %get3A_24 = arith.constant 0 : index
    %get3A_25 = vector.load %arg5[%get3A_23, %get3A_24] : memref<2560x128xf32, #tpu.memory_space<vmem>>, vector<2560x128xf32>
    %dot_general3A_26 = arith.constant dense<0.000000e+00> : vector<2560x128xf32>
    %dot_general3A_27 = tpu.matmul %get3A_25, %mul3A_7, %dot_general3A_26 {dimension_numbers = #tpu.dot_dimension_numbers<[1], [0], [0], [1], [0, 0, 1, 1], [], []>, transpose_lhs_hint = false} : vector<2560x128xf32>, vector<128x128xf32>, vector<2560x128xf32> -> vector<2560x128xf32>
    %add3A_28 = arith.addf %mul3A_22, %dot_general3A_27 : vector<2560x128xf32>
    %get3A_29 = arith.constant 0 : index
    %get3A_30 = arith.constant 0 : index
    %get3A_31 = vector.load %arg8[%get3A_29, %get3A_30] : memref<1x128xf32, #tpu.memory_space<vmem>>, vector<1x128xf32>
    %add3A_32 = vector.broadcast %get3A_31 : vector<1x128xf32> to vector<2560x128xf32>
    %add3A_33 = arith.addf %add3A_28, %add3A_32 : vector<2560x128xf32>
    %max3A = arith.constant 0.000000e+00 : f32
    %max3A_34 = vector.broadcast %max3A : f32 to vector<2560x128xf32>
    %max3A_35 = arith.maximumf %add3A_33, %max3A_34 : vector<2560x128xf32>
    %mul3A_36 = arith.mulf %max3A_35, %max3A_35 : vector<2560x128xf32>
    %reduce_sum3A = arith.constant dense<0.000000e+00> : vector<2560xf32>
    %reduce_sum3A_37 = vector.multi_reduction <add>, %mul3A_36, %reduce_sum3A [1] : vector<2560x128xf32> to vector<2560xf32>
    %broadcast_in_dim3A = vector.shape_cast %reduce_sum3A_37 : vector<2560xf32> to vector<2560x1xf32>
    %sqrt3A = math.sqrt %broadcast_in_dim3A : vector<2560x1xf32>
    %add3A_38 = arith.constant 9.99999996E-13 : f32
    %add3A_39 = vector.broadcast %add3A_38 : f32 to vector<2560x1xf32>
    %add3A_40 = arith.addf %sqrt3A, %add3A_39 : vector<2560x1xf32>
    %div3A = vector.broadcast %add3A_40 : vector<2560x1xf32> to vector<2560x128xf32>
    %div3A_41 = arith.divf %max3A_35, %div3A : vector<2560x128xf32>
    %get3A_42 = arith.constant 0 : index
    %get3A_43 = arith.constant 0 : index
    %get3A_44 = vector.load %arg9[%get3A_42, %get3A_43] : memref<2560x1xf32, #tpu.memory_space<vmem>>, vector<2560x1xf32>
    %mul3A_45 = vector.broadcast %get3A_44 : vector<2560x1xf32> to vector<2560x128xf32>
    %mul3A_46 = arith.mulf %div3A_41, %mul3A_45 : vector<2560x128xf32>
    %get3A_47 = arith.constant 0 : index
    %get3A_48 = arith.constant 0 : index
    %get3A_49 = vector.load %arg10[%get3A_47, %get3A_48] : memref<128x64xf32, #tpu.memory_space<vmem>>, vector<128x64xf32>
    %dot_general3A_50 = arith.constant dense<0.000000e+00> : vector<2560x64xf32>
    %dot_general3A_51 = tpu.matmul %mul3A_46, %get3A_49, %dot_general3A_50 {dimension_numbers = #tpu.dot_dimension_numbers<[1], [0], [0], [1], [0, 0, 1, 1], [], []>, transpose_lhs_hint = false} : vector<2560x128xf32>, vector<128x64xf32>, vector<2560x64xf32> -> vector<2560x64xf32>
    %get3A_52 = arith.constant 0 : index
    %get3A_53 = arith.constant 0 : index
    %get3A_54 = vector.load %arg11[%get3A_52, %get3A_53] : memref<1x64xf32, #tpu.memory_space<vmem>>, vector<1x64xf32>
    %add3A_55 = vector.broadcast %get3A_54 : vector<1x64xf32> to vector<2560x64xf32>
    %add3A_56 = arith.addf %dot_general3A_51, %add3A_55 : vector<2560x64xf32>
    %swap3A = arith.constant 0 : index
    %swap3A_57 = arith.constant 0 : index
    %swap3A_58 = vector.load %arg12[%swap3A, %swap3A_57] : memref<2560x64xf32, #tpu.memory_space<vmem>>, vector<2560x64xf32>
    tpu.vector_store %arg12[%swap3A, %swap3A_57], %add3A_56 {strides = array<i32>} : memref<2560x64xf32, #tpu.memory_space<vmem>>, vector<2560x64xf32>,
    return
  }
  func.func @transform_0(%arg0: i32) -> (i32, i32) {
    %c0_i32 = arith.constant 0 : i32
    %c0_i32_0 = arith.constant 0 : i32
    return %arg0, %c0_i32 : i32, i32
  }
  func.func @transform_1(%arg0: i32) -> (i32, i32) {
    %c0_i32 = arith.constant 0 : i32
    %c0_i32_0 = arith.constant 0 : i32
    return %arg0, %c0_i32 : i32, i32
  }
  func.func @transform_2(%arg0: i32) -> (i32, i32) {
    %c0_i32 = arith.constant 0 : i32
    %c0_i32_0 = arith.constant 0 : i32
    return %arg0, %c0_i32 : i32, i32
  }
  func.func @transform_3(%arg0: i32) -> (i32, i32) {
    %c0_i32 = arith.constant 0 : i32
    %c0_i32_0 = arith.constant 0 : i32
    return %arg0, %c0_i32 : i32, i32
  }
  func.func @transform_4(%arg0: i32) -> (i32, i32) {
    %c0_i32 = arith.constant 0 : i32
    %c0_i32_0 = arith.constant 0 : i32
    return %arg0, %c0_i32 : i32, i32
  }
  func.func @transform_5(%arg0: i32) -> (i32, i32) {
    %c0_i32 = arith.constant 0 : i32
    %c0_i32_0 = arith.constant 0 : i32
    %c0_i32_1 = arith.constant 0 : i32
    return %c0_i32, %c0_i32_0 : i32, i32
  }
  func.func @transform_6(%arg0: i32) -> (i32, i32) {
    %c0_i32 = arith.constant 0 : i32
    %c0_i32_0 = arith.constant 0 : i32
    %c0_i32_1 = arith.constant 0 : i32
    return %c0_i32, %c0_i32_0 : i32, i32
  }
  func.func @transform_7(%arg0: i32) -> (i32, i32) {
    %c0_i32 = arith.constant 0 : i32
    %c0_i32_0 = arith.constant 0 : i32
    %c0_i32_1 = arith.constant 0 : i32
    return %c0_i32, %c0_i32_0 : i32, i32
  }
  func.func @transform_8(%arg0: i32) -> (i32, i32) {
    %c0_i32 = arith.constant 0 : i32
    %c0_i32_0 = arith.constant 0 : i32
    return %arg0, %c0_i32 : i32, i32
  }
  func.func @transform_9(%arg0: i32) -> (i32, i32) {
    %c0_i32 = arith.constant 0 : i32
    %c0_i32_0 = arith.constant 0 : i32
    %c0_i32_1 = arith.constant 0 : i32
    return %c0_i32, %c0_i32_0 : i32, i32
  }
  func.func @transform_10(%arg0: i32) -> (i32, i32) {
    %c0_i32 = arith.constant 0 : i32
    %c0_i32_0 = arith.constant 0 : i32
    %c0_i32_1 = arith.constant 0 : i32
    return %c0_i32, %c0_i32_0 : i32, i32
  }
  func.func @transform_11(%arg0: i32) -> (i32, i32) {
    %c0_i32 = arith.constant 0 : i32
    %c0_i32_0 = arith.constant 0 : i32
    return %arg0, %c0_i32 : i32, i32
  }
}

</mosaic_0001>

<sc_bundles>
// kernel: kernel.11.cloned.1.call-start
scs
__scs_entry_jumppad:
0x0: {  	(pc) =	sbr.rel $0x88, $3  }
0x1: {  	(tag) =	ssettag $0x0;
	lr =	simm.s32 $0x1  }
0x2: {  	[smem:$0x3F97] =	sst lr;
	_ =	strace $0xD0000000  }
0x3: {  	_ = 	snop  }
0x4: {  	_ = 	snop  }
0x5: {  	_ = 	snop  }
0x6: {  	_ = 	snop  }
0x7: {  	_ = 	snop  }
__scs_overlays_trampoline_lowered:
0x8: {  	[smem:$0x3FA6] =	sst s0  }
0x9: {  	[smem:$0x3FA7] =	sst s1  }
0xa: {  	[smem:$0x3FA8] =	sst s2  }
0xb: {  	[smem:$0x3FA9] =	sst s3  }
0xc: {  	[smem:$0x3FAA] =	sst s4  }
0xd: {  	[smem:$0x3FAB] =	sst s5  }
0xe: {  	[smem:$0x3FAC] =	sst s6  }
0xf: {  	[smem:$0x3FAD] =	sst s7  }
0x10: {  	[smem:$0x3FAE] =	sst s8  }
0x11: {  	[smem:$0x3FAF] =	sst s9;
	s0 =	simm.s32 @!p0 $0x0  }
0x12: {  	s1 =	sld [smem:$0x3F95];
	s0 =	simm.s32 @p0 $0x1  }
0x13: {  	[smem:$0x3FB0] =	sst s0;
	s0 =	simm.s32 @!p1 $0x0  }
0x14: {  	s2 =	sld [smem:$0x3F94];
	s0 =	simm.s32 @p1 $0x1  }
0x15: {  	[smem:$0x3FB1] =	sst s0;
	s0 =	simm.s32 @!p2 $0x0  }
0x16: {  	s3 =	sld [smem:$0x3FDB];
	s0 =	simm.s32 @p2 $0x1  }
0x17: {  	s4 =	simm.s32 $0x1BF5;
	[smem:$0x3FB3] =	sst s0  }
0x18: {  	s0 =	sld [smem:$0x3F96];
	_ =	swait.ge [sflag:s4], $0x0  }
0x19: {  	s7 =	sld [smem:$0x3F97]  }
0x1a: {  	s8 =	sadd.s32 $0xFFFFE003, lr  }
0x1b: {  	s9 =	sadd.s32 $0xFFFFFEF7, lr;
	s5 =	simm.s32 $0xFFFFFFFF;
	p2 =	slt.u32 s8, $0xFFFFF086  }
0x1c: {  	p1 =	slt.u32 s9, $0xF7A;
	s5 =	simm.s32 @!p2 $0x0  }
0x1d: {  	s5 =	simm.s32 @p1 $0x1;
	p0 =	seq.s32 s7, s2  }
0x1e: {  	s7 =	smul.u32 @!p0 $0xF7A, s2;
	p2 =	seq.s32 @!p0 s5, $0x0  }
0x1f: {  	s9 =	smul.u32 $0xF7A, s1;
	s8 =	simm.s32 @!p0 $0x1BF5;
	p2 =	por !p2, p0  }
0x20: {  	[sflag:s8] =	ssyncset.s32 @!p0 $0xFFFFF086;
	s6 =	sadd.s32 @!p0 s3, s7;
	s7 =	simm.s32 @!p0 $0x108  }
0x21: {  	s3 =	sadd.s32 s3, s9;
	s6 =	sadd.s32 @!p0 $0x88, s6;
	s7 =	simm.s32 @p2 $0x1082  }
0x22: {  	[simem:s7], [sflag:s8] =	dma.local @!p0 [hbm:s6], $0xF7A  }
0x23: {  	s9 =	sor.u32 $0xD0000000, s2;
	s6 =	simm.s32 $0x108;
	_ =	swait.ge @!p0 [sflag:s8], $0x0  }
0x24: {  	s3 =	sadd.s32 $0x88, s3;
	s6 =	simm.s32 @!p1 $0x1082;
	[sflag:s4] =	ssyncset.s32 $0xFFFFF086  }
0x25: {  	[simem:s6], [sflag:s4] =	dma.local [hbm:s3], $0xF7A  }
0x26: {  	[smem:$0x3F97] =	sst s1;
	(tag) =	ssettag s2;
	_ =	strace s9  }
0x27: {  	s1 =	sld [smem:$0x3FA7]  }
0x28: {  	s2 =	sld [smem:$0x3FA8]  }
0x29: {  	s4 =	sld [smem:$0x3FAA]  }
0x2a: {  	p0 =	seq.s32 s5, $0x0;
	s5 =	sld [smem:$0x3FAB]  }
0x2b: {  	s6 =	sld [smem:$0x3FAC]  }
0x2c: {  	s7 =	sld [smem:$0x3FAD]  }
0x2d: {  	s3 =	simm.s32 $0x108;
	s8 =	sld [smem:$0x3FAE]  }
0x2e: {  	s3 =	simm.s32 @!p0 $0x1082;
	s9 =	sld [smem:$0x3FAF]  }
0x2f: {  	lr =	sadd.s32 s0, s3;
	s0 =	sld [smem:$0x3FA6]  }
0x30: {  	s3 =	sld [smem:$0x3FA9]  }
0x31: {  	[smem:$0x3FB2] =	sst s10  }
0x32: {  	s10 =	sld [smem:$0x3FB0];
	_ =	sdelay $0x3  }
0x33: {  	p0 =	seq.s32 s10, $0x1;
	s10 =	sld [smem:$0x3FB2];
	_ =	sdelay $0x3  }
0x34: {  	[smem:$0x3FB2] =	sst s10  }
0x35: {  	s10 =	sld [smem:$0x3FB1];
	_ =	sdelay $0x3  }
0x36: {  	p1 =	seq.s32 s10, $0x1;
	s10 =	sld [smem:$0x3FB2];
	_ =	sdelay $0x3  }
0x37: {  	[smem:$0x3FB2] =	sst s10  }
0x38: {  	s10 =	sld [smem:$0x3FB3]  }
0x39: {  	_ = 	snop;
	(pc) =	sbr.ind lr, $3  }
0x3a: {  	_ = 	snop  }
0x3b: {  	_ = 	snop  }
0x3c: {  	p2 =	seq.s32 s10, $0x1;
	s10 =	sld [smem:$0x3FB2]  }
0x3d: {  	_ =	shalt  }
0x3e: {  	_ =	shalt  }
0x3f: {  	_ =	shalt  }
0x40: {  	_ =	shalt  }
0x41: {  	_ =	shalt  }
0x42: {  	_ =	shalt  }
0x43: {  	_ =	shalt  }
0x44: {  	_ =	shalt  }
0x45: {  	_ =	shalt  }
0x46: {  	_ =	shalt  }
0x47: {  	_ =	shalt  }
0x48: {  	_ =	shalt  }
0x49: {  	_ =	shalt  }
0x4a: {  	_ =	shalt  }
0x4b: {  	_ =	shalt  }
0x4c: {  	_ =	shalt  }
0x4d: {  	_ =	shalt  }
0x4e: {  	_ =	shalt  }
0x4f: {  	_ =	shalt  }
0x50: {  	_ =	shalt  }
0x51: {  	_ =	shalt  }
0x52: {  	_ =	shalt  }
0x53: {  	_ =	shalt  }
0x54: {  	_ =	shalt  }
0x55: {  	_ =	shalt  }
0x56: {  	_ =	shalt  }
0x57: {  	_ =	shalt  }
0x58: {  	_ =	shalt  }
0x59: {  	_ =	shalt  }
0x5a: {  	_ =	shalt  }
0x5b: {  	_ =	shalt  }
0x5c: {  	_ =	shalt  }
0x5d: {  	_ =	shalt  }
0x5e: {  	_ =	shalt  }
0x5f: {  	_ =	shalt  }
0x60: {  	_ =	shalt  }
0x61: {  	_ =	shalt  }
0x62: {  	_ =	shalt  }
0x63: {  	_ =	shalt  }
0x64: {  	_ =	shalt  }
0x65: {  	_ =	shalt  }
0x66: {  	_ =	shalt  }
0x67: {  	_ =	shalt  }
0x68: {  	_ =	shalt  }
0x69: {  	_ =	shalt  }
0x6a: {  	_ =	shalt  }
0x6b: {  	_ =	shalt  }
0x6c: {  	_ =	shalt  }
0x6d: {  	_ =	shalt  }
0x6e: {  	_ =	shalt  }
0x6f: {  	_ =	shalt  }
0x70: {  	_ =	shalt  }
0x71: {  	_ =	shalt  }
0x72: {  	_ =	shalt  }
0x73: {  	_ =	shalt  }
0x74: {  	_ =	shalt  }
0x75: {  	_ =	shalt  }
0x76: {  	_ =	shalt  }
0x77: {  	_ =	shalt  }
0x78: {  	_ =	shalt  }
0x79: {  	_ =	shalt  }
0x7a: {  	_ =	shalt  }
0x7b: {  	_ =	shalt  }
0x7c: {  	_ =	shalt  }
0x7d: {  	_ =	shalt  }
0x7e: {  	_ =	shalt  }
0x7f: {  	_ =	shalt  }
0x80: {  	_ =	shalt  }
0x81: {  	_ =	shalt  }
0x82: {  	_ =	shalt  }
0x83: {  	_ =	shalt  }
0x84: {  	_ =	shalt  }
0x85: {  	_ =	shalt  }
0x86: {  	_ =	shalt  }
0x87: {  	_ =	shalt  }
.Lfunc_end0:
.L_simem_size_0:
called_computation.1_lowered:
.L_overlay_start_0:
0x88: {  	s2 =	sld [smem:$0x3FD9]  }
0x89: {  	s3 =	sld [smem:$0x3FFE];
	_ =	sdelay $0x1  }
0x8a: {  	s1 =	srdreg.scid  }
0x8b: {  	s0 =	sand.u32 $0x1, s1  }
0x8c: {  	s16 =	sshll.u32 s0, $0xA;
	s2 =	sadd.s32 s3, s2  }
0x8d: {  	s2 =	sadd.s32 s2, s16  }
0x8e: {  	[smem:$0x3FBE] =	sst s2  }
0x8f: {  	_ = 	snop  }
0x90: {  	(tm) =	ssettm $0x1  }
0x91: {  	s17 =	sld [smem:$0x3FFB];
	_ =	sdelay $0x3  }
0x92: {  	_ =	strace s17  }
0x93: {  	s2 =	sld [smem:$0x3FFC];
	_ =	sdelay $0x3  }
0x94: {  	_ =	strace s2  }
0x95: {  	s2 =	sld [smem:$0x3FFD];
	_ =	sdelay $0x3  }
0x96: {  	_ =	strace s2  }
0x97: {  	_ =	strace $0x8FFFFFFF  }
0x98: {  	s18 =	sld [smem:$0x3FDB];
	_ =	sdelay $0x1  }
0x99: {  	s19 =	simm.s32 $_scs_section_size  }
0x9a: {  	s4 =	simm.s32 $_size__tile_overlayer_lowered;
	s5 =	simm.s32 $_tile_overlayer_lowered  }
0x9b: {  	s22 =	simm.s32 $0x1BFF;
	s21 =	sshll.u32 s5, $0x1;
	s2 =	sadd.s32 s19, s18  }
0x9c: {  	s6 =	simm.s32 $0x0;
	s20 =	sshll.u32 s4, $0x1;
	s4 =	sadd.s32 s21, s2  }
0x9d: {  	[timem:s6], [sflag:s22] =	dma.local [hbm:s4], s20  }
0x9e: {  	_ =	swait.ge [sflag:s22], s20  }
0x9f: {  	s3 =	ssub.s32 $0x0, s20;
	[sflag:s22] =	ssyncset.done $0x0  }
0xa0: {  	[sflag:s22] =	ssyncadd.s32 s3;
	_ =	sdelay $0x1  }
0xa1: {  	s23 =	simm.s32 $0x1B8B  }
0xa2: {  	_ =	swait.ge [sflag:s23], $0x1  }
0xa3: {  	[sflag:s23] =	ssyncset.done $0x0  }
0xa4: {  	s25 =	simm.s32 $0x1B8E;
	s24 =	sld [smem:$0x3FFE];
	[sflag:s23] =	ssyncadd.s32 $0xFFFFFFFF  }
0xa5: {  	s26 =	simm.s32 $execute0_lowered;
	[smem:$0x3FD2] =	sst s25  }
0xa6: {  	s4 =	sshll.u32 s26, $0x1;
	_ =	strace $0x80000049;
	[dreg:$0x1] =	wrdreg $0xFFFFFFFF  }
0xa7: {  	s28 =	simm.s32 $_size_execute0_lowered;
	s2 =	sadd.s32 s2, s4;
	[dreg:$0x0] =	wrdreg $0x0  }
0xa8: {  	s4 =	sshll.u32 s28, $0x1;
	[dreg:$0x2] =	wrdreg s2  }
0xa9: {  	[dreg:$0x3] =	wrdreg s4  }
0xaa: {  	[dreg:$0x4] =	wrdreg $0xC0  }
0xab: {  	_ =	task [dreg:s6], $0x5FFFF  }
0xac: {  	[dreg:$0x1] =	wrdreg $0xFFFFFFFF  }
0xad: {  	[dreg:$0x0] =	wrdreg $0x60  }
0xae: {  	[dreg:$0x2] =	wrdreg s24  }
0xaf: {  	[dreg:$0x3] =	wrdreg $0x83000  }
0xb0: {  	[dreg:$0x4] =	wrdreg $0x9  }
0xb1: {  	_ =	task.clear_ibuf [dreg:s6], $0x5FFFF;
	_ =	strace $0x90000049  }
0xb2: {  	s29 =	simm.s32 $0x9;
	_ =	strace $0x8000004B  }
0xb3: {  	_ =	swait.ge [sflag:s29], $0x1  }
0xb4: {  	[sflag:s29] =	ssyncadd.s32 $0xFFFFFFFF  }
0xb5: {  	_ =	strace $0x9000004B  }
0xb6: {  	_ =	sfence  }
0xb7: {  	s30 =	sld [smem:$0x0];
	_ =	sdelay $0x2  }
0xb8: {  	s31 =	sshll.u32 s1, $0xD;
	s1 =	sshrl.u32 s1, $0x2  }
0xb9: {  	s3 =	sand.u32 $0x4000, s31;
	s1 =	sadd.s32 s1, s30  }
0xba: {  	s0 =	sor.u32 s3, s0;
	s1 =	sshll.u32 s1, $0x11  }
0xbb: {  	s0 =	sor.u32 s1, s0  }
0xbc: {  	s0 =	sadd.s32 $0x8F2B, s0  }
0xbd: {  	[sflag:s0] =	ssyncadd.remote.s32 $0x1  }
0xbe: {  	_ =	sfence.sel $0xFFFF  }
0xbf: {  	[dreg:$0x0] =	wrdreg $0xFFFFFFFF;
	(pc) =	sbr.abs _section_cstart, $3  }
0xc0: {  	[dreg:$0x1] =	wrdreg $0xFFFFFFFF  }
0xc1: {  	_ =	task.clear_ibuf [dreg:s6], $0x2FFFF;
	_ =	strace $0x9FFFFFFF  }
0xc2: {  	(tm) =	ssettm $0x7FFFFFFF  }
0xc3: {  	_ =	shalt  }
tec
execute0_lowered:
.L_overlay_start_1:
0x0: {  	(tag) =	ssettag $0x1  }
0x1: {  	s0 =	rddreg [dreg:$0x0]  }
0x2: {  	s1 =	rddreg [dreg:$0x1];
	s2 =	srdreg.scid;
	s3 =	simm.s32 $0x0  }
0x3: {  	s13 =	stileid.u32;
	s28 =	simm.s32 $0x100;
	s29 =	simm.s32 $0x280  }
0x4: {  	s30 =	simm.s32 $0x2;
	s31 =	simm.s32 $0x4300;
	s7 =	smul.u32 $0x14000, s13  }
0x5: {  	s2 =	sand.u32 $0x1, s2;
	[smem:$0x7FF] =	sst s3;
	s17 =	smul.u32 $0x50000, s13  }
0x6: {  	s4 =	sadd.s32 $0x17400, s0;
	s8 =	sshll.u32 s13, $0x1;
	s12 =	smul.u32 $0x4E00, s13  }
0x7: {  	s5 =	sadd.s32 $0x3800, s0;
	p0 =	sgt.u32 s13, $0x1;
	s6 =	smul.u32 $0x140000, s2  }
0x8: {  	s26 =	sor.u32 s2, s8;
	s9 =	ssub.s32 $0x2, s2;
	s2 =	smul.u32 $0x2700, s2  }
0x9: {  	_ =	strace $0x8000004A;
	s10 =	smul.u32 $0x2700, s26;
	s15 =	sshrl.u32 s9, $0x1  }
0xa: {  	s6 =	sadd.s32 s7, s6;
	s8 =	ssub.s32 s9, s15;
	s2 =	sadd.s32 s2, s12  }
0xb: {  	s7 =	sshll.u32 s26, $0x4;
	s14 =	sshrl.u32 s6, $0x3;
	s16 =	sshrl.u32 s10, $0x3  }
0xc: {  	s6 =	sadd.s32 $0xD600, s0;
	s10 =	sshrl.u32 s17, $0x2;
	s11 =	sadd.s32 s5, s16  }
0xd: {  	s7 =	sor.u32 $0x9C00, s7;
	s18 =	sadd.s32 s6, s16;
	[dreg:$0xd] =	wrdreg s11  }
0xe: {  	s23 =	sadd.s32 $0x380, s2;
	s24 =	sadd.s32 s5, s7;
	[dreg:$0xe] =	wrdreg s18  }
0xf: {  	s9 =	sor.u32 $0x10, s16;
	s7 =	sadd.s32 s6, s7;
	[dreg:$0x15] =	wrdreg s24  }
0x10: {  	s12 =	sadd.s32 $0x280, s2;
	s19 =	sadd.s32 s5, s9;
	[dreg:$0x16] =	wrdreg s7  }
0x11: {  	s26 =	sshrl.u32 s12, $0x3;
	s9 =	sadd.s32 s6, s9;
	[dreg:$0xf] =	wrdreg s19  }
0x12: {  	s0 =	sadd.s32 s14, s0;
	s12 =	sadd.s32 s26, s6;
	[dreg:$0x10] =	wrdreg s9  }
0x13: {  	s11 =	sadd.s32 s10, s1;
	s15 =	sadd.s32 s26, s5;
	[dreg:$0x5] =	wrdreg s12  }
0x14: {  	s14 =	sadd.s32 $0x200, s2;
	s20 =	sadd.s32 $0x4000, s11;
	[dreg:$0x6] =	wrdreg s15  }
0x15: {  	s16 =	sshrl.u32 s14, $0x3;
	s21 =	sadd.s32 $0x8000, s11;
	[dreg:$0x11] =	wrdreg s20  }
0x16: {  	s18 =	sadd.s32 $0x180, s2;
	s22 =	sadd.s32 $0xC000, s11;
	[dreg:$0x12] =	wrdreg s21  }
0x17: {  	s7 =	simm.s32 $0x5;
	s10 =	sadd.s32 $0x10000, s11;
	[dreg:$0x13] =	wrdreg s22  }
0x18: {  	s9 =	sshrl.u32 s23, $0x3;
	s17 =	sadd.s32 s16, s6;
	[dreg:$0x14] =	wrdreg s10  }
0x19: {  	s19 =	sadd.s32 s16, s5;
	s25 =	sadd.s32 s9, s6;
	[dreg:$0x7] =	wrdreg s17  }
0x1a: {  	s9 =	sadd.s32 s9, s5;
	s20 =	sshrl.u32 s18, $0x3;
	[dreg:$0x8] =	wrdreg s19  }
0x1b: {  	s22 =	sadd.s32 $0x100, s2;
	s18 =	sadd.s32 $0x8F400, s0;
	s19 =	smax.u32 s8, $0x1  }
0x1c: {  	s10 =	sadd.s32 $0x300, s2;
	s0 =	simm.s32 $0x4;
	[dreg:$0x3] =	wrdreg s25  }
0x1d: {  	s2 =	simm.s32 $0x3;
	[dreg:$0x4] =	wrdreg s9;
	s21 =	sadd.s32 s20, s6  }
0x1e: {  	s8 =	simm.s32 $0x0;
	s23 =	sadd.s32 s20, s5;
	[dreg:$0x9] =	wrdreg s21  }
0x1f: {  	s24 =	sshrl.u32 s22, $0x3;
	s22 =	simm.s32 $0x80;
	[dreg:$0xa] =	wrdreg s23  }
0x20: {  	s25 =	sadd.s32 s24, s6;
	s26 =	sadd.s32 s24, s5;
	s21 =	simm.s32 $0x180  }
0x21: {  	s23 =	simm.s32 $0x200;
	s24 =	simm.s32 $0x300;
	[dreg:$0xb] =	wrdreg s25  }
0x22: {  	v0 =	vimm.f32 $0.0e+00;
	[dreg:$0xc] =	wrdreg s26;
	s25 =	simm.s32 $0x6;
	s26 =	simm.s32 $0x1  }
.LBB2_1:
0x23: {  	s9 =	rddreg [dreg:$0xd]  }
0x24: {  	[tilespmem:s3], [sflag:$0x1] =	stream.linear.gather [hbm4b:s9+s3], $0x80, $0x38;
	[tilespmem:$0x1C300] =	vst v63  }
0x25: {  	s16 =	rddreg [dreg:$0xe]  }
0x26: {  	[tilespmem:s21], [sflag:$0x1] =	stream.linear.gather [hbm4b:s16+s3], $0x80, $0x38;
	[tilespmem:$0x1C300] =	vst v63  }
0x27: {  	s17 =	rddreg [dreg:$0xf]  }
0x28: {  	[tilespmem:s22], [sflag:$0x2] =	stream.linear.gather [hbm4b:s17+s3], $0x80, $0x38;
	[tilespmem:$0x1C300] =	vst v63  }
0x29: {  	s20 =	rddreg [dreg:$0x10];
	s12 =	simm.s32 $0x200;
	s9 =	simm.s32 $0x0  }
0x2a: {  	[tilespmem:s23], [sflag:$0x2] =	stream.linear.gather [hbm4b:s20+s3], $0x80, $0x38;
	[tilespmem:$0x1C300] =	vst v63  }
.LBB2_2:
0x2b: {  	p1 =	sne.s32 s12, $0xFE00;
	[tilespmem:s9+$0x370] =	vst v0  }
0x2c: {  	[tilespmem:s9+$0x300] =	vst v0  }
0x2d: {  	[tilespmem:s9+$0x310] =	vst v0  }
.Ltmp0:
0x2e: {  	[tilespmem:s9+$0x320] =	vst v0;
	(pc) =	sbr.rel @p1 .LBB2_2-.Ltmp0, $4  }
0x2f: {  	[tilespmem:s9+$0x330] =	vst v0  }
0x30: {  	[tilespmem:s9+$0x340] =	vst v0  }
0x31: {  	[tilespmem:s9+$0x350] =	vst v0  }
0x32: {  	[tilespmem:s9+$0x360] =	vst v0;
	s9 =	sshra.s32 s12, $0x2;
	s12 =	sadd.s32 $0x200, s12  }
0x33: {  	[tilespmem:s9+$0x370] =	vst v0  }
0x34: {  	[tilespmem:s9+$0x300] =	vst v0  }
0x35: {  	[tilespmem:s9+$0x310] =	vst v0  }
0x36: {  	[tilespmem:s9+$0x320] =	vst v0  }
0x37: {  	[tilespmem:s9+$0x330] =	vst v0  }
0x38: {  	[tilespmem:s9+$0x340] =	vst v0  }
0x39: {  	[tilespmem:s9+$0x350] =	vst v0  }
0x3a: {  	[tilespmem:s9+$0x360] =	vst v0  }
0x3b: {  	[spmem:s11] =	stream.linear.scatter [tilespmem:s24], [sflag:$0x6], $0x4000, $0x38;
	[tilespmem:$0x1C300] =	vst v63  }
0x3c: {  	_ =	swait.ge [sflag:s25], $0x4000  }
0x3d: {  	[sflag:s25] =	ssyncset.done $0x0  }
0x3e: {  	s17 =	rddreg [dreg:$0x11];
	[sflag:s25] =	ssyncadd.s32 $0xFFFFC000  }
0x3f: {  	[spmem:s17] =	stream.linear.scatter [tilespmem:s24], [sflag:$0x6], $0x4000, $0x38;
	[tilespmem:$0x1C300] =	vst v63  }
0x40: {  	_ =	swait.ge [sflag:s25], $0x4000  }
0x41: {  	[sflag:s25] =	ssyncset.done $0x0  }
0x42: {  	s20 =	rddreg [dreg:$0x12];
	[sflag:s25] =	ssyncadd.s32 $0xFFFFC000  }
0x43: {  	[spmem:s20] =	stream.linear.scatter [tilespmem:s24], [sflag:$0x6], $0x4000, $0x38;
	[tilespmem:$0x1C300] =	vst v63  }
0x44: {  	_ =	swait.ge [sflag:s25], $0x4000  }
0x45: {  	[sflag:s25] =	ssyncset.done $0x0  }
0x46: {  	s12 =	rddreg [dreg:$0x13];
	[sflag:s25] =	ssyncadd.s32 $0xFFFFC000  }
0x47: {  	[spmem:s12] =	stream.linear.scatter [tilespmem:s24], [sflag:$0x6], $0x4000, $0x38;
	[tilespmem:$0x1C300] =	vst v63  }
0x48: {  	_ =	swait.ge [sflag:s25], $0x4000  }
0x49: {  	[sflag:s25] =	ssyncset.done $0x0  }
0x4a: {  	s13 =	rddreg [dreg:$0x14];
	[sflag:s25] =	ssyncadd.s32 $0xFFFFC000  }
0x4b: {  	[spmem:s13] =	stream.linear.scatter [tilespmem:s24], [sflag:$0x6], $0x4000, $0x38;
	[tilespmem:$0x1C300] =	vst v63  }
0x4c: {  	_ =	swait.ge [sflag:s25], $0x4000  }
0x4d: {  	[sflag:s25] =	ssyncset.done $0x0  }
0x4e: {  	[sflag:s25] =	ssyncadd.s32 $0xFFFFC000  }
0x4f: {  	_ =	swait.ge [sflag:s26], $0x80  }
0x50: {  	[sflag:s26] =	ssyncset.done $0x0  }
0x51: {  	[sflag:s26] =	ssyncadd.s32 $0xFFFFFF80  }
0x52: {  	_ =	swait.ge [sflag:s26], $0x80  }
0x53: {  	[sflag:s26] =	ssyncset.done $0x0  }
0x54: {  	s14 =	simm.s32 $0x0;
	[sflag:s26] =	ssyncadd.s32 $0xFFFFFF80  }
0x55: {  	[tilespmem:s24], [sflag:$0x4] =	stream.indirect.gather [hbm4b:s4+s22], $0x80, s14, s22, $0xb8;
	[tilespmem:$0x1C300] =	vst v63  }
0x56: {  	[bflag:$0x0] =	sbarrier.arrive $0xFFFF  }
0x57: {  	s15 =	rddreg [dreg:$0xc]  }
0x58: {  	s12 =	rddreg [dreg:$0xb];
	s9 =	sadd.s32 $0x0, s15  }
0x59: {  	[tilespmem:s28], [sflag:$0x3] =	stream.linear.gather [hbm4b:s9+s3], $0x80, $0x38;
	[tilespmem:$0x1C300] =	vst v63  }
0x5a: {  	s16 =	sadd.s32 $0x0, s12  }
0x5b: {  	[tilespmem:s29], [sflag:$0x3] =	stream.linear.gather [hbm4b:s16+s3], $0x80, $0x38;
	[tilespmem:$0x1C300] =	vst v63  }
0x5c: {  	_ =	swait.ge [sflag:s30], $0x80  }
0x5d: {  	[sflag:s30] =	ssyncset.done $0x0  }
0x5e: {  	[sflag:s30] =	ssyncadd.s32 $0xFFFFFF80  }
0x5f: {  	_ =	swait.ge [sflag:s30], $0x80  }
0x60: {  	[sflag:s30] =	ssyncset.done $0x0  }
0x61: {  	[sflag:s30] =	ssyncadd.s32 $0xFFFFFF80  }
0x62: {  	[tilespmem:s31], [sflag:$0x5] =	stream.indirect.gather [hbm4b:s4+s22], $0x80, s22, s22, $0xb8;
	[tilespmem:$0x1C300] =	vst v63  }
0x63: {  	_ =	swait.ge [sflag:s0], $0x4000  }
0x64: {  	[sflag:s0] =	ssyncset.done $0x0  }
0x65: {  	[sflag:s0] =	ssyncadd.s32 $0xFFFFC000  }
0x66: {  	[spmem:s1] =	stream.indirect.scatter.add.f32 [tilespmem:s24], [sflag:$0x6], $0x80, s21, s22, $0xb8;
	[tilespmem:$0x1C300] =	vst v63  }
0x67: {  	_ =	swait.ge [sflag:s25], $0x4000  }
0x68: {  	s17 =	rddreg [dreg:$0xa];
	[sflag:s25] =	ssyncset.done $0x0  }
0x69: {  	s20 =	rddreg [dreg:$0x9];
	[sflag:s25] =	ssyncadd.s32 $0xFFFFC000;
	s9 =	sadd.s32 $0x0, s17  }
0x6a: {  	[tilespmem:s3], [sflag:$0x1] =	stream.linear.gather [hbm4b:s9+s3], $0x80, $0x38;
	[tilespmem:$0x1C300] =	vst v63  }
0x6b: {  	s12 =	sadd.s32 $0x0, s20  }
0x6c: {  	[tilespmem:s21], [sflag:$0x1] =	stream.linear.gather [hbm4b:s12+s3], $0x80, $0x38;
	[tilespmem:$0x1C300] =	vst v63  }
0x6d: {  	_ =	swait.ge [sflag:s2], $0x80  }
0x6e: {  	[sflag:s2] =	ssyncset.done $0x0  }
0x6f: {  	[sflag:s2] =	ssyncadd.s32 $0xFFFFFF80  }
0x70: {  	_ =	swait.ge [sflag:s2], $0x80  }
0x71: {  	[sflag:s2] =	ssyncset.done $0x0  }
0x72: {  	[sflag:s2] =	ssyncadd.s32 $0xFFFFFF80  }
0x73: {  	[tilespmem:s24], [sflag:$0x4] =	stream.indirect.gather [hbm4b:s4+s22], $0x80, s28, s22, $0xb8;
	[tilespmem:$0x1C300] =	vst v63  }
0x74: {  	_ =	swait.ge [sflag:s7], $0x4000  }
0x75: {  	[sflag:s7] =	ssyncset.done $0x0  }
0x76: {  	[sflag:s7] =	ssyncadd.s32 $0xFFFFC000  }
0x77: {  	[spmem:s1] =	stream.indirect.scatter.add.f32 [tilespmem:s31], [sflag:$0x6], $0x80, s23, s22, $0xb8;
	[tilespmem:$0x1C300] =	vst v63  }
0x78: {  	_ =	swait.ge [sflag:s25], $0x4000  }
0x79: {  	s13 =	rddreg [dreg:$0x8];
	[sflag:s25] =	ssyncset.done $0x0  }
0x7a: {  	s14 =	rddreg [dreg:$0x7];
	[sflag:s25] =	ssyncadd.s32 $0xFFFFC000;
	s9 =	sadd.s32 $0x0, s13  }
0x7b: {  	[tilespmem:s22], [sflag:$0x2] =	stream.linear.gather [hbm4b:s9+s3], $0x80, $0x38;
	[tilespmem:$0x1C300] =	vst v63  }
0x7c: {  	s15 =	sadd.s32 $0x0, s14  }
0x7d: {  	[tilespmem:s23], [sflag:$0x2] =	stream.linear.gather [hbm4b:s15+s3], $0x80, $0x38;
	[tilespmem:$0x1C300] =	vst v63  }
0x7e: {  	_ =	swait.ge [sflag:s26], $0x80  }
0x7f: {  	[sflag:s26] =	ssyncset.done $0x0  }
0x80: {  	[sflag:s26] =	ssyncadd.s32 $0xFFFFFF80  }
0x81: {  	_ =	swait.ge [sflag:s26], $0x80  }
0x82: {  	[sflag:s26] =	ssyncset.done $0x0  }
0x83: {  	[sflag:s26] =	ssyncadd.s32 $0xFFFFFF80  }
0x84: {  	[tilespmem:s31], [sflag:$0x5] =	stream.indirect.gather [hbm4b:s4+s22], $0x80, s3, s22, $0xb8;
	[tilespmem:$0x1C300] =	vst v63  }
0x85: {  	_ =	swait.ge [sflag:s0], $0x4000  }
0x86: {  	[sflag:s0] =	ssyncset.done $0x0  }
0x87: {  	[sflag:s0] =	ssyncadd.s32 $0xFFFFC000  }
0x88: {  	[spmem:s1] =	stream.indirect.scatter.add.f32 [tilespmem:s24], [sflag:$0x6], $0x80, s29, s22, $0xb8;
	[tilespmem:$0x1C300] =	vst v63  }
0x89: {  	_ =	swait.ge [sflag:s25], $0x4000  }
0x8a: {  	s16 =	rddreg [dreg:$0x6];
	[sflag:s25] =	ssyncset.done $0x0  }
0x8b: {  	s17 =	rddreg [dreg:$0x5];
	[sflag:s25] =	ssyncadd.s32 $0xFFFFC000;
	s9 =	sadd.s32 $0x0, s16  }
0x8c: {  	[tilespmem:s28], [sflag:$0x3] =	stream.linear.gather [hbm4b:s9+s3], $0x80, $0x38;
	[tilespmem:$0x1C300] =	vst v63  }
0x8d: {  	s20 =	sadd.s32 $0x0, s17  }
0x8e: {  	[tilespmem:s29], [sflag:$0x3] =	stream.linear.gather [hbm4b:s20+s3], $0x80, $0x38;
	[tilespmem:$0x1C300] =	vst v63  }
0x8f: {  	_ =	swait.ge [sflag:s30], $0x80  }
0x90: {  	[sflag:s30] =	ssyncset.done $0x0  }
0x91: {  	[sflag:s30] =	ssyncadd.s32 $0xFFFFFF80  }
0x92: {  	_ =	swait.ge [sflag:s30], $0x80  }
0x93: {  	[sflag:s30] =	ssyncset.done $0x0  }
0x94: {  	[sflag:s30] =	ssyncadd.s32 $0xFFFFFF80  }
0x95: {  	[tilespmem:s24], [sflag:$0x4] =	stream.indirect.gather [hbm4b:s4+s22], $0x80, s22, s22, $0xb8;
	[tilespmem:$0x1C300] =	vst v63  }
0x96: {  	_ =	swait.ge [sflag:s7], $0x4000  }
0x97: {  	[sflag:s7] =	ssyncset.done $0x0  }
0x98: {  	[sflag:s7] =	ssyncadd.s32 $0xFFFFC000  }
0x99: {  	[spmem:s1] =	stream.indirect.scatter.add.f32 [tilespmem:s31], [sflag:$0x6], $0x80, s21, s22, $0xb8;
	[tilespmem:$0x1C300] =	vst v63  }
0x9a: {  	p1 =	por $0x0, $0x0;
	_ =	swait.ge [sflag:s25], $0x4000  }
0x9b: {  	s9 =	sshrl.u32 @!p1 s10, $0x3;
	[sflag:s25] =	ssyncset.done $0x0  }
0x9c: {  	s13 =	simm.s32 @!p1 $0x0;
	s12 =	sadd.s32 @!p1 s5, s9;
	[sflag:s25] =	ssyncadd.s32 $0xFFFFC000  }
0x9d: {  	[tilespmem:s13], [sflag:$0x1] =	stream.linear.gather @!p1 [hbm4b:s12+s13], $0x80, $0x38;
	[tilespmem:$0x1C300] =	vst v63  }
0x9e: {  	s9 =	sadd.s32 @!p1 s6, s9;
	s12 =	simm.s32 @!p1 $0x180  }
0x9f: {  	[tilespmem:s12], [sflag:$0x1] =	stream.linear.gather @!p1 [hbm4b:s9+s13], $0x80, $0x38;
	[tilespmem:$0x1C300] =	vst v63  }
0xa0: {  	_ =	swait.ge [sflag:s2], $0x80  }
0xa1: {  	[sflag:s2] =	ssyncset.done $0x0  }
0xa2: {  	[sflag:s2] =	ssyncadd.s32 $0xFFFFFF80  }
0xa3: {  	_ =	swait.ge [sflag:s2], $0x80  }
0xa4: {  	[sflag:s2] =	ssyncset.done $0x0  }
0xa5: {  	[sflag:s2] =	ssyncadd.s32 $0xFFFFFF80  }
0xa6: {  	[tilespmem:s31], [sflag:$0x5] =	stream.indirect.gather [hbm4b:s4+s22], $0x80, s28, s22, $0xb8;
	[tilespmem:$0x1C300] =	vst v63  }
0xa7: {  	_ =	swait.ge [sflag:s0], $0x4000  }
0xa8: {  	[sflag:s0] =	ssyncset.done $0x0  }
0xa9: {  	[sflag:s0] =	ssyncadd.s32 $0xFFFFC000  }
0xaa: {  	[spmem:s1] =	stream.indirect.scatter.add.f32 [tilespmem:s24], [sflag:$0x6], $0x80, s23, s22, $0xb8;
	[tilespmem:$0x1C300] =	vst v63  }
0xab: {  	_ =	swait.ge [sflag:s25], $0x4000  }
0xac: {  	s14 =	simm.s32 @!p1 $0x80;
	s9 =	rddreg [dreg:$0x4];
	[sflag:s25] =	ssyncset.done $0x0  }
0xad: {  	s12 =	rddreg [dreg:$0x3];
	[sflag:s25] =	ssyncadd.s32 $0xFFFFC000;
	s9 =	sadd.s32 @!p1 $0x0, s9  }
0xae: {  	[tilespmem:s14], [sflag:$0x2] =	stream.linear.gather @!p1 [hbm4b:s9+s13], $0x80, $0x38;
	[tilespmem:$0x1C300] =	vst v63  }
0xaf: {  	s9 =	sadd.s32 @!p1 $0x0, s12;
	s12 =	simm.s32 @!p1 $0x200  }
0xb0: {  	[tilespmem:s12], [sflag:$0x2] =	stream.linear.gather @!p1 [hbm4b:s9+s13], $0x80, $0x38;
	[tilespmem:$0x1C300] =	vst v63  }
0xb1: {  	s9 =	simm.s32 @!p1 $0x1  }
0xb2: {  	_ =	swait.ge @!p1 [sflag:s9], $0x80  }
0xb3: {  	[sflag:s9] =	ssyncset.done @!p1 $0x0  }
0xb4: {  	[sflag:s9] =	ssyncadd.s32 @!p1 $0xFFFFFF80  }
0xb5: {  	_ =	swait.ge @!p1 [sflag:s9], $0x80  }
0xb6: {  	[sflag:s9] =	ssyncset.done @!p1 $0x0  }
0xb7: {  	[sflag:s9] =	ssyncadd.s32 @!p1 $0xFFFFFF80;
	s9 =	simm.s32 @!p1 $0x300  }
0xb8: {  	[tilespmem:s9], [sflag:$0x4] =	stream.indirect.gather @!p1 [hbm4b:s4+s14], $0x80, s13, s14, $0xb8;
	[tilespmem:$0x1C300] =	vst v63  }
0xb9: {  	_ =	swait.ge [sflag:s7], $0x4000  }
0xba: {  	[sflag:s7] =	ssyncset.done $0x0  }
0xbb: {  	[sflag:s7] =	ssyncadd.s32 $0xFFFFC000  }
0xbc: {  	[spmem:s1] =	stream.indirect.scatter.add.f32 [tilespmem:s31], [sflag:$0x6], $0x80, s29, s22, $0xb8;
	[tilespmem:$0x1C300] =	vst v63  }
0xbd: {  	s20 =	smov.u32 s10;
	s12 =	simm.s32 $0xC0;
	_ =	swait.ge [sflag:s25], $0x4000  }
0xbe: {  	s9 =	simm.s32 $0x60;
	s14 =	rddreg [dreg:$0xc];
	[sflag:s25] =	ssyncset.done $0x0  }
.LBB2_4:
0xbf: {  	[sflag:s25] =	ssyncadd.s32 $0xFFFFC000;
	s15 =	rddreg [dreg:$0xb];
	s14 =	sadd.s32 s9, s14  }
0xc0: {  	[tilespmem:s28], [sflag:$0x3] =	stream.linear.gather [hbm4b:s14+s3], $0x80, $0x38;
	[tilespmem:$0x1C300] =	vst v63  }
0xc1: {  	s17 =	sadd.s32 s9, s15  }
0xc2: {  	[tilespmem:s29], [sflag:$0x3] =	stream.linear.gather [hbm4b:s17+s3], $0x80, $0x38;
	[tilespmem:$0x1C300] =	vst v63  }
0xc3: {  	_ =	swait.ge [sflag:s30], $0x80  }
0xc4: {  	[sflag:s30] =	ssyncset.done $0x0  }
0xc5: {  	[sflag:s30] =	ssyncadd.s32 $0xFFFFFF80  }
0xc6: {  	_ =	swait.ge [sflag:s30], $0x80  }
0xc7: {  	[sflag:s30] =	ssyncset.done $0x0  }
0xc8: {  	[sflag:s30] =	ssyncadd.s32 $0xFFFFFF80  }
0xc9: {  	[tilespmem:s31], [sflag:$0x5] =	stream.indirect.gather [hbm4b:s4+s22], $0x80, s22, s22, $0xb8;
	[tilespmem:$0x1C300] =	vst v63  }
0xca: {  	_ =	swait.ge [sflag:s0], $0x4000  }
0xcb: {  	[sflag:s0] =	ssyncset.done $0x0  }
0xcc: {  	[sflag:s0] =	ssyncadd.s32 $0xFFFFC000  }
0xcd: {  	[spmem:s1] =	stream.indirect.scatter.add.f32 [tilespmem:s24], [sflag:$0x6], $0x80, s21, s22, $0xb8;
	[tilespmem:$0x1C300] =	vst v63  }
0xce: {  	_ =	swait.ge [sflag:s25], $0x4000  }
0xcf: {  	s15 =	rddreg [dreg:$0xa];
	[sflag:s25] =	ssyncset.done $0x0  }
0xd0: {  	s16 =	rddreg [dreg:$0x9];
	[sflag:s25] =	ssyncadd.s32 $0xFFFFC000;
	s14 =	sadd.s32 s9, s15  }
0xd1: {  	[tilespmem:s3], [sflag:$0x1] =	stream.linear.gather [hbm4b:s14+s3], $0x80, $0x38;
	[tilespmem:$0x1C300] =	vst v63  }
0xd2: {  	s17 =	sadd.s32 s9, s16  }
0xd3: {  	[tilespmem:s21], [sflag:$0x1] =	stream.linear.gather [hbm4b:s17+s3], $0x80, $0x38;
	[tilespmem:$0x1C300] =	vst v63  }
0xd4: {  	_ =	swait.ge [sflag:s2], $0x80  }
0xd5: {  	[sflag:s2] =	ssyncset.done $0x0  }
0xd6: {  	[sflag:s2] =	ssyncadd.s32 $0xFFFFFF80  }
0xd7: {  	_ =	swait.ge [sflag:s2], $0x80  }
0xd8: {  	[sflag:s2] =	ssyncset.done $0x0  }
0xd9: {  	[sflag:s2] =	ssyncadd.s32 $0xFFFFFF80  }
0xda: {  	[tilespmem:s24], [sflag:$0x4] =	stream.indirect.gather [hbm4b:s4+s22], $0x80, s28, s22, $0xb8;
	[tilespmem:$0x1C300] =	vst v63  }
0xdb: {  	_ =	swait.ge [sflag:s7], $0x4000  }
0xdc: {  	[sflag:s7] =	ssyncset.done $0x0  }
0xdd: {  	[sflag:s7] =	ssyncadd.s32 $0xFFFFC000  }
0xde: {  	[spmem:s1] =	stream.indirect.scatter.add.f32 [tilespmem:s31], [sflag:$0x6], $0x80, s23, s22, $0xb8;
	[tilespmem:$0x1C300] =	vst v63  }
0xdf: {  	_ =	swait.ge [sflag:s25], $0x4000  }
0xe0: {  	s15 =	rddreg [dreg:$0x8];
	[sflag:s25] =	ssyncset.done $0x0  }
0xe1: {  	s16 =	rddreg [dreg:$0x7];
	[sflag:s25] =	ssyncadd.s32 $0xFFFFC000;
	s14 =	sadd.s32 s9, s15  }
0xe2: {  	[tilespmem:s22], [sflag:$0x2] =	stream.linear.gather [hbm4b:s14+s3], $0x80, $0x38;
	[tilespmem:$0x1C300] =	vst v63  }
0xe3: {  	s17 =	sadd.s32 s9, s16  }
0xe4: {  	[tilespmem:s23], [sflag:$0x2] =	stream.linear.gather [hbm4b:s17+s3], $0x80, $0x38;
	[tilespmem:$0x1C300] =	vst v63  }
0xe5: {  	_ =	swait.ge [sflag:s26], $0x80  }
0xe6: {  	[sflag:s26] =	ssyncset.done $0x0  }
0xe7: {  	[sflag:s26] =	ssyncadd.s32 $0xFFFFFF80  }
0xe8: {  	_ =	swait.ge [sflag:s26], $0x80  }
0xe9: {  	[sflag:s26] =	ssyncset.done $0x0  }
0xea: {  	[sflag:s26] =	ssyncadd.s32 $0xFFFFFF80  }
0xeb: {  	[tilespmem:s31], [sflag:$0x5] =	stream.indirect.gather [hbm4b:s4+s22], $0x80, s3, s22, $0xb8;
	[tilespmem:$0x1C300] =	vst v63  }
0xec: {  	_ =	swait.ge [sflag:s0], $0x4000  }
0xed: {  	[sflag:s0] =	ssyncset.done $0x0  }
0xee: {  	[sflag:s0] =	ssyncadd.s32 $0xFFFFC000  }
0xef: {  	[spmem:s1] =	stream.indirect.scatter.add.f32 [tilespmem:s24], [sflag:$0x6], $0x80, s29, s22, $0xb8;
	[tilespmem:$0x1C300] =	vst v63  }
0xf0: {  	_ =	swait.ge [sflag:s25], $0x4000  }
0xf1: {  	s15 =	rddreg [dreg:$0x6];
	[sflag:s25] =	ssyncset.done $0x0  }
0xf2: {  	s16 =	rddreg [dreg:$0x5];
	[sflag:s25] =	ssyncadd.s32 $0xFFFFC000;
	s14 =	sadd.s32 s9, s15  }
0xf3: {  	[tilespmem:s28], [sflag:$0x3] =	stream.linear.gather [hbm4b:s14+s3], $0x80, $0x38;
	[tilespmem:$0x1C300] =	vst v63  }
0xf4: {  	s17 =	sadd.s32 s9, s16  }
0xf5: {  	[tilespmem:s29], [sflag:$0x3] =	stream.linear.gather [hbm4b:s17+s3], $0x80, $0x38;
	[tilespmem:$0x1C300] =	vst v63  }
0xf6: {  	_ =	swait.ge [sflag:s30], $0x80  }
0xf7: {  	[sflag:s30] =	ssyncset.done $0x0  }
0xf8: {  	[sflag:s30] =	ssyncadd.s32 $0xFFFFFF80  }
0xf9: {  	_ =	swait.ge [sflag:s30], $0x80  }
0xfa: {  	[sflag:s30] =	ssyncset.done $0x0  }
0xfb: {  	[sflag:s30] =	ssyncadd.s32 $0xFFFFFF80  }
0xfc: {  	[tilespmem:s24], [sflag:$0x4] =	stream.indirect.gather [hbm4b:s4+s22], $0x80, s22, s22, $0xb8;
	[tilespmem:$0x1C300] =	vst v63  }
0xfd: {  	_ =	swait.ge [sflag:s7], $0x4000  }
0xfe: {  	[sflag:s7] =	ssyncset.done $0x0  }
0xff: {  	[sflag:s7] =	ssyncadd.s32 $0xFFFFC000  }
0x100: {  	[spmem:s1] =	stream.indirect.scatter.add.f32 [tilespmem:s31], [sflag:$0x6], $0x80, s21, s22, $0xb8;
	[tilespmem:$0x1C300] =	vst v63  }
0x101: {  	s20 =	sadd.s32 $0x300, s20;
	p2 =	seq.s32 s9, $0x480;
	_ =	swait.ge [sflag:s25], $0x4000  }
0x102: {  	s15 =	sshrl.u32 @!p2 s20, $0x3;
	[sflag:s25] =	ssyncset.done $0x0  }
0x103: {  	s16 =	sadd.s32 @!p2 s5, s15;
	s14 =	simm.s32 @!p2 $0x0;
	[sflag:s25] =	ssyncadd.s32 $0xFFFFC000  }
0x104: {  	[tilespmem:s14], [sflag:$0x1] =	stream.linear.gather @!p2 [hbm4b:s16+s14], $0x80, $0x38;
	[tilespmem:$0x1C300] =	vst v63  }
0x105: {  	s15 =	sadd.s32 @!p2 s6, s15;
	s16 =	simm.s32 @!p2 $0x180  }
0x106: {  	[tilespmem:s16], [sflag:$0x1] =	stream.linear.gather @!p2 [hbm4b:s15+s14], $0x80, $0x38;
	[tilespmem:$0x1C300] =	vst v63  }
0x107: {  	_ =	swait.ge [sflag:s2], $0x80  }
0x108: {  	[sflag:s2] =	ssyncset.done $0x0  }
0x109: {  	[sflag:s2] =	ssyncadd.s32 $0xFFFFFF80  }
0x10a: {  	_ =	swait.ge [sflag:s2], $0x80  }
0x10b: {  	[sflag:s2] =	ssyncset.done $0x0  }
0x10c: {  	[sflag:s2] =	ssyncadd.s32 $0xFFFFFF80  }
0x10d: {  	[tilespmem:s31], [sflag:$0x5] =	stream.indirect.gather [hbm4b:s4+s22], $0x80, s28, s22, $0xb8;
	[tilespmem:$0x1C300] =	vst v63  }
0x10e: {  	_ =	swait.ge [sflag:s0], $0x4000  }
0x10f: {  	[sflag:s0] =	ssyncset.done $0x0  }
0x110: {  	[sflag:s0] =	ssyncadd.s32 $0xFFFFC000  }
0x111: {  	[spmem:s1] =	stream.indirect.scatter.add.f32 [tilespmem:s24], [sflag:$0x6], $0x80, s23, s22, $0xb8;
	[tilespmem:$0x1C300] =	vst v63  }
0x112: {  	_ =	swait.ge [sflag:s25], $0x4000  }
0x113: {  	s17 =	simm.s32 @!p2 $0x80;
	s15 =	rddreg [dreg:$0x4];
	[sflag:s25] =	ssyncset.done $0x0  }
0x114: {  	s16 =	rddreg [dreg:$0x3];
	[sflag:s25] =	ssyncadd.s32 $0xFFFFC000;
	s15 =	sadd.s32 @!p2 s9, s15  }
0x115: {  	[tilespmem:s17], [sflag:$0x2] =	stream.linear.gather @!p2 [hbm4b:s15+s14], $0x80, $0x38;
	[tilespmem:$0x1C300] =	vst v63  }
0x116: {  	s9 =	sadd.s32 @!p2 s9, s16;
	s16 =	simm.s32 @!p2 $0x1;
	s15 =	simm.s32 @!p2 $0x200  }
0x117: {  	[tilespmem:s15], [sflag:$0x2] =	stream.linear.gather @!p2 [hbm4b:s9+s14], $0x80, $0x38;
	[tilespmem:$0x1C300] =	vst v63  }
0x118: {  	_ =	swait.ge @!p2 [sflag:s16], $0x80  }
0x119: {  	[sflag:s16] =	ssyncset.done @!p2 $0x0  }
0x11a: {  	[sflag:s16] =	ssyncadd.s32 @!p2 $0xFFFFFF80  }
0x11b: {  	_ =	swait.ge @!p2 [sflag:s16], $0x80  }
0x11c: {  	s13 =	smov.u32 s12;
	s12 =	sadd.s32 $0x60, s12;
	[sflag:s16] =	ssyncset.done @!p2 $0x0  }
0x11d: {  	s9 =	smov.u32 s13;
	s13 =	simm.s32 @!p2 $0x300;
	[sflag:s16] =	ssyncadd.s32 @!p2 $0xFFFFFF80  }
0x11e: {  	[tilespmem:s13], [sflag:$0x4] =	stream.indirect.gather @!p2 [hbm4b:s4+s17], $0x80, s14, s17, $0xb8;
	[tilespmem:$0x1C300] =	vst v63  }
0x11f: {  	p1 =	sne.s32 s12, $0x4E0;
	_ =	swait.ge [sflag:s7], $0x4000  }
.Ltmp1:
0x120: {  	[sflag:s7] =	ssyncset.done $0x0;
	(pc) =	sbr.rel @p1 .LBB2_4-.Ltmp1, $4  }
0x121: {  	[sflag:s7] =	ssyncadd.s32 $0xFFFFC000  }
0x122: {  	[spmem:s1] =	stream.indirect.scatter.add.f32 [tilespmem:s31], [sflag:$0x6], $0x80, s29, s22, $0xb8;
	[tilespmem:$0x1C300] =	vst v63  }
0x123: {  	_ =	swait.ge [sflag:s25], $0x4000  }
0x124: {  	s14 =	rddreg [dreg:$0xc];
	[sflag:s25] =	ssyncset.done $0x0  }
0x125: {  	s12 =	rddreg [dreg:$0xb];
	[sflag:s25] =	ssyncadd.s32 $0xFFFFC000;
	s13 =	sadd.s32 s9, s14  }
0x126: {  	[tilespmem:s28], [sflag:$0x3] =	stream.linear.gather [hbm4b:s13+s3], $0x80, $0x38;
	[tilespmem:$0x1C300] =	vst v63  }
0x127: {  	s12 =	sadd.s32 s9, s12  }
0x128: {  	[tilespmem:s29], [sflag:$0x3] =	stream.linear.gather [hbm4b:s12+s3], $0x80, $0x38;
	[tilespmem:$0x1C300] =	vst v63  }
0x129: {  	_ =	swait.ge [sflag:s30], $0x80  }
0x12a: {  	[sflag:s30] =	ssyncset.done $0x0  }
0x12b: {  	[sflag:s30] =	ssyncadd.s32 $0xFFFFFF80  }
0x12c: {  	_ =	swait.ge [sflag:s30], $0x80  }
0x12d: {  	[sflag:s30] =	ssyncset.done $0x0  }
0x12e: {  	[sflag:s30] =	ssyncadd.s32 $0xFFFFFF80  }
0x12f: {  	[tilespmem:s31], [sflag:$0x5] =	stream.indirect.gather [hbm4b:s4+s22], $0x80, s22, s22, $0xb8;
	[tilespmem:$0x1C300] =	vst v63  }
0x130: {  	_ =	swait.ge [sflag:s0], $0x4000  }
0x131: {  	[sflag:s0] =	ssyncset.done $0x0  }
0x132: {  	[sflag:s0] =	ssyncadd.s32 $0xFFFFC000  }
0x133: {  	[spmem:s1] =	stream.indirect.scatter.add.f32 [tilespmem:s24], [sflag:$0x6], $0x80, s21, s22, $0xb8;
	[tilespmem:$0x1C300] =	vst v63  }
0x134: {  	_ =	swait.ge [sflag:s25], $0x4000  }
0x135: {  	s13 =	rddreg [dreg:$0xa];
	[sflag:s25] =	ssyncset.done $0x0  }
0x136: {  	s14 =	rddreg [dreg:$0x9];
	[sflag:s25] =	ssyncadd.s32 $0xFFFFC000;
	s12 =	sadd.s32 s9, s13  }
0x137: {  	[tilespmem:s3], [sflag:$0x1] =	stream.linear.gather [hbm4b:s12+s3], $0x80, $0x38;
	[tilespmem:$0x1C300] =	vst v63  }
0x138: {  	s15 =	sadd.s32 s9, s14  }
0x139: {  	[tilespmem:s21], [sflag:$0x1] =	stream.linear.gather [hbm4b:s15+s3], $0x80, $0x38;
	[tilespmem:$0x1C300] =	vst v63  }
0x13a: {  	_ =	swait.ge [sflag:s2], $0x80  }
0x13b: {  	[sflag:s2] =	ssyncset.done $0x0  }
0x13c: {  	[sflag:s2] =	ssyncadd.s32 $0xFFFFFF80  }
0x13d: {  	_ =	swait.ge [sflag:s2], $0x80  }
0x13e: {  	[sflag:s2] =	ssyncset.done $0x0  }
0x13f: {  	[sflag:s2] =	ssyncadd.s32 $0xFFFFFF80  }
0x140: {  	[tilespmem:s24], [sflag:$0x4] =	stream.indirect.gather [hbm4b:s4+s22], $0x80, s28, s22, $0xb8;
	[tilespmem:$0x1C300] =	vst v63  }
0x141: {  	_ =	swait.ge [sflag:s7], $0x4000  }
0x142: {  	[sflag:s7] =	ssyncset.done $0x0  }
0x143: {  	[sflag:s7] =	ssyncadd.s32 $0xFFFFC000  }
0x144: {  	[spmem:s1] =	stream.indirect.scatter.add.f32 [tilespmem:s31], [sflag:$0x6], $0x80, s23, s22, $0xb8;
	[tilespmem:$0x1C300] =	vst v63  }
0x145: {  	_ =	swait.ge [sflag:s25], $0x4000  }
0x146: {  	s16 =	rddreg [dreg:$0x8];
	[sflag:s25] =	ssyncset.done $0x0  }
0x147: {  	s17 =	rddreg [dreg:$0x7];
	[sflag:s25] =	ssyncadd.s32 $0xFFFFC000;
	s12 =	sadd.s32 s9, s16  }
0x148: {  	[tilespmem:s22], [sflag:$0x2] =	stream.linear.gather [hbm4b:s12+s3], $0x80, $0x38;
	[tilespmem:$0x1C300] =	vst v63  }
0x149: {  	s13 =	sadd.s32 s9, s17  }
0x14a: {  	[tilespmem:s23], [sflag:$0x2] =	stream.linear.gather [hbm4b:s13+s3], $0x80, $0x38;
	[tilespmem:$0x1C300] =	vst v63  }
0x14b: {  	_ =	swait.ge [sflag:s26], $0x80  }
0x14c: {  	[sflag:s26] =	ssyncset.done $0x0  }
0x14d: {  	[sflag:s26] =	ssyncadd.s32 $0xFFFFFF80  }
0x14e: {  	_ =	swait.ge [sflag:s26], $0x80  }
0x14f: {  	[sflag:s26] =	ssyncset.done $0x0  }
0x150: {  	[sflag:s26] =	ssyncadd.s32 $0xFFFFFF80  }
0x151: {  	[tilespmem:s31], [sflag:$0x5] =	stream.indirect.gather [hbm4b:s4+s22], $0x80, s3, s22, $0xb8;
	[tilespmem:$0x1C300] =	vst v63  }
0x152: {  	_ =	swait.ge [sflag:s0], $0x4000  }
0x153: {  	[sflag:s0] =	ssyncset.done $0x0  }
0x154: {  	[sflag:s0] =	ssyncadd.s32 $0xFFFFC000  }
0x155: {  	[spmem:s1] =	stream.indirect.scatter.add.f32 [tilespmem:s24], [sflag:$0x6], $0x80, s29, s22, $0xb8;
	[tilespmem:$0x1C300] =	vst v63  }
0x156: {  	_ =	swait.ge [sflag:s25], $0x4000  }
0x157: {  	s14 =	rddreg [dreg:$0x6];
	[sflag:s25] =	ssyncset.done $0x0  }
0x158: {  	s15 =	rddreg [dreg:$0x5];
	[sflag:s25] =	ssyncadd.s32 $0xFFFFC000;
	s12 =	sadd.s32 s9, s14  }
0x159: {  	[tilespmem:s28], [sflag:$0x3] =	stream.linear.gather [hbm4b:s12+s3], $0x80, $0x38;
	[tilespmem:$0x1C300] =	vst v63  }
0x15a: {  	s16 =	sadd.s32 s9, s15  }
0x15b: {  	[tilespmem:s29], [sflag:$0x3] =	stream.linear.gather [hbm4b:s16+s3], $0x80, $0x38;
	[tilespmem:$0x1C300] =	vst v63  }
0x15c: {  	_ =	swait.ge [sflag:s30], $0x80  }
0x15d: {  	[sflag:s30] =	ssyncset.done $0x0  }
0x15e: {  	[sflag:s30] =	ssyncadd.s32 $0xFFFFFF80  }
0x15f: {  	_ =	swait.ge [sflag:s30], $0x80  }
0x160: {  	[sflag:s30] =	ssyncset.done $0x0  }
0x161: {  	[sflag:s30] =	ssyncadd.s32 $0xFFFFFF80  }
0x162: {  	[tilespmem:s24], [sflag:$0x4] =	stream.indirect.gather [hbm4b:s4+s22], $0x80, s22, s22, $0xb8;
	[tilespmem:$0x1C300] =	vst v63  }
0x163: {  	_ =	swait.ge [sflag:s7], $0x4000  }
0x164: {  	[sflag:s7] =	ssyncset.done $0x0  }
0x165: {  	[sflag:s7] =	ssyncadd.s32 $0xFFFFC000  }
0x166: {  	[spmem:s1] =	stream.indirect.scatter.add.f32 [tilespmem:s31], [sflag:$0x6], $0x80, s21, s22, $0xb8;
	[tilespmem:$0x1C300] =	vst v63  }
0x167: {  	p1 =	seq.s32 s9, $0x480;
	s12 =	sadd.s32 $0x300, s20;
	_ =	swait.ge [sflag:s25], $0x4000  }
0x168: {  	s12 =	sshrl.u32 @!p1 s12, $0x3;
	[sflag:s25] =	ssyncset.done $0x0  }
0x169: {  	s14 =	simm.s32 @!p1 $0x0;
	s13 =	sadd.s32 @!p1 s5, s12;
	[sflag:s25] =	ssyncadd.s32 $0xFFFFC000  }
0x16a: {  	[tilespmem:s14], [sflag:$0x1] =	stream.linear.gather @!p1 [hbm4b:s13+s14], $0x80, $0x38;
	[tilespmem:$0x1C300] =	vst v63  }
0x16b: {  	s12 =	sadd.s32 @!p1 s6, s12;
	s13 =	simm.s32 @!p1 $0x180  }
0x16c: {  	[tilespmem:s13], [sflag:$0x1] =	stream.linear.gather @!p1 [hbm4b:s12+s14], $0x80, $0x38;
	[tilespmem:$0x1C300] =	vst v63  }
0x16d: {  	_ =	swait.ge [sflag:s2], $0x80  }
0x16e: {  	[sflag:s2] =	ssyncset.done $0x0  }
0x16f: {  	[sflag:s2] =	ssyncadd.s32 $0xFFFFFF80  }
0x170: {  	_ =	swait.ge [sflag:s2], $0x80  }
0x171: {  	[sflag:s2] =	ssyncset.done $0x0  }
0x172: {  	[sflag:s2] =	ssyncadd.s32 $0xFFFFFF80  }
0x173: {  	[tilespmem:s31], [sflag:$0x5] =	stream.indirect.gather [hbm4b:s4+s22], $0x80, s28, s22, $0xb8;
	[tilespmem:$0x1C300] =	vst v63  }
0x174: {  	_ =	swait.ge [sflag:s0], $0x4000  }
0x175: {  	[sflag:s0] =	ssyncset.done $0x0  }
0x176: {  	[sflag:s0] =	ssyncadd.s32 $0xFFFFC000  }
0x177: {  	[spmem:s1] =	stream.indirect.scatter.add.f32 [tilespmem:s24], [sflag:$0x6], $0x80, s23, s22, $0xb8;
	[tilespmem:$0x1C300] =	vst v63  }
0x178: {  	_ =	swait.ge [sflag:s25], $0x4000  }
0x179: {  	s15 =	simm.s32 @!p1 $0x80;
	s12 =	rddreg [dreg:$0x4];
	[sflag:s25] =	ssyncset.done $0x0  }
0x17a: {  	s13 =	rddreg [dreg:$0x3];
	[sflag:s25] =	ssyncadd.s32 $0xFFFFC000;
	s12 =	sadd.s32 @!p1 s9, s12  }
0x17b: {  	[tilespmem:s15], [sflag:$0x2] =	stream.linear.gather @!p1 [hbm4b:s12+s14], $0x80, $0x38;
	[tilespmem:$0x1C300] =	vst v63  }
0x17c: {  	s9 =	sadd.s32 @!p1 s9, s13;
	s13 =	simm.s32 @!p1 $0x1;
	s12 =	simm.s32 @!p1 $0x200  }
0x17d: {  	[tilespmem:s12], [sflag:$0x2] =	stream.linear.gather @!p1 [hbm4b:s9+s14], $0x80, $0x38;
	[tilespmem:$0x1C300] =	vst v63  }
0x17e: {  	_ =	swait.ge @!p1 [sflag:s13], $0x80  }
0x17f: {  	[sflag:s13] =	ssyncset.done @!p1 $0x0  }
0x180: {  	[sflag:s13] =	ssyncadd.s32 @!p1 $0xFFFFFF80  }
0x181: {  	_ =	swait.ge @!p1 [sflag:s13], $0x80  }
0x182: {  	[sflag:s13] =	ssyncset.done @!p1 $0x0  }
0x183: {  	s9 =	simm.s32 @!p1 $0x300;
	[sflag:s13] =	ssyncadd.s32 @!p1 $0xFFFFFF80  }
0x184: {  	[tilespmem:s9], [sflag:$0x4] =	stream.indirect.gather @!p1 [hbm4b:s4+s15], $0x80, s14, s15, $0xb8;
	[tilespmem:$0x1C300] =	vst v63  }
0x185: {  	_ =	swait.ge [sflag:s7], $0x4000  }
0x186: {  	[sflag:s7] =	ssyncset.done $0x0  }
0x187: {  	[sflag:s7] =	ssyncadd.s32 $0xFFFFC000  }
0x188: {  	[spmem:s1] =	stream.indirect.scatter.add.f32 [tilespmem:s31], [sflag:$0x6], $0x80, s29, s22, $0xb8;
	[tilespmem:$0x1C300] =	vst v63  }
0x189: {  	_ =	swait.ge [sflag:s25], $0x4000  }
0x18a: {  	[sflag:s25] =	ssyncset.done $0x0  }
0x18b: {  	s9 =	simm.s32 @!p0 $0x0;
	s12 =	rddreg [dreg:$0x15];
	[sflag:s25] =	ssyncadd.s32 $0xFFFFC000  }
0x18c: {  	[tilespmem:s9], [sflag:$0x6] =	stream.linear.gather @!p0 [hbm4b:s12+s9], $0x80, $0x38;
	[tilespmem:$0x1C300] =	vst v63  }
0x18d: {  	s12 =	simm.s32 @!p0 $0x6  }
0x18e: {  	_ =	swait.ge @!p0 [sflag:s12], $0x80  }
0x18f: {  	s13 =	simm.s32 @!p0 $0x80;
	[sflag:s12] =	ssyncset.done @!p0 $0x0  }
0x190: {  	s14 =	simm.s32 @!p0 $0x300;
	s15 =	simm.s32 @!p0 $0x4;
	[sflag:s12] =	ssyncadd.s32 @!p0 $0xFFFFFF80  }
0x191: {  	[tilespmem:s14], [sflag:$0x4] =	stream.indirect.gather @!p0 [hbm4b:s4+s13], $0x80, s9, s13, $0xb8;
	[tilespmem:$0x1C300] =	vst v63  }
0x192: {  	_ =	swait.ge @!p0 [sflag:s15], $0x4000  }
0x193: {  	[sflag:s15] =	ssyncset.done @!p0 $0x0  }
0x194: {  	s16 =	rddreg [dreg:$0x16];
	[sflag:s15] =	ssyncadd.s32 @!p0 $0xFFFFC000;
	s15 =	simm.s32 @!p0 $0x180  }
0x195: {  	[tilespmem:s15], [sflag:$0x6] =	stream.linear.gather @!p0 [hbm4b:s16+s9], $0x80, $0x38;
	[tilespmem:$0x1C300] =	vst v63  }
0x196: {  	_ =	swait.ge @!p0 [sflag:s12], $0x80  }
0x197: {  	[sflag:s12] =	ssyncset.done @!p0 $0x0  }
0x198: {  	[sflag:s12] =	ssyncadd.s32 @!p0 $0xFFFFFF80  }
0x199: {  	[spmem:s1] =	stream.indirect.scatter.add.f32 @!p0 [tilespmem:s14], [sflag:$0x6], $0x80, s15, s13, $0xb8;
	[tilespmem:$0x1C300] =	vst v63  }
0x19a: {  	s8 =	sadd.s32 $0x1, s8;
	_ =	swait.ge @!p0 [sflag:s12], $0x4000  }
0x19b: {  	s17 =	stileid.u32;
	s20 =	sshrl.u32 s11, $0x3;
	[sflag:s12] =	ssyncset.done @!p0 $0x0  }
0x19c: {  	p1 =	sne.s32 s8, s19;
	s9 =	sshll.u32 s17, $0x6;
	[sflag:s12] =	ssyncadd.s32 @!p0 $0xFFFFC000  }
.Ltmp2:
0x19d: {  	s9 =	sor.u32 $0x1C06, s9;
	[bflag:$0x0] =	sbarrier.arrive $0xFFFF;
	(pc) =	sbr.rel @p1 .LBB2_1-.Ltmp2, $4  }
0x19e: {  	[hbm:s18], [sflag:s9] =	dma.local [spmem:s20], $0x2800  }
0x19f: {  	_ =	swait.ge [sflag:s25], $0x2800  }
0x1a0: {  	[sflag:s25] =	ssyncset.done $0x0  }
0x1a1: {  	[sflag:s25] =	ssyncadd.s32 $0xFFFFD800  }
0x1a2: {  	_ =	sfence.sel $0x180000  }
0x1a3: {  	[bflag:$0x0] =	sbarrier.arrive $0xFFFF  }
0x1a4: {  	_ =	strace $0x9000004A  }
0x1a5: {  	s0 =	stileid.u32;
	[bflag:$0x2] =	sbarrier.arrive $0xFFFF  }
0x1a6: {  	p0 =	sne.s32 s0, $0x0;
	s0 =	rddreg [dreg:$0x2]  }
0x1a7: {  	s0 =	sadd.s32 @!p0 $0x100000, s0  }
0x1a8: {  	[sflag:s0] =	ssyncadd.tile.s32 @!p0 $0x1;
	_ =	shalt  }
.Lfunc_end2:
_tile_overlayer_lowered:
.L_overlay_start_2:
0x1a9: {  	(tag) =	ssettag $0x2  }
0x1aa: {  	s0 =	rddreg [dreg:$0x0];
	s2 =	stileid.u32  }
0x1ab: {  	s1 =	rddreg [dreg:$0x1];
	p0 =	sne.s32 s2, $0x0  }
0x1ac: {  	s3 =	rddreg [dreg:$0x2];
	[bflag:$0x3] =	sbarrier.arrive $0xFFFF;
	s2 =	simm.s32 @!p0 $0x1C06  }
0x1ad: {  	[timem:s3], [sflag:s2] =	dma.local @!p0 [hbm:s0], s1  }
0x1ae: {  	s0 =	simm.s32 @!p0 $0x6  }
0x1af: {  	_ =	swait.ge @!p0 [sflag:s0], s1  }
0x1b0: {  	s1 =	ssub.s32 @!p0 $0x0, s1;
	[sflag:s0] =	ssyncset.done @!p0 $0x0  }
0x1b1: {  	[sflag:s0] =	ssyncadd.s32 @!p0 s1  }
0x1b2: {  	[bflag:$0x3] =	sbarrier.arrive $0xFFFF  }
0x1b3: {  	_ =	shalt  }

// kernel: kernel.14.cloned.1.call-start
scs
__scs_entry_jumppad:
0x0: {  	(pc) =	sbr.rel $0x88, $3  }
0x1: {  	(tag) =	ssettag $0x0;
	lr =	simm.s32 $0x1  }
0x2: {  	[smem:$0x3F97] =	sst lr;
	_ =	strace $0xD0000000  }
0x3: {  	_ = 	snop  }
0x4: {  	_ = 	snop  }
0x5: {  	_ = 	snop  }
0x6: {  	_ = 	snop  }
0x7: {  	_ = 	snop  }
__scs_overlays_trampoline_lowered:
0x8: {  	[smem:$0x3FA6] =	sst s0  }
0x9: {  	[smem:$0x3FA7] =	sst s1  }
0xa: {  	[smem:$0x3FA8] =	sst s2  }
0xb: {  	[smem:$0x3FA9] =	sst s3  }
0xc: {  	[smem:$0x3FAA] =	sst s4  }
0xd: {  	[smem:$0x3FAB] =	sst s5  }
0xe: {  	[smem:$0x3FAC] =	sst s6  }
0xf: {  	[smem:$0x3FAD] =	sst s7  }
0x10: {  	[smem:$0x3FAE] =	sst s8  }
0x11: {  	[smem:$0x3FAF] =	sst s9;
	s0 =	simm.s32 @!p0 $0x0  }
0x12: {  	s1 =	sld [smem:$0x3F95];
	s0 =	simm.s32 @p0 $0x1  }
0x13: {  	[smem:$0x3FB0] =	sst s0;
	s0 =	simm.s32 @!p1 $0x0  }
0x14: {  	s2 =	sld [smem:$0x3F94];
	s0 =	simm.s32 @p1 $0x1  }
0x15: {  	[smem:$0x3FB1] =	sst s0;
	s0 =	simm.s32 @!p2 $0x0  }
0x16: {  	s3 =	sld [smem:$0x3FDB];
	s0 =	simm.s32 @p2 $0x1  }
0x17: {  	s4 =	simm.s32 $0x1BF5;
	[smem:$0x3FB3] =	sst s0  }
0x18: {  	s0 =	sld [smem:$0x3F96];
	_ =	swait.ge [sflag:s4], $0x0  }
0x19: {  	s7 =	sld [smem:$0x3F97]  }
0x1a: {  	s8 =	sadd.s32 $0xFFFFE003, lr  }
0x1b: {  	s9 =	sadd.s32 $0xFFFFFEF7, lr;
	s5 =	simm.s32 $0xFFFFFFFF;
	p2 =	slt.u32 s8, $0xFFFFF086  }
0x1c: {  	p1 =	slt.u32 s9, $0xF7A;
	s5 =	simm.s32 @!p2 $0x0  }
0x1d: {  	s5 =	simm.s32 @p1 $0x1;
	p0 =	seq.s32 s7, s2  }
0x1e: {  	s7 =	smul.u32 @!p0 $0xF7A, s2;
	p2 =	seq.s32 @!p0 s5, $0x0  }
0x1f: {  	s9 =	smul.u32 $0xF7A, s1;
	s8 =	simm.s32 @!p0 $0x1BF5;
	p2 =	por !p2, p0  }
0x20: {  	[sflag:s8] =	ssyncset.s32 @!p0 $0xFFFFF086;
	s6 =	sadd.s32 @!p0 s3, s7;
	s7 =	simm.s32 @!p0 $0x108  }
0x21: {  	s3 =	sadd.s32 s3, s9;
	s6 =	sadd.s32 @!p0 $0x88, s6;
	s7 =	simm.s32 @p2 $0x1082  }
0x22: {  	[simem:s7], [sflag:s8] =	dma.local @!p0 [hbm:s6], $0xF7A  }
0x23: {  	s9 =	sor.u32 $0xD0000000, s2;
	s6 =	simm.s32 $0x108;
	_ =	swait.ge @!p0 [sflag:s8], $0x0  }
0x24: {  	s3 =	sadd.s32 $0x88, s3;
	s6 =	simm.s32 @!p1 $0x1082;
	[sflag:s4] =	ssyncset.s32 $0xFFFFF086  }
0x25: {  	[simem:s6], [sflag:s4] =	dma.local [hbm:s3], $0xF7A  }
0x26: {  	[smem:$0x3F97] =	sst s1;
	(tag) =	ssettag s2;
	_ =	strace s9  }
0x27: {  	s1 =	sld [smem:$0x3FA7]  }
0x28: {  	s2 =	sld [smem:$0x3FA8]  }
0x29: {  	s4 =	sld [smem:$0x3FAA]  }
0x2a: {  	p0 =	seq.s32 s5, $0x0;
	s5 =	sld [smem:$0x3FAB]  }
0x2b: {  	s6 =	sld [smem:$0x3FAC]  }
0x2c: {  	s7 =	sld [smem:$0x3FAD]  }
0x2d: {  	s3 =	simm.s32 $0x108;
	s8 =	sld [smem:$0x3FAE]  }
0x2e: {  	s3 =	simm.s32 @!p0 $0x1082;
	s9 =	sld [smem:$0x3FAF]  }
0x2f: {  	lr =	sadd.s32 s0, s3;
	s0 =	sld [smem:$0x3FA6]  }
0x30: {  	s3 =	sld [smem:$0x3FA9]  }
0x31: {  	[smem:$0x3FB2] =	sst s10  }
0x32: {  	s10 =	sld [smem:$0x3FB0];
	_ =	sdelay $0x3  }
0x33: {  	p0 =	seq.s32 s10, $0x1;
	s10 =	sld [smem:$0x3FB2];
	_ =	sdelay $0x3  }
0x34: {  	[smem:$0x3FB2] =	sst s10  }
0x35: {  	s10 =	sld [smem:$0x3FB1];
	_ =	sdelay $0x3  }
0x36: {  	p1 =	seq.s32 s10, $0x1;
	s10 =	sld [smem:$0x3FB2];
	_ =	sdelay $0x3  }
0x37: {  	[smem:$0x3FB2] =	sst s10  }
0x38: {  	s10 =	sld [smem:$0x3FB3]  }
0x39: {  	_ = 	snop;
	(pc) =	sbr.ind lr, $3  }
0x3a: {  	_ = 	snop  }
0x3b: {  	_ = 	snop  }
0x3c: {  	p2 =	seq.s32 s10, $0x1;
	s10 =	sld [smem:$0x3FB2]  }
0x3d: {  	_ =	shalt  }
0x3e: {  	_ =	shalt  }
0x3f: {  	_ =	shalt  }
0x40: {  	_ =	shalt  }
0x41: {  	_ =	shalt  }
0x42: {  	_ =	shalt  }
0x43: {  	_ =	shalt  }
0x44: {  	_ =	shalt  }
0x45: {  	_ =	shalt  }
0x46: {  	_ =	shalt  }
0x47: {  	_ =	shalt  }
0x48: {  	_ =	shalt  }
0x49: {  	_ =	shalt  }
0x4a: {  	_ =	shalt  }
0x4b: {  	_ =	shalt  }
0x4c: {  	_ =	shalt  }
0x4d: {  	_ =	shalt  }
0x4e: {  	_ =	shalt  }
0x4f: {  	_ =	shalt  }
0x50: {  	_ =	shalt  }
0x51: {  	_ =	shalt  }
0x52: {  	_ =	shalt  }
0x53: {  	_ =	shalt  }
0x54: {  	_ =	shalt  }
0x55: {  	_ =	shalt  }
0x56: {  	_ =	shalt  }
0x57: {  	_ =	shalt  }
0x58: {  	_ =	shalt  }
0x59: {  	_ =	shalt  }
0x5a: {  	_ =	shalt  }
0x5b: {  	_ =	shalt  }
0x5c: {  	_ =	shalt  }
0x5d: {  	_ =	shalt  }
0x5e: {  	_ =	shalt  }
0x5f: {  	_ =	shalt  }
0x60: {  	_ =	shalt  }
0x61: {  	_ =	shalt  }
0x62: {  	_ =	shalt  }
0x63: {  	_ =	shalt  }
0x64: {  	_ =	shalt  }
0x65: {  	_ =	shalt  }
0x66: {  	_ =	shalt  }
0x67: {  	_ =	shalt  }
0x68: {  	_ =	shalt  }
0x69: {  	_ =	shalt  }
0x6a: {  	_ =	shalt  }
0x6b: {  	_ =	shalt  }
0x6c: {  	_ =	shalt  }
0x6d: {  	_ =	shalt  }
0x6e: {  	_ =	shalt  }
0x6f: {  	_ =	shalt  }
0x70: {  	_ =	shalt  }
0x71: {  	_ =	shalt  }
0x72: {  	_ =	shalt  }
0x73: {  	_ =	shalt  }
0x74: {  	_ =	shalt  }
0x75: {  	_ =	shalt  }
0x76: {  	_ =	shalt  }
0x77: {  	_ =	shalt  }
0x78: {  	_ =	shalt  }
0x79: {  	_ =	shalt  }
0x7a: {  	_ =	shalt  }
0x7b: {  	_ =	shalt  }
0x7c: {  	_ =	shalt  }
0x7d: {  	_ =	shalt  }
0x7e: {  	_ =	shalt  }
0x7f: {  	_ =	shalt  }
0x80: {  	_ =	shalt  }
0x81: {  	_ =	shalt  }
0x82: {  	_ =	shalt  }
0x83: {  	_ =	shalt  }
0x84: {  	_ =	shalt  }
0x85: {  	_ =	shalt  }
0x86: {  	_ =	shalt  }
0x87: {  	_ =	shalt  }
.Lfunc_end0:
.L_simem_size_0:
called_computation.2_lowered:
.L_overlay_start_0:
0x88: {  	s2 =	sld [smem:$0x3FD9]  }
0x89: {  	s3 =	sld [smem:$0x3FFE];
	_ =	sdelay $0x1  }
0x8a: {  	s1 =	srdreg.scid  }
0x8b: {  	s0 =	sand.u32 $0x1, s1  }
0x8c: {  	s16 =	sshll.u32 s0, $0xA;
	s2 =	sadd.s32 s3, s2  }
0x8d: {  	s2 =	sadd.s32 s2, s16  }
0x8e: {  	[smem:$0x3FBE] =	sst s2  }
0x8f: {  	_ = 	snop  }
0x90: {  	(tm) =	ssettm $0x1  }
0x91: {  	s17 =	sld [smem:$0x3FFB];
	_ =	sdelay $0x3  }
0x92: {  	_ =	strace s17  }
0x93: {  	s2 =	sld [smem:$0x3FFC];
	_ =	sdelay $0x3  }
0x94: {  	_ =	strace s2  }
0x95: {  	s2 =	sld [smem:$0x3FFD];
	_ =	sdelay $0x3  }
0x96: {  	_ =	strace s2  }
0x97: {  	_ =	strace $0x8FFFFFFF  }
0x98: {  	s18 =	sld [smem:$0x3FDB];
	_ =	sdelay $0x1  }
0x99: {  	s19 =	simm.s32 $_scs_section_size  }
0x9a: {  	s4 =	simm.s32 $_size__tile_overlayer_lowered;
	s5 =	simm.s32 $_tile_overlayer_lowered  }
0x9b: {  	s22 =	simm.s32 $0x1BFF;
	s21 =	sshll.u32 s5, $0x1;
	s2 =	sadd.s32 s19, s18  }
0x9c: {  	s6 =	simm.s32 $0x0;
	s20 =	sshll.u32 s4, $0x1;
	s4 =	sadd.s32 s21, s2  }
0x9d: {  	[timem:s6], [sflag:s22] =	dma.local [hbm:s4], s20  }
0x9e: {  	_ =	swait.ge [sflag:s22], s20  }
0x9f: {  	s3 =	ssub.s32 $0x0, s20;
	[sflag:s22] =	ssyncset.done $0x0  }
0xa0: {  	[sflag:s22] =	ssyncadd.s32 s3;
	_ =	sdelay $0x1  }
0xa1: {  	s23 =	simm.s32 $0x1B8B  }
0xa2: {  	_ =	swait.ge [sflag:s23], $0x1  }
0xa3: {  	[sflag:s23] =	ssyncset.done $0x0  }
0xa4: {  	s25 =	simm.s32 $0x1B8E;
	s24 =	sld [smem:$0x3FFE];
	[sflag:s23] =	ssyncadd.s32 $0xFFFFFFFF  }
0xa5: {  	s26 =	simm.s32 $execute0_lowered;
	[smem:$0x3FD2] =	sst s25  }
0xa6: {  	s4 =	sshll.u32 s26, $0x1;
	_ =	strace $0x8000004C;
	[dreg:$0x1] =	wrdreg $0xFFFFFFFF  }
0xa7: {  	s28 =	simm.s32 $_size_execute0_lowered;
	s2 =	sadd.s32 s2, s4;
	[dreg:$0x0] =	wrdreg $0x0  }
0xa8: {  	s4 =	sshll.u32 s28, $0x1;
	[dreg:$0x2] =	wrdreg s2  }
0xa9: {  	[dreg:$0x3] =	wrdreg s4  }
0xaa: {  	[dreg:$0x4] =	wrdreg $0xC0  }
0xab: {  	_ =	task [dreg:s6], $0x5FFFF  }
0xac: {  	[dreg:$0x1] =	wrdreg $0xFFFFFFFF  }
0xad: {  	[dreg:$0x0] =	wrdreg $0x60  }
0xae: {  	[dreg:$0x2] =	wrdreg s24  }
0xaf: {  	[dreg:$0x3] =	wrdreg $0x83000  }
0xb0: {  	[dreg:$0x4] =	wrdreg $0x9  }
0xb1: {  	_ =	task.clear_ibuf [dreg:s6], $0x5FFFF;
	_ =	strace $0x9000004C  }
0xb2: {  	s29 =	simm.s32 $0x9;
	_ =	strace $0x8000004E  }
0xb3: {  	_ =	swait.ge [sflag:s29], $0x1  }
0xb4: {  	[sflag:s29] =	ssyncadd.s32 $0xFFFFFFFF  }
0xb5: {  	_ =	strace $0x9000004E  }
0xb6: {  	_ =	sfence  }
0xb7: {  	s30 =	sld [smem:$0x0];
	_ =	sdelay $0x2  }
0xb8: {  	s31 =	sshll.u32 s1, $0xD;
	s1 =	sshrl.u32 s1, $0x2  }
0xb9: {  	s3 =	sand.u32 $0x4000, s31;
	s1 =	sadd.s32 s1, s30  }
0xba: {  	s0 =	sor.u32 s3, s0;
	s1 =	sshll.u32 s1, $0x11  }
0xbb: {  	s0 =	sor.u32 s1, s0  }
0xbc: {  	s0 =	sadd.s32 $0x8F2B, s0  }
0xbd: {  	[sflag:s0] =	ssyncadd.remote.s32 $0x1  }
0xbe: {  	_ =	sfence.sel $0xFFFF  }
0xbf: {  	[dreg:$0x0] =	wrdreg $0xFFFFFFFF;
	(pc) =	sbr.abs _section_cstart, $3  }
0xc0: {  	[dreg:$0x1] =	wrdreg $0xFFFFFFFF  }
0xc1: {  	_ =	task.clear_ibuf [dreg:s6], $0x2FFFF;
	_ =	strace $0x9FFFFFFF  }
0xc2: {  	(tm) =	ssettm $0x7FFFFFFF  }
0xc3: {  	_ =	shalt  }
tec
execute0_lowered:
.L_overlay_start_1:
0x0: {  	(tag) =	ssettag $0x1  }
0x1: {  	s0 =	rddreg [dreg:$0x0]  }
0x2: {  	s1 =	rddreg [dreg:$0x1];
	s2 =	srdreg.scid;
	s3 =	simm.s32 $0x0  }
0x3: {  	s13 =	stileid.u32;
	s28 =	simm.s32 $0x100;
	s29 =	simm.s32 $0x280  }
0x4: {  	s30 =	simm.s32 $0x2;
	s31 =	simm.s32 $0x4300;
	s7 =	smul.u32 $0x14000, s13  }
0x5: {  	s2 =	sand.u32 $0x1, s2;
	[smem:$0x7FF] =	sst s3;
	s17 =	smul.u32 $0x50000, s13  }
0x6: {  	s4 =	sadd.s32 $0x17400, s0;
	s8 =	sshll.u32 s13, $0x1;
	s12 =	smul.u32 $0x4E00, s13  }
0x7: {  	s5 =	sadd.s32 $0x3800, s0;
	p0 =	sgt.u32 s13, $0x1;
	s6 =	smul.u32 $0x140000, s2  }
0x8: {  	s26 =	sor.u32 s2, s8;
	s9 =	ssub.s32 $0x2, s2;
	s2 =	smul.u32 $0x2700, s2  }
0x9: {  	_ =	strace $0x8000004D;
	s10 =	smul.u32 $0x2700, s26;
	s15 =	sshrl.u32 s9, $0x1  }
0xa: {  	s6 =	sadd.s32 s7, s6;
	s8 =	ssub.s32 s9, s15;
	s2 =	sadd.s32 s2, s12  }
0xb: {  	s7 =	sshll.u32 s26, $0x4;
	s14 =	sshrl.u32 s6, $0x3;
	s16 =	sshrl.u32 s10, $0x3  }
0xc: {  	s6 =	sadd.s32 $0xD600, s0;
	s10 =	sshrl.u32 s17, $0x2;
	s11 =	sadd.s32 s5, s16  }
0xd: {  	s7 =	sor.u32 $0x9C00, s7;
	s18 =	sadd.s32 s6, s16;
	[dreg:$0xd] =	wrdreg s11  }
0xe: {  	s23 =	sadd.s32 $0x380, s2;
	s24 =	sadd.s32 s5, s7;
	[dreg:$0xe] =	wrdreg s18  }
0xf: {  	s9 =	sor.u32 $0x10, s16;
	s7 =	sadd.s32 s6, s7;
	[dreg:$0x15] =	wrdreg s24  }
0x10: {  	s12 =	sadd.s32 $0x280, s2;
	s19 =	sadd.s32 s5, s9;
	[dreg:$0x16] =	wrdreg s7  }
0x11: {  	s26 =	sshrl.u32 s12, $0x3;
	s9 =	sadd.s32 s6, s9;
	[dreg:$0xf] =	wrdreg s19  }
0x12: {  	s0 =	sadd.s32 s14, s0;
	s12 =	sadd.s32 s26, s6;
	[dreg:$0x10] =	wrdreg s9  }
0x13: {  	s11 =	sadd.s32 s10, s1;
	s15 =	sadd.s32 s26, s5;
	[dreg:$0x5] =	wrdreg s12  }
0x14: {  	s14 =	sadd.s32 $0x200, s2;
	s20 =	sadd.s32 $0x4000, s11;
	[dreg:$0x6] =	wrdreg s15  }
0x15: {  	s16 =	sshrl.u32 s14, $0x3;
	s21 =	sadd.s32 $0x8000, s11;
	[dreg:$0x11] =	wrdreg s20  }
0x16: {  	s18 =	sadd.s32 $0x180, s2;
	s22 =	sadd.s32 $0xC000, s11;
	[dreg:$0x12] =	wrdreg s21  }
0x17: {  	s7 =	simm.s32 $0x5;
	s10 =	sadd.s32 $0x10000, s11;
	[dreg:$0x13] =	wrdreg s22  }
0x18: {  	s9 =	sshrl.u32 s23, $0x3;
	s17 =	sadd.s32 s16, s6;
	[dreg:$0x14] =	wrdreg s10  }
0x19: {  	s19 =	sadd.s32 s16, s5;
	s25 =	sadd.s32 s9, s6;
	[dreg:$0x7] =	wrdreg s17  }
0x1a: {  	s9 =	sadd.s32 s9, s5;
	s20 =	sshrl.u32 s18, $0x3;
	[dreg:$0x8] =	wrdreg s19  }
0x1b: {  	s22 =	sadd.s32 $0x100, s2;
	s18 =	sadd.s32 $0x8F400, s0;
	s19 =	smax.u32 s8, $0x1  }
0x1c: {  	s10 =	sadd.s32 $0x300, s2;
	s0 =	simm.s32 $0x4;
	[dreg:$0x3] =	wrdreg s25  }
0x1d: {  	s2 =	simm.s32 $0x3;
	[dreg:$0x4] =	wrdreg s9;
	s21 =	sadd.s32 s20, s6  }
0x1e: {  	s8 =	simm.s32 $0x0;
	s23 =	sadd.s32 s20, s5;
	[dreg:$0x9] =	wrdreg s21  }
0x1f: {  	s24 =	sshrl.u32 s22, $0x3;
	s22 =	simm.s32 $0x80;
	[dreg:$0xa] =	wrdreg s23  }
0x20: {  	s25 =	sadd.s32 s24, s6;
	s26 =	sadd.s32 s24, s5;
	s21 =	simm.s32 $0x180  }
0x21: {  	s23 =	simm.s32 $0x200;
	s24 =	simm.s32 $0x300;
	[dreg:$0xb] =	wrdreg s25  }
0x22: {  	v0 =	vimm.f32 $0.0e+00;
	[dreg:$0xc] =	wrdreg s26;
	s25 =	simm.s32 $0x6;
	s26 =	simm.s32 $0x1  }
.LBB2_1:
0x23: {  	s9 =	rddreg [dreg:$0xd]  }
0x24: {  	[tilespmem:s3], [sflag:$0x1] =	stream.linear.gather [hbm4b:s9+s3], $0x80, $0x38;
	[tilespmem:$0x1C300] =	vst v63  }
0x25: {  	s16 =	rddreg [dreg:$0xe]  }
0x26: {  	[tilespmem:s21], [sflag:$0x1] =	stream.linear.gather [hbm4b:s16+s3], $0x80, $0x38;
	[tilespmem:$0x1C300] =	vst v63  }
0x27: {  	s17 =	rddreg [dreg:$0xf]  }
0x28: {  	[tilespmem:s22], [sflag:$0x2] =	stream.linear.gather [hbm4b:s17+s3], $0x80, $0x38;
	[tilespmem:$0x1C300] =	vst v63  }
0x29: {  	s20 =	rddreg [dreg:$0x10];
	s12 =	simm.s32 $0x200;
	s9 =	simm.s32 $0x0  }
0x2a: {  	[tilespmem:s23], [sflag:$0x2] =	stream.linear.gather [hbm4b:s20+s3], $0x80, $0x38;
	[tilespmem:$0x1C300] =	vst v63  }
.LBB2_2:
0x2b: {  	p1 =	sne.s32 s12, $0xFE00;
	[tilespmem:s9+$0x370] =	vst v0  }
0x2c: {  	[tilespmem:s9+$0x300] =	vst v0  }
0x2d: {  	[tilespmem:s9+$0x310] =	vst v0  }
.Ltmp0:
0x2e: {  	[tilespmem:s9+$0x320] =	vst v0;
	(pc) =	sbr.rel @p1 .LBB2_2-.Ltmp0, $4  }
0x2f: {  	[tilespmem:s9+$0x330] =	vst v0  }
0x30: {  	[tilespmem:s9+$0x340] =	vst v0  }
0x31: {  	[tilespmem:s9+$0x350] =	vst v0  }
0x32: {  	[tilespmem:s9+$0x360] =	vst v0;
	s9 =	sshra.s32 s12, $0x2;
	s12 =	sadd.s32 $0x200, s12  }
0x33: {  	[tilespmem:s9+$0x370] =	vst v0  }
0x34: {  	[tilespmem:s9+$0x300] =	vst v0  }
0x35: {  	[tilespmem:s9+$0x310] =	vst v0  }
0x36: {  	[tilespmem:s9+$0x320] =	vst v0  }
0x37: {  	[tilespmem:s9+$0x330] =	vst v0  }
0x38: {  	[tilespmem:s9+$0x340] =	vst v0  }
0x39: {  	[tilespmem:s9+$0x350] =	vst v0  }
0x3a: {  	[tilespmem:s9+$0x360] =	vst v0  }
0x3b: {  	[spmem:s11] =	stream.linear.scatter [tilespmem:s24], [sflag:$0x6], $0x4000, $0x38;
	[tilespmem:$0x1C300] =	vst v63  }
0x3c: {  	_ =	swait.ge [sflag:s25], $0x4000  }
0x3d: {  	[sflag:s25] =	ssyncset.done $0x0  }
0x3e: {  	s17 =	rddreg [dreg:$0x11];
	[sflag:s25] =	ssyncadd.s32 $0xFFFFC000  }
0x3f: {  	[spmem:s17] =	stream.linear.scatter [tilespmem:s24], [sflag:$0x6], $0x4000, $0x38;
	[tilespmem:$0x1C300] =	vst v63  }
0x40: {  	_ =	swait.ge [sflag:s25], $0x4000  }
0x41: {  	[sflag:s25] =	ssyncset.done $0x0  }
0x42: {  	s20 =	rddreg [dreg:$0x12];
	[sflag:s25] =	ssyncadd.s32 $0xFFFFC000  }
0x43: {  	[spmem:s20] =	stream.linear.scatter [tilespmem:s24], [sflag:$0x6], $0x4000, $0x38;
	[tilespmem:$0x1C300] =	vst v63  }
0x44: {  	_ =	swait.ge [sflag:s25], $0x4000  }
0x45: {  	[sflag:s25] =	ssyncset.done $0x0  }
0x46: {  	s12 =	rddreg [dreg:$0x13];
	[sflag:s25] =	ssyncadd.s32 $0xFFFFC000  }
0x47: {  	[spmem:s12] =	stream.linear.scatter [tilespmem:s24], [sflag:$0x6], $0x4000, $0x38;
	[tilespmem:$0x1C300] =	vst v63  }
0x48: {  	_ =	swait.ge [sflag:s25], $0x4000  }
0x49: {  	[sflag:s25] =	ssyncset.done $0x0  }
0x4a: {  	s13 =	rddreg [dreg:$0x14];
	[sflag:s25] =	ssyncadd.s32 $0xFFFFC000  }
0x4b: {  	[spmem:s13] =	stream.linear.scatter [tilespmem:s24], [sflag:$0x6], $0x4000, $0x38;
	[tilespmem:$0x1C300] =	vst v63  }
0x4c: {  	_ =	swait.ge [sflag:s25], $0x4000  }
0x4d: {  	[sflag:s25] =	ssyncset.done $0x0  }
0x4e: {  	[sflag:s25] =	ssyncadd.s32 $0xFFFFC000  }
0x4f: {  	_ =	swait.ge [sflag:s26], $0x80  }
0x50: {  	[sflag:s26] =	ssyncset.done $0x0  }
0x51: {  	[sflag:s26] =	ssyncadd.s32 $0xFFFFFF80  }
0x52: {  	_ =	swait.ge [sflag:s26], $0x80  }
0x53: {  	[sflag:s26] =	ssyncset.done $0x0  }
0x54: {  	s14 =	simm.s32 $0x0;
	[sflag:s26] =	ssyncadd.s32 $0xFFFFFF80  }
0x55: {  	[tilespmem:s24], [sflag:$0x4] =	stream.indirect.gather [hbm4b:s4+s22], $0x80, s14, s22, $0xb8;
	[tilespmem:$0x1C300] =	vst v63  }
0x56: {  	[bflag:$0x0] =	sbarrier.arrive $0xFFFF  }
0x57: {  	s15 =	rddreg [dreg:$0xc]  }
0x58: {  	s12 =	rddreg [dreg:$0xb];
	s9 =	sadd.s32 $0x0, s15  }
0x59: {  	[tilespmem:s28], [sflag:$0x3] =	stream.linear.gather [hbm4b:s9+s3], $0x80, $0x38;
	[tilespmem:$0x1C300] =	vst v63  }
0x5a: {  	s16 =	sadd.s32 $0x0, s12  }
0x5b: {  	[tilespmem:s29], [sflag:$0x3] =	stream.linear.gather [hbm4b:s16+s3], $0x80, $0x38;
	[tilespmem:$0x1C300] =	vst v63  }
0x5c: {  	_ =	swait.ge [sflag:s30], $0x80  }
0x5d: {  	[sflag:s30] =	ssyncset.done $0x0  }
0x5e: {  	[sflag:s30] =	ssyncadd.s32 $0xFFFFFF80  }
0x5f: {  	_ =	swait.ge [sflag:s30], $0x80  }
0x60: {  	[sflag:s30] =	ssyncset.done $0x0  }
0x61: {  	[sflag:s30] =	ssyncadd.s32 $0xFFFFFF80  }
0x62: {  	[tilespmem:s31], [sflag:$0x5] =	stream.indirect.gather [hbm4b:s4+s22], $0x80, s22, s22, $0xb8;
	[tilespmem:$0x1C300] =	vst v63  }
0x63: {  	_ =	swait.ge [sflag:s0], $0x4000  }
0x64: {  	[sflag:s0] =	ssyncset.done $0x0  }
0x65: {  	[sflag:s0] =	ssyncadd.s32 $0xFFFFC000  }
0x66: {  	[spmem:s1] =	stream.indirect.scatter.add.f32 [tilespmem:s24], [sflag:$0x6], $0x80, s21, s22, $0xb8;
	[tilespmem:$0x1C300] =	vst v63  }
0x67: {  	_ =	swait.ge [sflag:s25], $0x4000  }
0x68: {  	s17 =	rddreg [dreg:$0xa];
	[sflag:s25] =	ssyncset.done $0x0  }
0x69: {  	s20 =	rddreg [dreg:$0x9];
	[sflag:s25] =	ssyncadd.s32 $0xFFFFC000;
	s9 =	sadd.s32 $0x0, s17  }
0x6a: {  	[tilespmem:s3], [sflag:$0x1] =	stream.linear.gather [hbm4b:s9+s3], $0x80, $0x38;
	[tilespmem:$0x1C300] =	vst v63  }
0x6b: {  	s12 =	sadd.s32 $0x0, s20  }
0x6c: {  	[tilespmem:s21], [sflag:$0x1] =	stream.linear.gather [hbm4b:s12+s3], $0x80, $0x38;
	[tilespmem:$0x1C300] =	vst v63  }
0x6d: {  	_ =	swait.ge [sflag:s2], $0x80  }
0x6e: {  	[sflag:s2] =	ssyncset.done $0x0  }
0x6f: {  	[sflag:s2] =	ssyncadd.s32 $0xFFFFFF80  }
0x70: {  	_ =	swait.ge [sflag:s2], $0x80  }
0x71: {  	[sflag:s2] =	ssyncset.done $0x0  }
0x72: {  	[sflag:s2] =	ssyncadd.s32 $0xFFFFFF80  }
0x73: {  	[tilespmem:s24], [sflag:$0x4] =	stream.indirect.gather [hbm4b:s4+s22], $0x80, s28, s22, $0xb8;
	[tilespmem:$0x1C300] =	vst v63  }
0x74: {  	_ =	swait.ge [sflag:s7], $0x4000  }
0x75: {  	[sflag:s7] =	ssyncset.done $0x0  }
0x76: {  	[sflag:s7] =	ssyncadd.s32 $0xFFFFC000  }
0x77: {  	[spmem:s1] =	stream.indirect.scatter.add.f32 [tilespmem:s31], [sflag:$0x6], $0x80, s23, s22, $0xb8;
	[tilespmem:$0x1C300] =	vst v63  }
0x78: {  	_ =	swait.ge [sflag:s25], $0x4000  }
0x79: {  	s13 =	rddreg [dreg:$0x8];
	[sflag:s25] =	ssyncset.done $0x0  }
0x7a: {  	s14 =	rddreg [dreg:$0x7];
	[sflag:s25] =	ssyncadd.s32 $0xFFFFC000;
	s9 =	sadd.s32 $0x0, s13  }
0x7b: {  	[tilespmem:s22], [sflag:$0x2] =	stream.linear.gather [hbm4b:s9+s3], $0x80, $0x38;
	[tilespmem:$0x1C300] =	vst v63  }
0x7c: {  	s15 =	sadd.s32 $0x0, s14  }
0x7d: {  	[tilespmem:s23], [sflag:$0x2] =	stream.linear.gather [hbm4b:s15+s3], $0x80, $0x38;
	[tilespmem:$0x1C300] =	vst v63  }
0x7e: {  	_ =	swait.ge [sflag:s26], $0x80  }
0x7f: {  	[sflag:s26] =	ssyncset.done $0x0  }
0x80: {  	[sflag:s26] =	ssyncadd.s32 $0xFFFFFF80  }
0x81: {  	_ =	swait.ge [sflag:s26], $0x80  }
0x82: {  	[sflag:s26] =	ssyncset.done $0x0  }
0x83: {  	[sflag:s26] =	ssyncadd.s32 $0xFFFFFF80  }
0x84: {  	[tilespmem:s31], [sflag:$0x5] =	stream.indirect.gather [hbm4b:s4+s22], $0x80, s3, s22, $0xb8;
	[tilespmem:$0x1C300] =	vst v63  }
0x85: {  	_ =	swait.ge [sflag:s0], $0x4000  }
0x86: {  	[sflag:s0] =	ssyncset.done $0x0  }
0x87: {  	[sflag:s0] =	ssyncadd.s32 $0xFFFFC000  }
0x88: {  	[spmem:s1] =	stream.indirect.scatter.add.f32 [tilespmem:s24], [sflag:$0x6], $0x80, s29, s22, $0xb8;
	[tilespmem:$0x1C300] =	vst v63  }
0x89: {  	_ =	swait.ge [sflag:s25], $0x4000  }
0x8a: {  	s16 =	rddreg [dreg:$0x6];
	[sflag:s25] =	ssyncset.done $0x0  }
0x8b: {  	s17 =	rddreg [dreg:$0x5];
	[sflag:s25] =	ssyncadd.s32 $0xFFFFC000;
	s9 =	sadd.s32 $0x0, s16  }
0x8c: {  	[tilespmem:s28], [sflag:$0x3] =	stream.linear.gather [hbm4b:s9+s3], $0x80, $0x38;
	[tilespmem:$0x1C300] =	vst v63  }
0x8d: {  	s20 =	sadd.s32 $0x0, s17  }
0x8e: {  	[tilespmem:s29], [sflag:$0x3] =	stream.linear.gather [hbm4b:s20+s3], $0x80, $0x38;
	[tilespmem:$0x1C300] =	vst v63  }
0x8f: {  	_ =	swait.ge [sflag:s30], $0x80  }
0x90: {  	[sflag:s30] =	ssyncset.done $0x0  }
0x91: {  	[sflag:s30] =	ssyncadd.s32 $0xFFFFFF80  }
0x92: {  	_ =	swait.ge [sflag:s30], $0x80  }
0x93: {  	[sflag:s30] =	ssyncset.done $0x0  }
0x94: {  	[sflag:s30] =	ssyncadd.s32 $0xFFFFFF80  }
0x95: {  	[tilespmem:s24], [sflag:$0x4] =	stream.indirect.gather [hbm4b:s4+s22], $0x80, s22, s22, $0xb8;
	[tilespmem:$0x1C300] =	vst v63  }
0x96: {  	_ =	swait.ge [sflag:s7], $0x4000  }
0x97: {  	[sflag:s7] =	ssyncset.done $0x0  }
0x98: {  	[sflag:s7] =	ssyncadd.s32 $0xFFFFC000  }
0x99: {  	[spmem:s1] =	stream.indirect.scatter.add.f32 [tilespmem:s31], [sflag:$0x6], $0x80, s21, s22, $0xb8;
	[tilespmem:$0x1C300] =	vst v63  }
0x9a: {  	p1 =	por $0x0, $0x0;
	_ =	swait.ge [sflag:s25], $0x4000  }
0x9b: {  	s9 =	sshrl.u32 @!p1 s10, $0x3;
	[sflag:s25] =	ssyncset.done $0x0  }
0x9c: {  	s13 =	simm.s32 @!p1 $0x0;
	s12 =	sadd.s32 @!p1 s5, s9;
	[sflag:s25] =	ssyncadd.s32 $0xFFFFC000  }
0x9d: {  	[tilespmem:s13], [sflag:$0x1] =	stream.linear.gather @!p1 [hbm4b:s12+s13], $0x80, $0x38;
	[tilespmem:$0x1C300] =	vst v63  }
0x9e: {  	s9 =	sadd.s32 @!p1 s6, s9;
	s12 =	simm.s32 @!p1 $0x180  }
0x9f: {  	[tilespmem:s12], [sflag:$0x1] =	stream.linear.gather @!p1 [hbm4b:s9+s13], $0x80, $0x38;
	[tilespmem:$0x1C300] =	vst v63  }
0xa0: {  	_ =	swait.ge [sflag:s2], $0x80  }
0xa1: {  	[sflag:s2] =	ssyncset.done $0x0  }
0xa2: {  	[sflag:s2] =	ssyncadd.s32 $0xFFFFFF80  }
0xa3: {  	_ =	swait.ge [sflag:s2], $0x80  }
0xa4: {  	[sflag:s2] =	ssyncset.done $0x0  }
0xa5: {  	[sflag:s2] =	ssyncadd.s32 $0xFFFFFF80  }
0xa6: {  	[tilespmem:s31], [sflag:$0x5] =	stream.indirect.gather [hbm4b:s4+s22], $0x80, s28, s22, $0xb8;
	[tilespmem:$0x1C300] =	vst v63  }
0xa7: {  	_ =	swait.ge [sflag:s0], $0x4000  }
0xa8: {  	[sflag:s0] =	ssyncset.done $0x0  }
0xa9: {  	[sflag:s0] =	ssyncadd.s32 $0xFFFFC000  }
0xaa: {  	[spmem:s1] =	stream.indirect.scatter.add.f32 [tilespmem:s24], [sflag:$0x6], $0x80, s23, s22, $0xb8;
	[tilespmem:$0x1C300] =	vst v63  }
0xab: {  	_ =	swait.ge [sflag:s25], $0x4000  }
0xac: {  	s14 =	simm.s32 @!p1 $0x80;
	s9 =	rddreg [dreg:$0x4];
	[sflag:s25] =	ssyncset.done $0x0  }
0xad: {  	s12 =	rddreg [dreg:$0x3];
	[sflag:s25] =	ssyncadd.s32 $0xFFFFC000;
	s9 =	sadd.s32 @!p1 $0x0, s9  }
0xae: {  	[tilespmem:s14], [sflag:$0x2] =	stream.linear.gather @!p1 [hbm4b:s9+s13], $0x80, $0x38;
	[tilespmem:$0x1C300] =	vst v63  }
0xaf: {  	s9 =	sadd.s32 @!p1 $0x0, s12;
	s12 =	simm.s32 @!p1 $0x200  }
0xb0: {  	[tilespmem:s12], [sflag:$0x2] =	stream.linear.gather @!p1 [hbm4b:s9+s13], $0x80, $0x38;
	[tilespmem:$0x1C300] =	vst v63  }
0xb1: {  	s9 =	simm.s32 @!p1 $0x1  }
0xb2: {  	_ =	swait.ge @!p1 [sflag:s9], $0x80  }
0xb3: {  	[sflag:s9] =	ssyncset.done @!p1 $0x0  }
0xb4: {  	[sflag:s9] =	ssyncadd.s32 @!p1 $0xFFFFFF80  }
0xb5: {  	_ =	swait.ge @!p1 [sflag:s9], $0x80  }
0xb6: {  	[sflag:s9] =	ssyncset.done @!p1 $0x0  }
0xb7: {  	[sflag:s9] =	ssyncadd.s32 @!p1 $0xFFFFFF80;
	s9 =	simm.s32 @!p1 $0x300  }
0xb8: {  	[tilespmem:s9], [sflag:$0x4] =	stream.indirect.gather @!p1 [hbm4b:s4+s14], $0x80, s13, s14, $0xb8;
	[tilespmem:$0x1C300] =	vst v63  }
0xb9: {  	_ =	swait.ge [sflag:s7], $0x4000  }
0xba: {  	[sflag:s7] =	ssyncset.done $0x0  }
0xbb: {  	[sflag:s7] =	ssyncadd.s32 $0xFFFFC000  }
0xbc: {  	[spmem:s1] =	stream.indirect.scatter.add.f32 [tilespmem:s31], [sflag:$0x6], $0x80, s29, s22, $0xb8;
	[tilespmem:$0x1C300] =	vst v63  }
0xbd: {  	s20 =	smov.u32 s10;
	s12 =	simm.s32 $0xC0;
	_ =	swait.ge [sflag:s25], $0x4000  }
0xbe: {  	s9 =	simm.s32 $0x60;
	s14 =	rddreg [dreg:$0xc];
	[sflag:s25] =	ssyncset.done $0x0  }
.LBB2_4:
0xbf: {  	[sflag:s25] =	ssyncadd.s32 $0xFFFFC000;
	s15 =	rddreg [dreg:$0xb];
	s14 =	sadd.s32 s9, s14  }
0xc0: {  	[tilespmem:s28], [sflag:$0x3] =	stream.linear.gather [hbm4b:s14+s3], $0x80, $0x38;
	[tilespmem:$0x1C300] =	vst v63  }
0xc1: {  	s17 =	sadd.s32 s9, s15  }
0xc2: {  	[tilespmem:s29], [sflag:$0x3] =	stream.linear.gather [hbm4b:s17+s3], $0x80, $0x38;
	[tilespmem:$0x1C300] =	vst v63  }
0xc3: {  	_ =	swait.ge [sflag:s30], $0x80  }
0xc4: {  	[sflag:s30] =	ssyncset.done $0x0  }
0xc5: {  	[sflag:s30] =	ssyncadd.s32 $0xFFFFFF80  }
0xc6: {  	_ =	swait.ge [sflag:s30], $0x80  }
0xc7: {  	[sflag:s30] =	ssyncset.done $0x0  }
0xc8: {  	[sflag:s30] =	ssyncadd.s32 $0xFFFFFF80  }
0xc9: {  	[tilespmem:s31], [sflag:$0x5] =	stream.indirect.gather [hbm4b:s4+s22], $0x80, s22, s22, $0xb8;
	[tilespmem:$0x1C300] =	vst v63  }
0xca: {  	_ =	swait.ge [sflag:s0], $0x4000  }
0xcb: {  	[sflag:s0] =	ssyncset.done $0x0  }
0xcc: {  	[sflag:s0] =	ssyncadd.s32 $0xFFFFC000  }
0xcd: {  	[spmem:s1] =	stream.indirect.scatter.add.f32 [tilespmem:s24], [sflag:$0x6], $0x80, s21, s22, $0xb8;
	[tilespmem:$0x1C300] =	vst v63  }
0xce: {  	_ =	swait.ge [sflag:s25], $0x4000  }
0xcf: {  	s15 =	rddreg [dreg:$0xa];
	[sflag:s25] =	ssyncset.done $0x0  }
0xd0: {  	s16 =	rddreg [dreg:$0x9];
	[sflag:s25] =	ssyncadd.s32 $0xFFFFC000;
	s14 =	sadd.s32 s9, s15  }
0xd1: {  	[tilespmem:s3], [sflag:$0x1] =	stream.linear.gather [hbm4b:s14+s3], $0x80, $0x38;
	[tilespmem:$0x1C300] =	vst v63  }
0xd2: {  	s17 =	sadd.s32 s9, s16  }
0xd3: {  	[tilespmem:s21], [sflag:$0x1] =	stream.linear.gather [hbm4b:s17+s3], $0x80, $0x38;
	[tilespmem:$0x1C300] =	vst v63  }
0xd4: {  	_ =	swait.ge [sflag:s2], $0x80  }
0xd5: {  	[sflag:s2] =	ssyncset.done $0x0  }
0xd6: {  	[sflag:s2] =	ssyncadd.s32 $0xFFFFFF80  }
0xd7: {  	_ =	swait.ge [sflag:s2], $0x80  }
0xd8: {  	[sflag:s2] =	ssyncset.done $0x0  }
0xd9: {  	[sflag:s2] =	ssyncadd.s32 $0xFFFFFF80  }
0xda: {  	[tilespmem:s24], [sflag:$0x4] =	stream.indirect.gather [hbm4b:s4+s22], $0x80, s28, s22, $0xb8;
	[tilespmem:$0x1C300] =	vst v63  }
0xdb: {  	_ =	swait.ge [sflag:s7], $0x4000  }
0xdc: {  	[sflag:s7] =	ssyncset.done $0x0  }
0xdd: {  	[sflag:s7] =	ssyncadd.s32 $0xFFFFC000  }
0xde: {  	[spmem:s1] =	stream.indirect.scatter.add.f32 [tilespmem:s31], [sflag:$0x6], $0x80, s23, s22, $0xb8;
	[tilespmem:$0x1C300] =	vst v63  }
0xdf: {  	_ =	swait.ge [sflag:s25], $0x4000  }
0xe0: {  	s15 =	rddreg [dreg:$0x8];
	[sflag:s25] =	ssyncset.done $0x0  }
0xe1: {  	s16 =	rddreg [dreg:$0x7];
	[sflag:s25] =	ssyncadd.s32 $0xFFFFC000;
	s14 =	sadd.s32 s9, s15  }
0xe2: {  	[tilespmem:s22], [sflag:$0x2] =	stream.linear.gather [hbm4b:s14+s3], $0x80, $0x38;
	[tilespmem:$0x1C300] =	vst v63  }
0xe3: {  	s17 =	sadd.s32 s9, s16  }
0xe4: {  	[tilespmem:s23], [sflag:$0x2] =	stream.linear.gather [hbm4b:s17+s3], $0x80, $0x38;
	[tilespmem:$0x1C300] =	vst v63  }
0xe5: {  	_ =	swait.ge [sflag:s26], $0x80  }
0xe6: {  	[sflag:s26] =	ssyncset.done $0x0  }
0xe7: {  	[sflag:s26] =	ssyncadd.s32 $0xFFFFFF80  }
0xe8: {  	_ =	swait.ge [sflag:s26], $0x80  }
0xe9: {  	[sflag:s26] =	ssyncset.done $0x0  }
0xea: {  	[sflag:s26] =	ssyncadd.s32 $0xFFFFFF80  }
0xeb: {  	[tilespmem:s31], [sflag:$0x5] =	stream.indirect.gather [hbm4b:s4+s22], $0x80, s3, s22, $0xb8;
	[tilespmem:$0x1C300] =	vst v63  }
0xec: {  	_ =	swait.ge [sflag:s0], $0x4000  }
0xed: {  	[sflag:s0] =	ssyncset.done $0x0  }
0xee: {  	[sflag:s0] =	ssyncadd.s32 $0xFFFFC000  }
0xef: {  	[spmem:s1] =	stream.indirect.scatter.add.f32 [tilespmem:s24], [sflag:$0x6], $0x80, s29, s22, $0xb8;
	[tilespmem:$0x1C300] =	vst v63  }
0xf0: {  	_ =	swait.ge [sflag:s25], $0x4000  }
0xf1: {  	s15 =	rddreg [dreg:$0x6];
	[sflag:s25] =	ssyncset.done $0x0  }
0xf2: {  	s16 =	rddreg [dreg:$0x5];
	[sflag:s25] =	ssyncadd.s32 $0xFFFFC000;
	s14 =	sadd.s32 s9, s15  }
0xf3: {  	[tilespmem:s28], [sflag:$0x3] =	stream.linear.gather [hbm4b:s14+s3], $0x80, $0x38;
	[tilespmem:$0x1C300] =	vst v63  }
0xf4: {  	s17 =	sadd.s32 s9, s16  }
0xf5: {  	[tilespmem:s29], [sflag:$0x3] =	stream.linear.gather [hbm4b:s17+s3], $0x80, $0x38;
	[tilespmem:$0x1C300] =	vst v63  }
0xf6: {  	_ =	swait.ge [sflag:s30], $0x80  }
0xf7: {  	[sflag:s30] =	ssyncset.done $0x0  }
0xf8: {  	[sflag:s30] =	ssyncadd.s32 $0xFFFFFF80  }
0xf9: {  	_ =	swait.ge [sflag:s30], $0x80  }
0xfa: {  	[sflag:s30] =	ssyncset.done $0x0  }
0xfb: {  	[sflag:s30] =	ssyncadd.s32 $0xFFFFFF80  }
0xfc: {  	[tilespmem:s24], [sflag:$0x4] =	stream.indirect.gather [hbm4b:s4+s22], $0x80, s22, s22, $0xb8;
	[tilespmem:$0x1C300] =	vst v63  }
0xfd: {  	_ =	swait.ge [sflag:s7], $0x4000  }
0xfe: {  	[sflag:s7] =	ssyncset.done $0x0  }
0xff: {  	[sflag:s7] =	ssyncadd.s32 $0xFFFFC000  }
0x100: {  	[spmem:s1] =	stream.indirect.scatter.add.f32 [tilespmem:s31], [sflag:$0x6], $0x80, s21, s22, $0xb8;
	[tilespmem:$0x1C300] =	vst v63  }
0x101: {  	s20 =	sadd.s32 $0x300, s20;
	p2 =	seq.s32 s9, $0x480;
	_ =	swait.ge [sflag:s25], $0x4000  }
0x102: {  	s15 =	sshrl.u32 @!p2 s20, $0x3;
	[sflag:s25] =	ssyncset.done $0x0  }
0x103: {  	s16 =	sadd.s32 @!p2 s5, s15;
	s14 =	simm.s32 @!p2 $0x0;
	[sflag:s25] =	ssyncadd.s32 $0xFFFFC000  }
0x104: {  	[tilespmem:s14], [sflag:$0x1] =	stream.linear.gather @!p2 [hbm4b:s16+s14], $0x80, $0x38;
	[tilespmem:$0x1C300] =	vst v63  }
0x105: {  	s15 =	sadd.s32 @!p2 s6, s15;
	s16 =	simm.s32 @!p2 $0x180  }
0x106: {  	[tilespmem:s16], [sflag:$0x1] =	stream.linear.gather @!p2 [hbm4b:s15+s14], $0x80, $0x38;
	[tilespmem:$0x1C300] =	vst v63  }
0x107: {  	_ =	swait.ge [sflag:s2], $0x80  }
0x108: {  	[sflag:s2] =	ssyncset.done $0x0  }
0x109: {  	[sflag:s2] =	ssyncadd.s32 $0xFFFFFF80  }
0x10a: {  	_ =	swait.ge [sflag:s2], $0x80  }
0x10b: {  	[sflag:s2] =	ssyncset.done $0x0  }
0x10c: {  	[sflag:s2] =	ssyncadd.s32 $0xFFFFFF80  }
0x10d: {  	[tilespmem:s31], [sflag:$0x5] =	stream.indirect.gather [hbm4b:s4+s22], $0x80, s28, s22, $0xb8;
	[tilespmem:$0x1C300] =	vst v63  }
0x10e: {  	_ =	swait.ge [sflag:s0], $0x4000  }
0x10f: {  	[sflag:s0] =	ssyncset.done $0x0  }
0x110: {  	[sflag:s0] =	ssyncadd.s32 $0xFFFFC000  }
0x111: {  	[spmem:s1] =	stream.indirect.scatter.add.f32 [tilespmem:s24], [sflag:$0x6], $0x80, s23, s22, $0xb8;
	[tilespmem:$0x1C300] =	vst v63  }
0x112: {  	_ =	swait.ge [sflag:s25], $0x4000  }
0x113: {  	s17 =	simm.s32 @!p2 $0x80;
	s15 =	rddreg [dreg:$0x4];
	[sflag:s25] =	ssyncset.done $0x0  }
0x114: {  	s16 =	rddreg [dreg:$0x3];
	[sflag:s25] =	ssyncadd.s32 $0xFFFFC000;
	s15 =	sadd.s32 @!p2 s9, s15  }
0x115: {  	[tilespmem:s17], [sflag:$0x2] =	stream.linear.gather @!p2 [hbm4b:s15+s14], $0x80, $0x38;
	[tilespmem:$0x1C300] =	vst v63  }
0x116: {  	s9 =	sadd.s32 @!p2 s9, s16;
	s16 =	simm.s32 @!p2 $0x1;
	s15 =	simm.s32 @!p2 $0x200  }
0x117: {  	[tilespmem:s15], [sflag:$0x2] =	stream.linear.gather @!p2 [hbm4b:s9+s14], $0x80, $0x38;
	[tilespmem:$0x1C300] =	vst v63  }
0x118: {  	_ =	swait.ge @!p2 [sflag:s16], $0x80  }
0x119: {  	[sflag:s16] =	ssyncset.done @!p2 $0x0  }
0x11a: {  	[sflag:s16] =	ssyncadd.s32 @!p2 $0xFFFFFF80  }
0x11b: {  	_ =	swait.ge @!p2 [sflag:s16], $0x80  }
0x11c: {  	s13 =	smov.u32 s12;
	s12 =	sadd.s32 $0x60, s12;
	[sflag:s16] =	ssyncset.done @!p2 $0x0  }
0x11d: {  	s9 =	smov.u32 s13;
	s13 =	simm.s32 @!p2 $0x300;
	[sflag:s16] =	ssyncadd.s32 @!p2 $0xFFFFFF80  }
0x11e: {  	[tilespmem:s13], [sflag:$0x4] =	stream.indirect.gather @!p2 [hbm4b:s4+s17], $0x80, s14, s17, $0xb8;
	[tilespmem:$0x1C300] =	vst v63  }
0x11f: {  	p1 =	sne.s32 s12, $0x4E0;
	_ =	swait.ge [sflag:s7], $0x4000  }
.Ltmp1:
0x120: {  	[sflag:s7] =	ssyncset.done $0x0;
	(pc) =	sbr.rel @p1 .LBB2_4-.Ltmp1, $4  }
0x121: {  	[sflag:s7] =	ssyncadd.s32 $0xFFFFC000  }
0x122: {  	[spmem:s1] =	stream.indirect.scatter.add.f32 [tilespmem:s31], [sflag:$0x6], $0x80, s29, s22, $0xb8;
	[tilespmem:$0x1C300] =	vst v63  }
0x123: {  	_ =	swait.ge [sflag:s25], $0x4000  }
0x124: {  	s14 =	rddreg [dreg:$0xc];
	[sflag:s25] =	ssyncset.done $0x0  }
0x125: {  	s12 =	rddreg [dreg:$0xb];
	[sflag:s25] =	ssyncadd.s32 $0xFFFFC000;
	s13 =	sadd.s32 s9, s14  }
0x126: {  	[tilespmem:s28], [sflag:$0x3] =	stream.linear.gather [hbm4b:s13+s3], $0x80, $0x38;
	[tilespmem:$0x1C300] =	vst v63  }
0x127: {  	s12 =	sadd.s32 s9, s12  }
0x128: {  	[tilespmem:s29], [sflag:$0x3] =	stream.linear.gather [hbm4b:s12+s3], $0x80, $0x38;
	[tilespmem:$0x1C300] =	vst v63  }
0x129: {  	_ =	swait.ge [sflag:s30], $0x80  }
0x12a: {  	[sflag:s30] =	ssyncset.done $0x0  }
0x12b: {  	[sflag:s30] =	ssyncadd.s32 $0xFFFFFF80  }
0x12c: {  	_ =	swait.ge [sflag:s30], $0x80  }
0x12d: {  	[sflag:s30] =	ssyncset.done $0x0  }
0x12e: {  	[sflag:s30] =	ssyncadd.s32 $0xFFFFFF80  }
0x12f: {  	[tilespmem:s31], [sflag:$0x5] =	stream.indirect.gather [hbm4b:s4+s22], $0x80, s22, s22, $0xb8;
	[tilespmem:$0x1C300] =	vst v63  }
0x130: {  	_ =	swait.ge [sflag:s0], $0x4000  }
0x131: {  	[sflag:s0] =	ssyncset.done $0x0  }
0x132: {  	[sflag:s0] =	ssyncadd.s32 $0xFFFFC000  }
0x133: {  	[spmem:s1] =	stream.indirect.scatter.add.f32 [tilespmem:s24], [sflag:$0x6], $0x80, s21, s22, $0xb8;
	[tilespmem:$0x1C300] =	vst v63  }
0x134: {  	_ =	swait.ge [sflag:s25], $0x4000  }
0x135: {  	s13 =	rddreg [dreg:$0xa];
	[sflag:s25] =	ssyncset.done $0x0  }
0x136: {  	s14 =	rddreg [dreg:$0x9];
	[sflag:s25] =	ssyncadd.s32 $0xFFFFC000;
	s12 =	sadd.s32 s9, s13  }
0x137: {  	[tilespmem:s3], [sflag:$0x1] =	stream.linear.gather [hbm4b:s12+s3], $0x80, $0x38;
	[tilespmem:$0x1C300] =	vst v63  }
0x138: {  	s15 =	sadd.s32 s9, s14  }
0x139: {  	[tilespmem:s21], [sflag:$0x1] =	stream.linear.gather [hbm4b:s15+s3], $0x80, $0x38;
	[tilespmem:$0x1C300] =	vst v63  }
0x13a: {  	_ =	swait.ge [sflag:s2], $0x80  }
0x13b: {  	[sflag:s2] =	ssyncset.done $0x0  }
0x13c: {  	[sflag:s2] =	ssyncadd.s32 $0xFFFFFF80  }
0x13d: {  	_ =	swait.ge [sflag:s2], $0x80  }
0x13e: {  	[sflag:s2] =	ssyncset.done $0x0  }
0x13f: {  	[sflag:s2] =	ssyncadd.s32 $0xFFFFFF80  }
0x140: {  	[tilespmem:s24], [sflag:$0x4] =	stream.indirect.gather [hbm4b:s4+s22], $0x80, s28, s22, $0xb8;
	[tilespmem:$0x1C300] =	vst v63  }
0x141: {  	_ =	swait.ge [sflag:s7], $0x4000  }
0x142: {  	[sflag:s7] =	ssyncset.done $0x0  }
0x143: {  	[sflag:s7] =	ssyncadd.s32 $0xFFFFC000  }
0x144: {  	[spmem:s1] =	stream.indirect.scatter.add.f32 [tilespmem:s31], [sflag:$0x6], $0x80, s23, s22, $0xb8;
	[tilespmem:$0x1C300] =	vst v63  }
0x145: {  	_ =	swait.ge [sflag:s25], $0x4000  }
0x146: {  	s16 =	rddreg [dreg:$0x8];
	[sflag:s25] =	ssyncset.done $0x0  }
0x147: {  	s17 =	rddreg [dreg:$0x7];
	[sflag:s25] =	ssyncadd.s32 $0xFFFFC000;
	s12 =	sadd.s32 s9, s16  }
0x148: {  	[tilespmem:s22], [sflag:$0x2] =	stream.linear.gather [hbm4b:s12+s3], $0x80, $0x38;
	[tilespmem:$0x1C300] =	vst v63  }
0x149: {  	s13 =	sadd.s32 s9, s17  }
0x14a: {  	[tilespmem:s23], [sflag:$0x2] =	stream.linear.gather [hbm4b:s13+s3], $0x80, $0x38;
	[tilespmem:$0x1C300] =	vst v63  }
0x14b: {  	_ =	swait.ge [sflag:s26], $0x80  }
0x14c: {  	[sflag:s26] =	ssyncset.done $0x0  }
0x14d: {  	[sflag:s26] =	ssyncadd.s32 $0xFFFFFF80  }
0x14e: {  	_ =	swait.ge [sflag:s26], $0x80  }
0x14f: {  	[sflag:s26] =	ssyncset.done $0x0  }
0x150: {  	[sflag:s26] =	ssyncadd.s32 $0xFFFFFF80  }
0x151: {  	[tilespmem:s31], [sflag:$0x5] =	stream.indirect.gather [hbm4b:s4+s22], $0x80, s3, s22, $0xb8;
	[tilespmem:$0x1C300] =	vst v63  }
0x152: {  	_ =	swait.ge [sflag:s0], $0x4000  }
0x153: {  	[sflag:s0] =	ssyncset.done $0x0  }
0x154: {  	[sflag:s0] =	ssyncadd.s32 $0xFFFFC000  }
0x155: {  	[spmem:s1] =	stream.indirect.scatter.add.f32 [tilespmem:s24], [sflag:$0x6], $0x80, s29, s22, $0xb8;
	[tilespmem:$0x1C300] =	vst v63  }
0x156: {  	_ =	swait.ge [sflag:s25], $0x4000  }
0x157: {  	s14 =	rddreg [dreg:$0x6];
	[sflag:s25] =	ssyncset.done $0x0  }
0x158: {  	s15 =	rddreg [dreg:$0x5];
	[sflag:s25] =	ssyncadd.s32 $0xFFFFC000;
	s12 =	sadd.s32 s9, s14  }
0x159: {  	[tilespmem:s28], [sflag:$0x3] =	stream.linear.gather [hbm4b:s12+s3], $0x80, $0x38;
	[tilespmem:$0x1C300] =	vst v63  }
0x15a: {  	s16 =	sadd.s32 s9, s15  }
0x15b: {  	[tilespmem:s29], [sflag:$0x3] =	stream.linear.gather [hbm4b:s16+s3], $0x80, $0x38;
	[tilespmem:$0x1C300] =	vst v63  }
0x15c: {  	_ =	swait.ge [sflag:s30], $0x80  }
0x15d: {  	[sflag:s30] =	ssyncset.done $0x0  }
0x15e: {  	[sflag:s30] =	ssyncadd.s32 $0xFFFFFF80  }
0x15f: {  	_ =	swait.ge [sflag:s30], $0x80  }
0x160: {  	[sflag:s30] =	ssyncset.done $0x0  }
0x161: {  	[sflag:s30] =	ssyncadd.s32 $0xFFFFFF80  }
0x162: {  	[tilespmem:s24], [sflag:$0x4] =	stream.indirect.gather [hbm4b:s4+s22], $0x80, s22, s22, $0xb8;
	[tilespmem:$0x1C300] =	vst v63  }
0x163: {  	_ =	swait.ge [sflag:s7], $0x4000  }
0x164: {  	[sflag:s7] =	ssyncset.done $0x0  }
0x165: {  	[sflag:s7] =	ssyncadd.s32 $0xFFFFC000  }
0x166: {  	[spmem:s1] =	stream.indirect.scatter.add.f32 [tilespmem:s31], [sflag:$0x6], $0x80, s21, s22, $0xb8;
	[tilespmem:$0x1C300] =	vst v63  }
0x167: {  	p1 =	seq.s32 s9, $0x480;
	s12 =	sadd.s32 $0x300, s20;
	_ =	swait.ge [sflag:s25], $0x4000  }
0x168: {  	s12 =	sshrl.u32 @!p1 s12, $0x3;
	[sflag:s25] =	ssyncset.done $0x0  }
0x169: {  	s14 =	simm.s32 @!p1 $0x0;
	s13 =	sadd.s32 @!p1 s5, s12;
	[sflag:s25] =	ssyncadd.s32 $0xFFFFC000  }
0x16a: {  	[tilespmem:s14], [sflag:$0x1] =	stream.linear.gather @!p1 [hbm4b:s13+s14], $0x80, $0x38;
	[tilespmem:$0x1C300] =	vst v63  }
0x16b: {  	s12 =	sadd.s32 @!p1 s6, s12;
	s13 =	simm.s32 @!p1 $0x180  }
0x16c: {  	[tilespmem:s13], [sflag:$0x1] =	stream.linear.gather @!p1 [hbm4b:s12+s14], $0x80, $0x38;
	[tilespmem:$0x1C300] =	vst v63  }
0x16d: {  	_ =	swait.ge [sflag:s2], $0x80  }
0x16e: {  	[sflag:s2] =	ssyncset.done $0x0  }
0x16f: {  	[sflag:s2] =	ssyncadd.s32 $0xFFFFFF80  }
0x170: {  	_ =	swait.ge [sflag:s2], $0x80  }
0x171: {  	[sflag:s2] =	ssyncset.done $0x0  }
0x172: {  	[sflag:s2] =	ssyncadd.s32 $0xFFFFFF80  }
0x173: {  	[tilespmem:s31], [sflag:$0x5] =	stream.indirect.gather [hbm4b:s4+s22], $0x80, s28, s22, $0xb8;
	[tilespmem:$0x1C300] =	vst v63  }
0x174: {  	_ =	swait.ge [sflag:s0], $0x4000  }
0x175: {  	[sflag:s0] =	ssyncset.done $0x0  }
0x176: {  	[sflag:s0] =	ssyncadd.s32 $0xFFFFC000  }
0x177: {  	[spmem:s1] =	stream.indirect.scatter.add.f32 [tilespmem:s24], [sflag:$0x6], $0x80, s23, s22, $0xb8;
	[tilespmem:$0x1C300] =	vst v63  }
0x178: {  	_ =	swait.ge [sflag:s25], $0x4000  }
0x179: {  	s15 =	simm.s32 @!p1 $0x80;
	s12 =	rddreg [dreg:$0x4];
	[sflag:s25] =	ssyncset.done $0x0  }
0x17a: {  	s13 =	rddreg [dreg:$0x3];
	[sflag:s25] =	ssyncadd.s32 $0xFFFFC000;
	s12 =	sadd.s32 @!p1 s9, s12  }
0x17b: {  	[tilespmem:s15], [sflag:$0x2] =	stream.linear.gather @!p1 [hbm4b:s12+s14], $0x80, $0x38;
	[tilespmem:$0x1C300] =	vst v63  }
0x17c: {  	s9 =	sadd.s32 @!p1 s9, s13;
	s13 =	simm.s32 @!p1 $0x1;
	s12 =	simm.s32 @!p1 $0x200  }
0x17d: {  	[tilespmem:s12], [sflag:$0x2] =	stream.linear.gather @!p1 [hbm4b:s9+s14], $0x80, $0x38;
	[tilespmem:$0x1C300] =	vst v63  }
0x17e: {  	_ =	swait.ge @!p1 [sflag:s13], $0x80  }
0x17f: {  	[sflag:s13] =	ssyncset.done @!p1 $0x0  }
0x180: {  	[sflag:s13] =	ssyncadd.s32 @!p1 $0xFFFFFF80  }
0x181: {  	_ =	swait.ge @!p1 [sflag:s13], $0x80  }
0x182: {  	[sflag:s13] =	ssyncset.done @!p1 $0x0  }
0x183: {  	s9 =	simm.s32 @!p1 $0x300;
	[sflag:s13] =	ssyncadd.s32 @!p1 $0xFFFFFF80  }
0x184: {  	[tilespmem:s9], [sflag:$0x4] =	stream.indirect.gather @!p1 [hbm4b:s4+s15], $0x80, s14, s15, $0xb8;
	[tilespmem:$0x1C300] =	vst v63  }
0x185: {  	_ =	swait.ge [sflag:s7], $0x4000  }
0x186: {  	[sflag:s7] =	ssyncset.done $0x0  }
0x187: {  	[sflag:s7] =	ssyncadd.s32 $0xFFFFC000  }
0x188: {  	[spmem:s1] =	stream.indirect.scatter.add.f32 [tilespmem:s31], [sflag:$0x6], $0x80, s29, s22, $0xb8;
	[tilespmem:$0x1C300] =	vst v63  }
0x189: {  	_ =	swait.ge [sflag:s25], $0x4000  }
0x18a: {  	[sflag:s25] =	ssyncset.done $0x0  }
0x18b: {  	s9 =	simm.s32 @!p0 $0x0;
	s12 =	rddreg [dreg:$0x15];
	[sflag:s25] =	ssyncadd.s32 $0xFFFFC000  }
0x18c: {  	[tilespmem:s9], [sflag:$0x6] =	stream.linear.gather @!p0 [hbm4b:s12+s9], $0x80, $0x38;
	[tilespmem:$0x1C300] =	vst v63  }
0x18d: {  	s12 =	simm.s32 @!p0 $0x6  }
0x18e: {  	_ =	swait.ge @!p0 [sflag:s12], $0x80  }
0x18f: {  	s13 =	simm.s32 @!p0 $0x80;
	[sflag:s12] =	ssyncset.done @!p0 $0x0  }
0x190: {  	s14 =	simm.s32 @!p0 $0x300;
	s15 =	simm.s32 @!p0 $0x4;
	[sflag:s12] =	ssyncadd.s32 @!p0 $0xFFFFFF80  }
0x191: {  	[tilespmem:s14], [sflag:$0x4] =	stream.indirect.gather @!p0 [hbm4b:s4+s13], $0x80, s9, s13, $0xb8;
	[tilespmem:$0x1C300] =	vst v63  }
0x192: {  	_ =	swait.ge @!p0 [sflag:s15], $0x4000  }
0x193: {  	[sflag:s15] =	ssyncset.done @!p0 $0x0  }
0x194: {  	s16 =	rddreg [dreg:$0x16];
	[sflag:s15] =	ssyncadd.s32 @!p0 $0xFFFFC000;
	s15 =	simm.s32 @!p0 $0x180  }
0x195: {  	[tilespmem:s15], [sflag:$0x6] =	stream.linear.gather @!p0 [hbm4b:s16+s9], $0x80, $0x38;
	[tilespmem:$0x1C300] =	vst v63  }
0x196: {  	_ =	swait.ge @!p0 [sflag:s12], $0x80  }
0x197: {  	[sflag:s12] =	ssyncset.done @!p0 $0x0  }
0x198: {  	[sflag:s12] =	ssyncadd.s32 @!p0 $0xFFFFFF80  }
0x199: {  	[spmem:s1] =	stream.indirect.scatter.add.f32 @!p0 [tilespmem:s14], [sflag:$0x6], $0x80, s15, s13, $0xb8;
	[tilespmem:$0x1C300] =	vst v63  }
0x19a: {  	s8 =	sadd.s32 $0x1, s8;
	_ =	swait.ge @!p0 [sflag:s12], $0x4000  }
0x19b: {  	s17 =	stileid.u32;
	s20 =	sshrl.u32 s11, $0x3;
	[sflag:s12] =	ssyncset.done @!p0 $0x0  }
0x19c: {  	p1 =	sne.s32 s8, s19;
	s9 =	sshll.u32 s17, $0x6;
	[sflag:s12] =	ssyncadd.s32 @!p0 $0xFFFFC000  }
.Ltmp2:
0x19d: {  	s9 =	sor.u32 $0x1C06, s9;
	[bflag:$0x0] =	sbarrier.arrive $0xFFFF;
	(pc) =	sbr.rel @p1 .LBB2_1-.Ltmp2, $4  }
0x19e: {  	[hbm:s18], [sflag:s9] =	dma.local [spmem:s20], $0x2800  }
0x19f: {  	_ =	swait.ge [sflag:s25], $0x2800  }
0x1a0: {  	[sflag:s25] =	ssyncset.done $0x0  }
0x1a1: {  	[sflag:s25] =	ssyncadd.s32 $0xFFFFD800  }
0x1a2: {  	_ =	sfence.sel $0x180000  }
0x1a3: {  	[bflag:$0x0] =	sbarrier.arrive $0xFFFF  }
0x1a4: {  	_ =	strace $0x9000004D  }
0x1a5: {  	s0 =	stileid.u32;
	[bflag:$0x2] =	sbarrier.arrive $0xFFFF  }
0x1a6: {  	p0 =	sne.s32 s0, $0x0;
	s0 =	rddreg [dreg:$0x2]  }
0x1a7: {  	s0 =	sadd.s32 @!p0 $0x100000, s0  }
0x1a8: {  	[sflag:s0] =	ssyncadd.tile.s32 @!p0 $0x1;
	_ =	shalt  }
.Lfunc_end2:
_tile_overlayer_lowered:
.L_overlay_start_2:
0x1a9: {  	(tag) =	ssettag $0x2  }
0x1aa: {  	s0 =	rddreg [dreg:$0x0];
	s2 =	stileid.u32  }
0x1ab: {  	s1 =	rddreg [dreg:$0x1];
	p0 =	sne.s32 s2, $0x0  }
0x1ac: {  	s3 =	rddreg [dreg:$0x2];
	[bflag:$0x3] =	sbarrier.arrive $0xFFFF;
	s2 =	simm.s32 @!p0 $0x1C06  }
0x1ad: {  	[timem:s3], [sflag:s2] =	dma.local @!p0 [hbm:s0], s1  }
0x1ae: {  	s0 =	simm.s32 @!p0 $0x6  }
0x1af: {  	_ =	swait.ge @!p0 [sflag:s0], s1  }
0x1b0: {  	s1 =	ssub.s32 @!p0 $0x0, s1;
	[sflag:s0] =	ssyncset.done @!p0 $0x0  }
0x1b1: {  	[sflag:s0] =	ssyncadd.s32 @!p0 s1  }
0x1b2: {  	[bflag:$0x3] =	sbarrier.arrive $0xFFFF  }
0x1b3: {  	_ =	shalt  }

// kernel: kernel.8.cloned.1.call-start
scs
__scs_entry_jumppad:
0x0: {  	(pc) =	sbr.rel $0x88, $3  }
0x1: {  	(tag) =	ssettag $0x0;
	lr =	simm.s32 $0x1  }
0x2: {  	[smem:$0x3F97] =	sst lr;
	_ =	strace $0xD0000000  }
0x3: {  	_ = 	snop  }
0x4: {  	_ = 	snop  }
0x5: {  	_ = 	snop  }
0x6: {  	_ = 	snop  }
0x7: {  	_ = 	snop  }
__scs_overlays_trampoline_lowered:
0x8: {  	[smem:$0x3FA6] =	sst s0  }
0x9: {  	[smem:$0x3FA7] =	sst s1  }
0xa: {  	[smem:$0x3FA8] =	sst s2  }
0xb: {  	[smem:$0x3FA9] =	sst s3  }
0xc: {  	[smem:$0x3FAA] =	sst s4  }
0xd: {  	[smem:$0x3FAB] =	sst s5  }
0xe: {  	[smem:$0x3FAC] =	sst s6  }
0xf: {  	[smem:$0x3FAD] =	sst s7  }
0x10: {  	[smem:$0x3FAE] =	sst s8  }
0x11: {  	[smem:$0x3FAF] =	sst s9;
	s0 =	simm.s32 @!p0 $0x0  }
0x12: {  	s1 =	sld [smem:$0x3F95];
	s0 =	simm.s32 @p0 $0x1  }
0x13: {  	[smem:$0x3FB0] =	sst s0;
	s0 =	simm.s32 @!p1 $0x0  }
0x14: {  	s2 =	sld [smem:$0x3F94];
	s0 =	simm.s32 @p1 $0x1  }
0x15: {  	[smem:$0x3FB1] =	sst s0;
	s0 =	simm.s32 @!p2 $0x0  }
0x16: {  	s3 =	sld [smem:$0x3FDB];
	s0 =	simm.s32 @p2 $0x1  }
0x17: {  	s4 =	simm.s32 $0x1BF5;
	[smem:$0x3FB3] =	sst s0  }
0x18: {  	s0 =	sld [smem:$0x3F96];
	_ =	swait.ge [sflag:s4], $0x0  }
0x19: {  	s7 =	sld [smem:$0x3F97]  }
0x1a: {  	s8 =	sadd.s32 $0xFFFFE003, lr  }
0x1b: {  	s9 =	sadd.s32 $0xFFFFFEF7, lr;
	s5 =	simm.s32 $0xFFFFFFFF;
	p2 =	slt.u32 s8, $0xFFFFF086  }
0x1c: {  	p1 =	slt.u32 s9, $0xF7A;
	s5 =	simm.s32 @!p2 $0x0  }
0x1d: {  	s5 =	simm.s32 @p1 $0x1;
	p0 =	seq.s32 s7, s2  }
0x1e: {  	s7 =	smul.u32 @!p0 $0xF7A, s2;
	p2 =	seq.s32 @!p0 s5, $0x0  }
0x1f: {  	s9 =	smul.u32 $0xF7A, s1;
	s8 =	simm.s32 @!p0 $0x1BF5;
	p2 =	por !p2, p0  }
0x20: {  	[sflag:s8] =	ssyncset.s32 @!p0 $0xFFFFF086;
	s6 =	sadd.s32 @!p0 s3, s7;
	s7 =	simm.s32 @!p0 $0x108  }
0x21: {  	s3 =	sadd.s32 s3, s9;
	s6 =	sadd.s32 @!p0 $0x88, s6;
	s7 =	simm.s32 @p2 $0x1082  }
0x22: {  	[simem:s7], [sflag:s8] =	dma.local @!p0 [hbm:s6], $0xF7A  }
0x23: {  	s9 =	sor.u32 $0xD0000000, s2;
	s6 =	simm.s32 $0x108;
	_ =	swait.ge @!p0 [sflag:s8], $0x0  }
0x24: {  	s3 =	sadd.s32 $0x88, s3;
	s6 =	simm.s32 @!p1 $0x1082;
	[sflag:s4] =	ssyncset.s32 $0xFFFFF086  }
0x25: {  	[simem:s6], [sflag:s4] =	dma.local [hbm:s3], $0xF7A  }
0x26: {  	[smem:$0x3F97] =	sst s1;
	(tag) =	ssettag s2;
	_ =	strace s9  }
0x27: {  	s1 =	sld [smem:$0x3FA7]  }
0x28: {  	s2 =	sld [smem:$0x3FA8]  }
0x29: {  	s4 =	sld [smem:$0x3FAA]  }
0x2a: {  	p0 =	seq.s32 s5, $0x0;
	s5 =	sld [smem:$0x3FAB]  }
0x2b: {  	s6 =	sld [smem:$0x3FAC]  }
0x2c: {  	s7 =	sld [smem:$0x3FAD]  }
0x2d: {  	s3 =	simm.s32 $0x108;
	s8 =	sld [smem:$0x3FAE]  }
0x2e: {  	s3 =	simm.s32 @!p0 $0x1082;
	s9 =	sld [smem:$0x3FAF]  }
0x2f: {  	lr =	sadd.s32 s0, s3;
	s0 =	sld [smem:$0x3FA6]  }
0x30: {  	s3 =	sld [smem:$0x3FA9]  }
0x31: {  	[smem:$0x3FB2] =	sst s10  }
0x32: {  	s10 =	sld [smem:$0x3FB0];
	_ =	sdelay $0x3  }
0x33: {  	p0 =	seq.s32 s10, $0x1;
	s10 =	sld [smem:$0x3FB2];
	_ =	sdelay $0x3  }
0x34: {  	[smem:$0x3FB2] =	sst s10  }
0x35: {  	s10 =	sld [smem:$0x3FB1];
	_ =	sdelay $0x3  }
0x36: {  	p1 =	seq.s32 s10, $0x1;
	s10 =	sld [smem:$0x3FB2];
	_ =	sdelay $0x3  }
0x37: {  	[smem:$0x3FB2] =	sst s10  }
0x38: {  	s10 =	sld [smem:$0x3FB3]  }
0x39: {  	_ = 	snop;
	(pc) =	sbr.ind lr, $3  }
0x3a: {  	_ = 	snop  }
0x3b: {  	_ = 	snop  }
0x3c: {  	p2 =	seq.s32 s10, $0x1;
	s10 =	sld [smem:$0x3FB2]  }
0x3d: {  	_ =	shalt  }
0x3e: {  	_ =	shalt  }
0x3f: {  	_ =	shalt  }
0x40: {  	_ =	shalt  }
0x41: {  	_ =	shalt  }
0x42: {  	_ =	shalt  }
0x43: {  	_ =	shalt  }
0x44: {  	_ =	shalt  }
0x45: {  	_ =	shalt  }
0x46: {  	_ =	shalt  }
0x47: {  	_ =	shalt  }
0x48: {  	_ =	shalt  }
0x49: {  	_ =	shalt  }
0x4a: {  	_ =	shalt  }
0x4b: {  	_ =	shalt  }
0x4c: {  	_ =	shalt  }
0x4d: {  	_ =	shalt  }
0x4e: {  	_ =	shalt  }
0x4f: {  	_ =	shalt  }
0x50: {  	_ =	shalt  }
0x51: {  	_ =	shalt  }
0x52: {  	_ =	shalt  }
0x53: {  	_ =	shalt  }
0x54: {  	_ =	shalt  }
0x55: {  	_ =	shalt  }
0x56: {  	_ =	shalt  }
0x57: {  	_ =	shalt  }
0x58: {  	_ =	shalt  }
0x59: {  	_ =	shalt  }
0x5a: {  	_ =	shalt  }
0x5b: {  	_ =	shalt  }
0x5c: {  	_ =	shalt  }
0x5d: {  	_ =	shalt  }
0x5e: {  	_ =	shalt  }
0x5f: {  	_ =	shalt  }
0x60: {  	_ =	shalt  }
0x61: {  	_ =	shalt  }
0x62: {  	_ =	shalt  }
0x63: {  	_ =	shalt  }
0x64: {  	_ =	shalt  }
0x65: {  	_ =	shalt  }
0x66: {  	_ =	shalt  }
0x67: {  	_ =	shalt  }
0x68: {  	_ =	shalt  }
0x69: {  	_ =	shalt  }
0x6a: {  	_ =	shalt  }
0x6b: {  	_ =	shalt  }
0x6c: {  	_ =	shalt  }
0x6d: {  	_ =	shalt  }
0x6e: {  	_ =	shalt  }
0x6f: {  	_ =	shalt  }
0x70: {  	_ =	shalt  }
0x71: {  	_ =	shalt  }
0x72: {  	_ =	shalt  }
0x73: {  	_ =	shalt  }
0x74: {  	_ =	shalt  }
0x75: {  	_ =	shalt  }
0x76: {  	_ =	shalt  }
0x77: {  	_ =	shalt  }
0x78: {  	_ =	shalt  }
0x79: {  	_ =	shalt  }
0x7a: {  	_ =	shalt  }
0x7b: {  	_ =	shalt  }
0x7c: {  	_ =	shalt  }
0x7d: {  	_ =	shalt  }
0x7e: {  	_ =	shalt  }
0x7f: {  	_ =	shalt  }
0x80: {  	_ =	shalt  }
0x81: {  	_ =	shalt  }
0x82: {  	_ =	shalt  }
0x83: {  	_ =	shalt  }
0x84: {  	_ =	shalt  }
0x85: {  	_ =	shalt  }
0x86: {  	_ =	shalt  }
0x87: {  	_ =	shalt  }
.Lfunc_end0:
.L_simem_size_0:
called_computation_lowered:
.L_overlay_start_0:
0x88: {  	s2 =	sld [smem:$0x3FD9]  }
0x89: {  	s3 =	sld [smem:$0x3FFE];
	_ =	sdelay $0x1  }
0x8a: {  	s1 =	srdreg.scid  }
0x8b: {  	s0 =	sand.u32 $0x1, s1  }
0x8c: {  	s14 =	sshll.u32 s0, $0xA;
	s2 =	sadd.s32 s3, s2  }
0x8d: {  	s2 =	sadd.s32 s2, s14  }
0x8e: {  	[smem:$0x3FBE] =	sst s2  }
0x8f: {  	_ = 	snop  }
0x90: {  	s2 =	sld [smem:$0x3FD0];
	_ =	sdelay $0x2  }
0x91: {  	s15 =	simm.s32 $0xA;
	s4 =	simm.s32 $0x10  }
0x92: {  	[smem:s4], [sflag:s15] =	dma.local [hbm:s2], $0x1  }
0x93: {  	_ =	swait.eq [sflag:s15], $0x1  }
0x94: {  	[sflag:s15] =	ssyncset.done $0x0  }
0x95: {  	[sflag:s15] =	ssyncadd.s32 $0xFFFFFFFF  }
0x96: {  	s16 =	sld [smem:$0x10];
	(tm) =	ssettm $0x1  }
0x97: {  	s17 =	sld [smem:$0x3FFB];
	_ =	sdelay $0x3  }
0x98: {  	_ =	strace s17  }
0x99: {  	s3 =	sld [smem:$0x3FFC];
	_ =	sdelay $0x3  }
0x9a: {  	_ =	strace s3  }
0x9b: {  	s3 =	sld [smem:$0x3FFD];
	_ =	sdelay $0x3  }
0x9c: {  	_ =	strace s3  }
0x9d: {  	_ =	strace $0x8FFFFFFF  }
0x9e: {  	s18 =	sld [smem:$0x3FDB];
	_ =	sdelay $0x1  }
0x9f: {  	s19 =	simm.s32 $_scs_section_size  }
0xa0: {  	s5 =	simm.s32 $_size__tile_overlayer_lowered;
	s6 =	simm.s32 $_tile_overlayer_lowered  }
0xa1: {  	s22 =	simm.s32 $0x1BFF;
	s21 =	sshll.u32 s6, $0x1;
	s3 =	sadd.s32 s19, s18  }
0xa2: {  	s7 =	simm.s32 $0x0;
	s20 =	sshll.u32 s5, $0x1;
	s5 =	sadd.s32 s21, s3  }
0xa3: {  	[timem:s7], [sflag:s22] =	dma.local [hbm:s5], s20  }
0xa4: {  	_ =	swait.ge [sflag:s22], s20  }
0xa5: {  	s4 =	ssub.s32 $0x0, s20;
	[sflag:s22] =	ssyncset.done $0x0  }
0xa6: {  	[sflag:s22] =	ssyncadd.s32 s4;
	_ =	sdelay $0x1  }
0xa7: {  	s23 =	simm.s32 $0x1B8B  }
0xa8: {  	_ =	swait.ge [sflag:s23], $0x1  }
0xa9: {  	[sflag:s23] =	ssyncset.done $0x0  }
0xaa: {  	s25 =	simm.s32 $0x1B8E;
	s24 =	sld [smem:$0x3FFE];
	[sflag:s23] =	ssyncadd.s32 $0xFFFFFFFF  }
0xab: {  	s26 =	simm.s32 $execute0_lowered;
	[smem:$0x3FD2] =	sst s25  }
0xac: {  	s5 =	sshll.u32 s26, $0x1;
	_ =	strace $0x80000046;
	[dreg:$0x1] =	wrdreg $0xFFFFFFFF  }
0xad: {  	s28 =	simm.s32 $_size_execute0_lowered;
	s3 =	sadd.s32 s3, s5;
	[dreg:$0x0] =	wrdreg $0x0  }
0xae: {  	s5 =	sshll.u32 s28, $0x1;
	[dreg:$0x2] =	wrdreg s3  }
0xaf: {  	[dreg:$0x3] =	wrdreg s5  }
0xb0: {  	[dreg:$0x4] =	wrdreg $0xC0  }
0xb1: {  	_ =	task [dreg:s7], $0x5FFFF  }
0xb2: {  	[dreg:$0x1] =	wrdreg $0xFFFFFFFF  }
0xb3: {  	[dreg:$0x0] =	wrdreg $0x60  }
0xb4: {  	[dreg:$0x2] =	wrdreg s24  }
0xb5: {  	[dreg:$0x3] =	wrdreg s16  }
0xb6: {  	[dreg:$0x4] =	wrdreg $0x9  }
0xb7: {  	_ =	task.clear_ibuf [dreg:s7], $0x5FFFF;
	_ =	strace $0x90000046  }
0xb8: {  	s29 =	simm.s32 $0x9;
	_ =	strace $0x80000048  }
0xb9: {  	_ =	swait.ge [sflag:s29], $0x1  }
0xba: {  	[sflag:s29] =	ssyncadd.s32 $0xFFFFFFFF  }
0xbb: {  	_ =	strace $0x90000048  }
0xbc: {  	_ =	sfence  }
0xbd: {  	s30 =	sld [smem:$0x0];
	_ =	sdelay $0x2  }
0xbe: {  	s31 =	sshll.u32 s1, $0xD;
	s1 =	sshrl.u32 s1, $0x2  }
0xbf: {  	s3 =	sand.u32 $0x4000, s31;
	s1 =	sadd.s32 s1, s30  }
0xc0: {  	s0 =	sor.u32 s3, s0;
	s1 =	sshll.u32 s1, $0x11  }
0xc1: {  	s0 =	sor.u32 s1, s0  }
0xc2: {  	s0 =	sadd.s32 $0x8F2B, s0  }
0xc3: {  	[sflag:s0] =	ssyncadd.remote.s32 $0x1  }
0xc4: {  	_ =	sfence.sel $0xFFFF  }
0xc5: {  	[dreg:$0x0] =	wrdreg $0xFFFFFFFF;
	(pc) =	sbr.abs _section_cstart, $3  }
0xc6: {  	[dreg:$0x1] =	wrdreg $0xFFFFFFFF  }
0xc7: {  	_ =	task.clear_ibuf [dreg:s7], $0x2FFFF;
	_ =	strace $0x9FFFFFFF  }
0xc8: {  	(tm) =	ssettm $0x7FFFFFFF  }
0xc9: {  	_ =	shalt  }
tec
execute0_lowered:
.L_overlay_start_1:
0x0: {  	(tag) =	ssettag $0x1  }
0x1: {  	s3 =	rddreg [dreg:$0x0];
	s1 =	srdreg.scid  }
0x2: {  	s0 =	stileid.u32;
	s4 =	rddreg [dreg:$0x1];
	s9 =	simm.s32 $0x400  }
0x3: {  	s5 =	sand.u32 $0x1, s1;
	s2 =	sshll.u32 s0, $0x1;
	s8 =	sshrl.u32 s0, $0x2  }
0x4: {  	s1 =	rddreg [dreg:$0x2];
	s6 =	sor.u32 s5, s2;
	s8 =	smul.u32 $0x14000, s8  }
0x5: {  	s2 =	simm.s32 $0x0;
	s5 =	ssub.s32 $0x2, s5;
	s7 =	smul.u32 $0x4E2, s6  }
0x6: {  	[smem:$0x7FF] =	sst s2;
	s6 =	sshll.u32 s6, $0x7;
	s31 =	sshrl.u32 s5, $0x1  }
0x7: {  	_ =	strace $0x80000047;
	s6 =	sand.u32 $0x380, s6;
	s5 =	ssub.s32 s5, s31  }
0x8: {  	s3 =	sadd.s32 s7, s3;
	s6 =	sor.u32 s8, s6;
	s5 =	smax.u32 s5, $0x1  }
0x9: {  	s7 =	simm.s32 $0x2780;
	s8 =	simm.s32 $0x80;
	s6 =	sshrl.u32 s6, $0x3  }
0xa: {  	v0 =	vimm.f32 $0.0e+00;
	v1 =	vimm.f32 $1.000000000e+00;
	s3 =	sadd.s32 $0xD600, s3;
	s4 =	sadd.s32 s4, s6;
	s6 =	simm.s32 $0x1  }
.LBB2_1:
0xb: {  	s10 =	simm.s32 $0x40;
	s11 =	simm.s32 $0x0  }
.LBB2_2:
0xc: {  	p0 =	sne.s32 s10, $0x9FC0;
	[tilespmem:s11+$0x2780] =	vst v0;
	s11 =	smov.u32 s10;
	s10 =	sadd.s32 $0x40, s10  }
.Ltmp0:
0xd: {  	(pc) =	sbr.rel @p0 .LBB2_2-.Ltmp0, $2  }
0xe: {  	_ =	sdelay $0x2  }
0xf: {  	s11 =	sshra.s32 s11, $0x2  }
0x10: {  	[tilespmem:s11+$0x2780] =	vst v0;
	s10 =	simm.s32 $0x0  }
0x11: {  	[tilespmem:s10], [sflag:$0x1] =	stream.linear.gather [hbm4b:s3+s10], $0x2710, $0x38;
	[tilespmem:$0x4F80] =	vst v63  }
0x12: {  	_ =	swait.ge [sflag:s6], $0x2710  }
0x13: {  	[sflag:s6] =	ssyncset.done $0x0  }
0x14: {  	s11 =	simm.s32 $0x0;
	s10 =	simm.s32 $0x40;
	[sflag:s6] =	ssyncadd.s32 $0xFFFFD8F0  }
.LBB2_4:
0x15: {  	p0 =	sne.s32 s10, $0x9C00;
	v2 =	vld [tilespmem:s11+$0x0];
	_ =	sdelay $0x3  }
.Ltmp1:
0x16: {  	(pc) =	sbr.rel @p0 .LBB2_4-.Ltmp1, $2  }
0x17: {  	_ =	sdelay $0x2  }
0x18: {  	s11 =	sshra.s32 s10, $0x2;
	s10 =	sadd.s32 $0x40, s10;
	[tilespmem:v2+s7+$0x0] =	vst.idx.add.f32.msk $0xffff, v1  }
0x19: {  	v2 =	vld [tilespmem:s11+$0x0];
	_ =	sdelay $0x5  }
0x1a: {  	s2 =	sadd.s32 $0x1, s2  }
0x1b: {  	p0 =	sne.s32 s2, s5  }
.Ltmp2:
0x1c: {  	[tilespmem:v2+s7+$0x0] =	vst.idx.add.f32.msk $0xffff, v1;
	(pc) =	sbr.rel @p0 .LBB2_1-.Ltmp2, $4  }
0x1d: {  	[hbm4b:s4+s8] =	stream.strided.scatter [tilespmem:s7], [sflag:$0x1], $0x2800, s9, s8, $0x38;
	[tilespmem:$0x4F80] =	vst v63  }
0x1e: {  	_ =	swait.ge [sflag:s6], $0x2800  }
0x1f: {  	[sflag:s6] =	ssyncset.done $0x0  }
0x20: {  	[sflag:s6] =	ssyncadd.s32 $0xFFFFD800  }
0x21: {  	_ =	sfence.sel $0x180000  }
0x22: {  	[bflag:$0x0] =	sbarrier.arrive $0xFFFF  }
0x23: {  	p0 =	sne.s32 s0, $0x0;
	_ =	strace $0x90000047  }
0x24: {  	s0 =	sadd.s32 @!p0 $0x100000, s1;
	[bflag:$0x2] =	sbarrier.arrive $0xFFFF  }
0x25: {  	[sflag:s0] =	ssyncadd.tile.s32 @!p0 $0x1;
	_ =	shalt  }
.Lfunc_end2:
_tile_overlayer_lowered:
.L_overlay_start_2:
0x26: {  	(tag) =	ssettag $0x2  }
0x27: {  	s0 =	rddreg [dreg:$0x0];
	s2 =	stileid.u32  }
0x28: {  	s1 =	rddreg [dreg:$0x1];
	p0 =	sne.s32 s2, $0x0  }
0x29: {  	s3 =	rddreg [dreg:$0x2];
	[bflag:$0x3] =	sbarrier.arrive $0xFFFF;
	s2 =	simm.s32 @!p0 $0x1C01  }
0x2a: {  	[timem:s3], [sflag:s2] =	dma.local @!p0 [hbm:s0], s1  }
0x2b: {  	s0 =	simm.s32 @!p0 $0x1  }
0x2c: {  	_ =	swait.ge @!p0 [sflag:s0], s1  }
0x2d: {  	s1 =	ssub.s32 @!p0 $0x0, s1;
	[sflag:s0] =	ssyncset.done @!p0 $0x0  }
0x2e: {  	[sflag:s0] =	ssyncadd.s32 @!p0 s1  }
0x2f: {  	[bflag:$0x3] =	sbarrier.arrive $0xFFFF  }
0x30: {  	_ =	shalt  }

</sc_bundles>
